<compile_context>
chip_gen: v7x
topology: tpu7x:2x2x1
jax: 0.10.2.dev20260603
libtpu: 0.0.44.dev20260713+nightly
codegen_flags: <defaults>
</compile_context>

<pallas_src>
import functools

import jax
import jax.numpy as jnp
from jax import lax
from jax.experimental import pallas as pl
from jax.experimental.pallas import tpu as pltpu
from jax.experimental.pallas import tpu_sc as plsc

BATCH = 16384
HIST = 50
EMBED_DIM = 64
VOCAB = 1000

K = 4
CPB = 8


def _build():
    info = plsc.get_sparse_core_info()
    nw = info.num_cores * info.num_subcores
    b_per_w = BATCH // nw
    n_chunks = b_per_w // K
    n_bodies = n_chunks // CPB
    assert b_per_w % K == 0 and n_chunks % CPB == 0

    mesh = plsc.VectorSubcoreMesh(core_axis_name="c", subcore_axis_name="s")

    @functools.partial(
        pl.kernel,
        mesh=mesh,
        out_type=jax.ShapeDtypeStruct((BATCH, HIST, EMBED_DIM), jnp.float32),
        scratch_types=[
            pltpu.VMEM((CPB, K, HIST), jnp.int32),
            pltpu.VMEM((2, K, HIST, EMBED_DIM), jnp.float32),
            [pltpu.SemaphoreType.DMA] * CPB,
            [pltpu.SemaphoreType.DMA] * 2,
            [pltpu.SemaphoreType.DMA] * 2,
        ],
        compiler_params=pltpu.CompilerParams(use_tc_tiling_on_sc=False),
    )
    def kern(idx_hbm, table_hbm, out_hbm, idx_v, rows_v, isems, gsems, osems):
        wid = lax.axis_index("s") * info.num_cores + lax.axis_index("c")
        b0 = wid * b_per_w

        def body(r, carry):
            base = b0 + r * (CPB * K)

            idx_cp = [
                pltpu.async_copy(
                    idx_hbm.at[pl.ds(base + j * K, K)], idx_v.at[j], isems[j]
                )
                for j in range(CPB)
            ]

            def fire_gathers(j, s):
                return [
                    pltpu.async_copy(
                        table_hbm.at[idx_v.at[j].at[q]],
                        rows_v.at[s].at[q],
                        gsems[s],
                    )
                    for q in range(K)
                ]

            def fire_write(j, s):
                return pltpu.async_copy(
                    rows_v.at[s], out_hbm.at[pl.ds(base + j * K, K)], osems[s]
                )

            idx_cp[0].wait()
            g = fire_gathers(0, 0)
            writes = []
            for j in range(CPB):
                s = j % 2
                for c in g:
                    c.wait()
                writes.append(fire_write(j, s))
                if j + 1 < CPB:
                    idx_cp[j + 1].wait()
                    if j >= 1:
                        writes[j - 1].wait()
                    g = fire_gathers(j + 1, 1 - s)
            writes[CPB - 2].wait()
            writes[CPB - 1].wait()
            return carry

        lax.fori_loop(0, n_bodies, body, 0)

    return kern


_kern = _build()


REP = 8


def kernel(indices, table):
    table_rep = jnp.tile(table, (REP, 1))
    off = (jnp.arange(BATCH, dtype=jnp.int32) % REP)[:, None] * VOCAB
    idx_off = indices.astype(jnp.int32) + off
    return _kern(idx_off, table_rep)

# --- scband reference (transcript-rebuilt; emitter-appended) ---
"""Pipeline reference for scband-dict-embedding-50525995270368 (READ-ONLY COPY).

The authoritative reference and input builder live on the scoring server;
editing this copy changes nothing except your own understanding.
"""

import jax, jax.numpy as jnp
import numpy as np

VOCAB = 1000
EMBED_DIM = 64
PADDING_IDX = 0  # padding_key='k0' maps to buffer value 0
BATCH = 16384
HIST = 50


def setup_inputs(seed: int = 0) -> dict:
    key = jax.random.key(seed)
    k1, k2 = jax.random.split(key)
    indices = jax.random.randint(k1, (BATCH, HIST), 0, VOCAB)
    # nn.Embedding weight ~ N(0,1); padding_idx row is zero-initialized
    table = jax.random.normal(k2, (VOCAB, EMBED_DIM), dtype=jnp.float32)
    table = table.at[PADDING_IDX].set(0.0)
    return {"indices": indices, "table": table}


def reference(indices, table):
    # DictEmbedding lookup: embedding(indices) == table[indices]
    out = jnp.take(table, indices, axis=0)
    return out

if __name__ == "__main__":
    import jax
    _d = setup_inputs()
    print(jax.jit(kernel)(*tuple(_d.values())))

</pallas_src>

<mosaic_0001>
#map = affine_map<(d0, d1) -> (0, 0)>
#map1 = affine_map<(d0, d1) -> (0, 0, 0)>
module attributes {stable_mosaic.version = 14 : i64} {
  func.func @kern(%arg0: i32, %arg1: i32, %arg2: memref<16384x50xi32, #tpu.memory_space<hbm>>, %arg3: memref<8000x64xf32, #tpu.memory_space<hbm>>, %arg4: memref<16384x50x64xf32, #tpu.memory_space<hbm>>, %arg5: memref<8x4x50xi32, #tpu.memory_space<vmem>>, %arg6: memref<2x4x50x64xf32, #tpu.memory_space<vmem>>, %arg7: memref<!tpu.dma_semaphore, #tpu.memory_space<semaphore_mem>>, %arg8: memref<!tpu.dma_semaphore, #tpu.memory_space<semaphore_mem>>, %arg9: memref<!tpu.dma_semaphore, #tpu.memory_space<semaphore_mem>>, %arg10: memref<!tpu.dma_semaphore, #tpu.memory_space<semaphore_mem>>, %arg11: memref<!tpu.dma_semaphore, #tpu.memory_space<semaphore_mem>>, %arg12: memref<!tpu.dma_semaphore, #tpu.memory_space<semaphore_mem>>, %arg13: memref<!tpu.dma_semaphore, #tpu.memory_space<semaphore_mem>>, %arg14: memref<!tpu.dma_semaphore, #tpu.memory_space<semaphore_mem>>, %arg15: memref<!tpu.dma_semaphore, #tpu.memory_space<semaphore_mem>>, %arg16: memref<!tpu.dma_semaphore, #tpu.memory_space<semaphore_mem>>, %arg17: memref<!tpu.dma_semaphore, #tpu.memory_space<semaphore_mem>>, %arg18: memref<!tpu.dma_semaphore, #tpu.memory_space<semaphore_mem>>) attributes {dimension_semantics = [#tpu.dimension_semantics<core_parallel>, #tpu.dimension_semantics<subcore_parallel>], iteration_bounds = array<i64: 2, 16>, scalar_prefetch = 0 : i64, scratch_operands = 14 : i64, tpu.core_type = #tpu.core_type<sc_vector_subcore>, window_params = [{transform_indices = #map}, {transform_indices = #map}, {transform_indices = #map1}]} {
    %mul3A = arith.constant 2 : i32
    %mul3A_0 = arith.muli %arg1, %mul3A : i32
    %add3A = arith.addi %mul3A_0, %arg0 : i32
    %mul3A_1 = arith.constant 512 : i32
    %mul3A_2 = arith.muli %add3A, %mul3A_1 : i32
    %scan3A = arith.constant 0 : i32
    %scan3A_3 = arith.constant 0 : i32
    %scan3A_4 = arith.constant 16 : i32
    %scan3A_5 = arith.addi %scan3A_3, %scan3A_4 : i32
    %scan3A_6 = arith.constant 1 : i32
    scf.for %scan3A_8 = %scan3A_3 to %scan3A_5 step %scan3A_6  : i32 {
      %mul3A_9 = arith.constant 32 : i32
      %mul3A_10 = arith.muli %scan3A_8, %mul3A_9 : i32
      %add3A_11 = arith.addi %mul3A_2, %mul3A_10 : i32
      %add3A_12 = arith.constant 0 : i32
      %add3A_13 = arith.addi %add3A_11, %add3A_12 : i32
      %dma_start3A = arith.constant 0 : i32
      %dma_start3A_14 = arith.constant 0 : i32
      %dma_start3A_15 = arith.constant 0 : i32
      %dma_start3A_16 = tpu.memref_slice %arg5[%dma_start3A, %dma_start3A_14, %dma_start3A_15] : memref<8x4x50xi32, #tpu.memory_space<vmem>> -> memref<1x4x50xi32, #tpu.memory_space<vmem>>
      %dma_start3A_17 = tpu.memref_squeeze %dma_start3A_16 : memref<1x4x50xi32, #tpu.memory_space<vmem>> -> memref<4x50xi32, #tpu.memory_space<vmem>>
      %dma_start3A_18 = arith.constant 0 : i32
      %dma_start3A_19 = tpu.memref_slice %arg2[%add3A_13, %dma_start3A_18] : memref<16384x50xi32, #tpu.memory_space<hbm>> -> memref<4x50xi32, #tpu.memory_space<hbm>>
      %dma_start3A_20 = arith.constant 0 : i32
      %dma_start3A_21 = arith.constant 0 : i32
      %dma_start3A_22 = tpu.memref_slice %arg5[%dma_start3A, %dma_start3A_20, %dma_start3A_21] : memref<8x4x50xi32, #tpu.memory_space<vmem>> -> memref<1x4x50xi32, #tpu.memory_space<vmem>>
      %dma_start3A_23 = tpu.memref_squeeze %dma_start3A_22 : memref<1x4x50xi32, #tpu.memory_space<vmem>> -> memref<4x50xi32, #tpu.memory_space<vmem>>
      %dma_start3A_24 = arith.constant 0 : i32
      %dma_start3A_25 = tpu.memref_slice %arg2[%add3A_13, %dma_start3A_24] : memref<16384x50xi32, #tpu.memory_space<hbm>> -> memref<4x50xi32, #tpu.memory_space<hbm>>
      tpu.enqueue_dma source(%dma_start3A_25 : memref<4x50xi32, #tpu.memory_space<hbm>>) target(%dma_start3A_23 : memref<4x50xi32, #tpu.memory_space<vmem>>) target_semaphore(%arg7 : memref<!tpu.dma_semaphore, #tpu.memory_space<semaphore_mem>>)
      %add3A_26 = arith.constant 4 : i32
      %add3A_27 = arith.addi %add3A_11, %add3A_26 : i32
      %dma_start3A_28 = arith.constant 1 : i32
      %dma_start3A_29 = arith.constant 0 : i32
      %dma_start3A_30 = arith.constant 0 : i32
      %dma_start3A_31 = tpu.memref_slice %arg5[%dma_start3A_28, %dma_start3A_29, %dma_start3A_30] : memref<8x4x50xi32, #tpu.memory_space<vmem>> -> memref<1x4x50xi32, #tpu.memory_space<vmem>>
      %dma_start3A_32 = tpu.memref_squeeze %dma_start3A_31 : memref<1x4x50xi32, #tpu.memory_space<vmem>> -> memref<4x50xi32, #tpu.memory_space<vmem>>
      %dma_start3A_33 = arith.constant 0 : i32
      %dma_start3A_34 = tpu.memref_slice %arg2[%add3A_27, %dma_start3A_33] : memref<16384x50xi32, #tpu.memory_space<hbm>> -> memref<4x50xi32, #tpu.memory_space<hbm>>
      %dma_start3A_35 = arith.constant 0 : i32
      %dma_start3A_36 = arith.constant 0 : i32
      %dma_start3A_37 = tpu.memref_slice %arg5[%dma_start3A_28, %dma_start3A_35, %dma_start3A_36] : memref<8x4x50xi32, #tpu.memory_space<vmem>> -> memref<1x4x50xi32, #tpu.memory_space<vmem>>
      %dma_start3A_38 = tpu.memref_squeeze %dma_start3A_37 : memref<1x4x50xi32, #tpu.memory_space<vmem>> -> memref<4x50xi32, #tpu.memory_space<vmem>>
      %dma_start3A_39 = arith.constant 0 : i32
      %dma_start3A_40 = tpu.memref_slice %arg2[%add3A_27, %dma_start3A_39] : memref<16384x50xi32, #tpu.memory_space<hbm>> -> memref<4x50xi32, #tpu.memory_space<hbm>>
      tpu.enqueue_dma source(%dma_start3A_40 : memref<4x50xi32, #tpu.memory_space<hbm>>) target(%dma_start3A_38 : memref<4x50xi32, #tpu.memory_space<vmem>>) target_semaphore(%arg8 : memref<!tpu.dma_semaphore, #tpu.memory_space<semaphore_mem>>)
      %add3A_41 = arith.constant 8 : i32
      %add3A_42 = arith.addi %add3A_11, %add3A_41 : i32
      %dma_start3A_43 = arith.constant 2 : i32
      %dma_start3A_44 = arith.constant 0 : i32
      %dma_start3A_45 = arith.constant 0 : i32
      %dma_start3A_46 = tpu.memref_slice %arg5[%dma_start3A_43, %dma_start3A_44, %dma_start3A_45] : memref<8x4x50xi32, #tpu.memory_space<vmem>> -> memref<1x4x50xi32, #tpu.memory_space<vmem>>
      %dma_start3A_47 = tpu.memref_squeeze %dma_start3A_46 : memref<1x4x50xi32, #tpu.memory_space<vmem>> -> memref<4x50xi32, #tpu.memory_space<vmem>>
      %dma_start3A_48 = arith.constant 0 : i32
      %dma_start3A_49 = tpu.memref_slice %arg2[%add3A_42, %dma_start3A_48] : memref<16384x50xi32, #tpu.memory_space<hbm>> -> memref<4x50xi32, #tpu.memory_space<hbm>>
      %dma_start3A_50 = arith.constant 0 : i32
      %dma_start3A_51 = arith.constant 0 : i32
      %dma_start3A_52 = tpu.memref_slice %arg5[%dma_start3A_43, %dma_start3A_50, %dma_start3A_51] : memref<8x4x50xi32, #tpu.memory_space<vmem>> -> memref<1x4x50xi32, #tpu.memory_space<vmem>>
      %dma_start3A_53 = tpu.memref_squeeze %dma_start3A_52 : memref<1x4x50xi32, #tpu.memory_space<vmem>> -> memref<4x50xi32, #tpu.memory_space<vmem>>
      %dma_start3A_54 = arith.constant 0 : i32
      %dma_start3A_55 = tpu.memref_slice %arg2[%add3A_42, %dma_start3A_54] : memref<16384x50xi32, #tpu.memory_space<hbm>> -> memref<4x50xi32, #tpu.memory_space<hbm>>
      tpu.enqueue_dma source(%dma_start3A_55 : memref<4x50xi32, #tpu.memory_space<hbm>>) target(%dma_start3A_53 : memref<4x50xi32, #tpu.memory_space<vmem>>) target_semaphore(%arg9 : memref<!tpu.dma_semaphore, #tpu.memory_space<semaphore_mem>>)
      %add3A_56 = arith.constant 12 : i32
      %add3A_57 = arith.addi %add3A_11, %add3A_56 : i32
      %dma_start3A_58 = arith.constant 3 : i32
      %dma_start3A_59 = arith.constant 0 : i32
      %dma_start3A_60 = arith.constant 0 : i32
      %dma_start3A_61 = tpu.memref_slice %arg5[%dma_start3A_58, %dma_start3A_59, %dma_start3A_60] : memref<8x4x50xi32, #tpu.memory_space<vmem>> -> memref<1x4x50xi32, #tpu.memory_space<vmem>>
      %dma_start3A_62 = tpu.memref_squeeze %dma_start3A_61 : memref<1x4x50xi32, #tpu.memory_space<vmem>> -> memref<4x50xi32, #tpu.memory_space<vmem>>
      %dma_start3A_63 = arith.constant 0 : i32
      %dma_start3A_64 = tpu.memref_slice %arg2[%add3A_57, %dma_start3A_63] : memref<16384x50xi32, #tpu.memory_space<hbm>> -> memref<4x50xi32, #tpu.memory_space<hbm>>
      %dma_start3A_65 = arith.constant 0 : i32
      %dma_start3A_66 = arith.constant 0 : i32
      %dma_start3A_67 = tpu.memref_slice %arg5[%dma_start3A_58, %dma_start3A_65, %dma_start3A_66] : memref<8x4x50xi32, #tpu.memory_space<vmem>> -> memref<1x4x50xi32, #tpu.memory_space<vmem>>
      %dma_start3A_68 = tpu.memref_squeeze %dma_start3A_67 : memref<1x4x50xi32, #tpu.memory_space<vmem>> -> memref<4x50xi32, #tpu.memory_space<vmem>>
      %dma_start3A_69 = arith.constant 0 : i32
      %dma_start3A_70 = tpu.memref_slice %arg2[%add3A_57, %dma_start3A_69] : memref<16384x50xi32, #tpu.memory_space<hbm>> -> memref<4x50xi32, #tpu.memory_space<hbm>>
      tpu.enqueue_dma source(%dma_start3A_70 : memref<4x50xi32, #tpu.memory_space<hbm>>) target(%dma_start3A_68 : memref<4x50xi32, #tpu.memory_space<vmem>>) target_semaphore(%arg10 : memref<!tpu.dma_semaphore, #tpu.memory_space<semaphore_mem>>)
      %add3A_71 = arith.constant 16 : i32
      %add3A_72 = arith.addi %add3A_11, %add3A_71 : i32
      %dma_start3A_73 = arith.constant 4 : i32
      %dma_start3A_74 = arith.constant 0 : i32
      %dma_start3A_75 = arith.constant 0 : i32
      %dma_start3A_76 = tpu.memref_slice %arg5[%dma_start3A_73, %dma_start3A_74, %dma_start3A_75] : memref<8x4x50xi32, #tpu.memory_space<vmem>> -> memref<1x4x50xi32, #tpu.memory_space<vmem>>
      %dma_start3A_77 = tpu.memref_squeeze %dma_start3A_76 : memref<1x4x50xi32, #tpu.memory_space<vmem>> -> memref<4x50xi32, #tpu.memory_space<vmem>>
      %dma_start3A_78 = arith.constant 0 : i32
      %dma_start3A_79 = tpu.memref_slice %arg2[%add3A_72, %dma_start3A_78] : memref<16384x50xi32, #tpu.memory_space<hbm>> -> memref<4x50xi32, #tpu.memory_space<hbm>>
      %dma_start3A_80 = arith.constant 0 : i32
      %dma_start3A_81 = arith.constant 0 : i32
      %dma_start3A_82 = tpu.memref_slice %arg5[%dma_start3A_73, %dma_start3A_80, %dma_start3A_81] : memref<8x4x50xi32, #tpu.memory_space<vmem>> -> memref<1x4x50xi32, #tpu.memory_space<vmem>>
      %dma_start3A_83 = tpu.memref_squeeze %dma_start3A_82 : memref<1x4x50xi32, #tpu.memory_space<vmem>> -> memref<4x50xi32, #tpu.memory_space<vmem>>
      %dma_start3A_84 = arith.constant 0 : i32
      %dma_start3A_85 = tpu.memref_slice %arg2[%add3A_72, %dma_start3A_84] : memref<16384x50xi32, #tpu.memory_space<hbm>> -> memref<4x50xi32, #tpu.memory_space<hbm>>
      tpu.enqueue_dma source(%dma_start3A_85 : memref<4x50xi32, #tpu.memory_space<hbm>>) target(%dma_start3A_83 : memref<4x50xi32, #tpu.memory_space<vmem>>) target_semaphore(%arg11 : memref<!tpu.dma_semaphore, #tpu.memory_space<semaphore_mem>>)
      %add3A_86 = arith.constant 20 : i32
      %add3A_87 = arith.addi %add3A_11, %add3A_86 : i32
      %dma_start3A_88 = arith.constant 5 : i32
      %dma_start3A_89 = arith.constant 0 : i32
      %dma_start3A_90 = arith.constant 0 : i32
      %dma_start3A_91 = tpu.memref_slice %arg5[%dma_start3A_88, %dma_start3A_89, %dma_start3A_90] : memref<8x4x50xi32, #tpu.memory_space<vmem>> -> memref<1x4x50xi32, #tpu.memory_space<vmem>>
      %dma_start3A_92 = tpu.memref_squeeze %dma_start3A_91 : memref<1x4x50xi32, #tpu.memory_space<vmem>> -> memref<4x50xi32, #tpu.memory_space<vmem>>
      %dma_start3A_93 = arith.constant 0 : i32
      %dma_start3A_94 = tpu.memref_slice %arg2[%add3A_87, %dma_start3A_93] : memref<16384x50xi32, #tpu.memory_space<hbm>> -> memref<4x50xi32, #tpu.memory_space<hbm>>
      %dma_start3A_95 = arith.constant 0 : i32
      %dma_start3A_96 = arith.constant 0 : i32
      %dma_start3A_97 = tpu.memref_slice %arg5[%dma_start3A_88, %dma_start3A_95, %dma_start3A_96] : memref<8x4x50xi32, #tpu.memory_space<vmem>> -> memref<1x4x50xi32, #tpu.memory_space<vmem>>
      %dma_start3A_98 = tpu.memref_squeeze %dma_start3A_97 : memref<1x4x50xi32, #tpu.memory_space<vmem>> -> memref<4x50xi32, #tpu.memory_space<vmem>>
      %dma_start3A_99 = arith.constant 0 : i32
      %dma_start3A_100 = tpu.memref_slice %arg2[%add3A_87, %dma_start3A_99] : memref<16384x50xi32, #tpu.memory_space<hbm>> -> memref<4x50xi32, #tpu.memory_space<hbm>>
      tpu.enqueue_dma source(%dma_start3A_100 : memref<4x50xi32, #tpu.memory_space<hbm>>) target(%dma_start3A_98 : memref<4x50xi32, #tpu.memory_space<vmem>>) target_semaphore(%arg12 : memref<!tpu.dma_semaphore, #tpu.memory_space<semaphore_mem>>)
      %add3A_101 = arith.constant 24 : i32
      %add3A_102 = arith.addi %add3A_11, %add3A_101 : i32
      %dma_start3A_103 = arith.constant 6 : i32
      %dma_start3A_104 = arith.constant 0 : i32
      %dma_start3A_105 = arith.constant 0 : i32
      %dma_start3A_106 = tpu.memref_slice %arg5[%dma_start3A_103, %dma_start3A_104, %dma_start3A_105] : memref<8x4x50xi32, #tpu.memory_space<vmem>> -> memref<1x4x50xi32, #tpu.memory_space<vmem>>
      %dma_start3A_107 = tpu.memref_squeeze %dma_start3A_106 : memref<1x4x50xi32, #tpu.memory_space<vmem>> -> memref<4x50xi32, #tpu.memory_space<vmem>>
      %dma_start3A_108 = arith.constant 0 : i32
      %dma_start3A_109 = tpu.memref_slice %arg2[%add3A_102, %dma_start3A_108] : memref<16384x50xi32, #tpu.memory_space<hbm>> -> memref<4x50xi32, #tpu.memory_space<hbm>>
      %dma_start3A_110 = arith.constant 0 : i32
      %dma_start3A_111 = arith.constant 0 : i32
      %dma_start3A_112 = tpu.memref_slice %arg5[%dma_start3A_103, %dma_start3A_110, %dma_start3A_111] : memref<8x4x50xi32, #tpu.memory_space<vmem>> -> memref<1x4x50xi32, #tpu.memory_space<vmem>>
      %dma_start3A_113 = tpu.memref_squeeze %dma_start3A_112 : memref<1x4x50xi32, #tpu.memory_space<vmem>> -> memref<4x50xi32, #tpu.memory_space<vmem>>
      %dma_start3A_114 = arith.constant 0 : i32
      %dma_start3A_115 = tpu.memref_slice %arg2[%add3A_102, %dma_start3A_114] : memref<16384x50xi32, #tpu.memory_space<hbm>> -> memref<4x50xi32, #tpu.memory_space<hbm>>
      tpu.enqueue_dma source(%dma_start3A_115 : memref<4x50xi32, #tpu.memory_space<hbm>>) target(%dma_start3A_113 : memref<4x50xi32, #tpu.memory_space<vmem>>) target_semaphore(%arg13 : memref<!tpu.dma_semaphore, #tpu.memory_space<semaphore_mem>>)
      %add3A_116 = arith.constant 28 : i32
      %add3A_117 = arith.addi %add3A_11, %add3A_116 : i32
      %dma_start3A_118 = arith.constant 7 : i32
      %dma_start3A_119 = arith.constant 0 : i32
      %dma_start3A_120 = arith.constant 0 : i32
      %dma_start3A_121 = tpu.memref_slice %arg5[%dma_start3A_118, %dma_start3A_119, %dma_start3A_120] : memref<8x4x50xi32, #tpu.memory_space<vmem>> -> memref<1x4x50xi32, #tpu.memory_space<vmem>>
      %dma_start3A_122 = tpu.memref_squeeze %dma_start3A_121 : memref<1x4x50xi32, #tpu.memory_space<vmem>> -> memref<4x50xi32, #tpu.memory_space<vmem>>
      %dma_start3A_123 = arith.constant 0 : i32
      %dma_start3A_124 = tpu.memref_slice %arg2[%add3A_117, %dma_start3A_123] : memref<16384x50xi32, #tpu.memory_space<hbm>> -> memref<4x50xi32, #tpu.memory_space<hbm>>
      %dma_start3A_125 = arith.constant 0 : i32
      %dma_start3A_126 = arith.constant 0 : i32
      %dma_start3A_127 = tpu.memref_slice %arg5[%dma_start3A_118, %dma_start3A_125, %dma_start3A_126] : memref<8x4x50xi32, #tpu.memory_space<vmem>> -> memref<1x4x50xi32, #tpu.memory_space<vmem>>
      %dma_start3A_128 = tpu.memref_squeeze %dma_start3A_127 : memref<1x4x50xi32, #tpu.memory_space<vmem>> -> memref<4x50xi32, #tpu.memory_space<vmem>>
      %dma_start3A_129 = arith.constant 0 : i32
      %dma_start3A_130 = tpu.memref_slice %arg2[%add3A_117, %dma_start3A_129] : memref<16384x50xi32, #tpu.memory_space<hbm>> -> memref<4x50xi32, #tpu.memory_space<hbm>>
      tpu.enqueue_dma source(%dma_start3A_130 : memref<4x50xi32, #tpu.memory_space<hbm>>) target(%dma_start3A_128 : memref<4x50xi32, #tpu.memory_space<vmem>>) target_semaphore(%arg14 : memref<!tpu.dma_semaphore, #tpu.memory_space<semaphore_mem>>)
      %dma_wait3A = arith.constant 0 : i32
      %dma_wait3A_131 = arith.constant 0 : i32
      %dma_wait3A_132 = arith.constant 0 : i32
      %dma_wait3A_133 = tpu.memref_slice %arg5[%dma_wait3A, %dma_wait3A_131, %dma_wait3A_132] : memref<8x4x50xi32, #tpu.memory_space<vmem>> -> memref<1x4x50xi32, #tpu.memory_space<vmem>>
      %dma_wait3A_134 = tpu.memref_squeeze %dma_wait3A_133 : memref<1x4x50xi32, #tpu.memory_space<vmem>> -> memref<4x50xi32, #tpu.memory_space<vmem>>
      %dma_wait3A_135 = arith.constant 0 : i32
      %dma_wait3A_136 = tpu.memref_slice %arg2[%add3A_13, %dma_wait3A_135] : memref<16384x50xi32, #tpu.memory_space<hbm>> -> memref<4x50xi32, #tpu.memory_space<hbm>>
      %dma_wait3A_137 = arith.constant 0 : i32
      %dma_wait3A_138 = arith.constant 0 : i32
      %dma_wait3A_139 = tpu.memref_slice %arg5[%dma_wait3A, %dma_wait3A_137, %dma_wait3A_138] : memref<8x4x50xi32, #tpu.memory_space<vmem>> -> memref<1x4x50xi32, #tpu.memory_space<vmem>>
      %dma_wait3A_140 = tpu.memref_squeeze %dma_wait3A_139 : memref<1x4x50xi32, #tpu.memory_space<vmem>> -> memref<4x50xi32, #tpu.memory_space<vmem>>
      %dma_wait3A_141 = arith.constant 0 : i32
      %dma_wait3A_142 = tpu.memref_slice %arg2[%add3A_13, %dma_wait3A_141] : memref<16384x50xi32, #tpu.memory_space<hbm>> -> memref<4x50xi32, #tpu.memory_space<hbm>>
      tpu.wait_dma2 semaphore(%arg7 : memref<!tpu.dma_semaphore, #tpu.memory_space<semaphore_mem>>) src(%dma_wait3A_142 : memref<4x50xi32, #tpu.memory_space<hbm>>) dst(%dma_wait3A_140 : memref<4x50xi32, #tpu.memory_space<vmem>>)
      %dma_start3A_143 = arith.constant 0 : i32
      %dma_start3A_144 = arith.constant 0 : i32
      %dma_start3A_145 = arith.constant 0 : i32
      %dma_start3A_146 = arith.constant 0 : i32
      %dma_start3A_147 = arith.constant 0 : i32
      %dma_start3A_148 = arith.constant 0 : i32
      %dma_start3A_149 = arith.constant 0 : i32
      %dma_start3A_150 = tpu.memref_slice %arg6[%dma_start3A_145, %dma_start3A_147, %dma_start3A_148, %dma_start3A_149] : memref<2x4x50x64xf32, #tpu.memory_space<vmem>> -> memref<1x4x50x64xf32, #tpu.memory_space<vmem>>
      %dma_start3A_151 = tpu.memref_squeeze %dma_start3A_150 : memref<1x4x50x64xf32, #tpu.memory_space<vmem>> -> memref<4x50x64xf32, #tpu.memory_space<vmem>>
      %dma_start3A_152 = arith.constant 0 : i32
      %dma_start3A_153 = arith.constant 0 : i32
      %dma_start3A_154 = tpu.memref_slice %dma_start3A_151[%dma_start3A_146, %dma_start3A_152, %dma_start3A_153] : memref<4x50x64xf32, #tpu.memory_space<vmem>> -> memref<1x50x64xf32, #tpu.memory_space<vmem>>
      %dma_start3A_155 = tpu.memref_squeeze %dma_start3A_154 : memref<1x50x64xf32, #tpu.memory_space<vmem>> -> memref<50x64xf32, #tpu.memory_space<vmem>>
      %dma_start3A_156 = arith.constant 0 : i32
      %dma_start3A_157 = arith.constant 0 : i32
      %dma_start3A_158 = tpu.memref_slice %arg5[%dma_start3A_143, %dma_start3A_156, %dma_start3A_157] : memref<8x4x50xi32, #tpu.memory_space<vmem>> -> memref<1x4x50xi32, #tpu.memory_space<vmem>>
      %dma_start3A_159 = tpu.memref_squeeze %dma_start3A_158 : memref<1x4x50xi32, #tpu.memory_space<vmem>> -> memref<4x50xi32, #tpu.memory_space<vmem>>
      %dma_start3A_160 = arith.constant 0 : i32
      %dma_start3A_161 = tpu.memref_slice %dma_start3A_159[%dma_start3A_144, %dma_start3A_160] : memref<4x50xi32, #tpu.memory_space<vmem>> -> memref<1x50xi32, #tpu.memory_space<vmem>>
      %dma_start3A_162 = tpu.memref_squeeze %dma_start3A_161 : memref<1x50xi32, #tpu.memory_space<vmem>> -> memref<50xi32, #tpu.memory_space<vmem>>
      %dma_start3A_163 = arith.constant 0 : i32
      %dma_start3A_164 = arith.constant 0 : i32
      %dma_start3A_165 = tpu.memref_slice %arg3[%dma_start3A_163, %dma_start3A_164] : memref<8000x64xf32, #tpu.memory_space<hbm>> -> memref<8000x64xf32, #tpu.memory_space<hbm>>
      tpu.enqueue_indirect_dma source(%dma_start3A_165 : memref<8000x64xf32, #tpu.memory_space<hbm>>) target(%dma_start3A_155 : memref<50x64xf32, #tpu.memory_space<vmem>>) offsets(%dma_start3A_162 : memref<50xi32, #tpu.memory_space<vmem>>) semaphore(%arg15 : memref<!tpu.dma_semaphore, #tpu.memory_space<semaphore_mem>>)
      %dma_start3A_166 = arith.constant 0 : i32
      %dma_start3A_167 = arith.constant 1 : i32
      %dma_start3A_168 = arith.constant 0 : i32
      %dma_start3A_169 = arith.constant 1 : i32
      %dma_start3A_170 = arith.constant 0 : i32
      %dma_start3A_171 = arith.constant 0 : i32
      %dma_start3A_172 = arith.constant 0 : i32
      %dma_start3A_173 = tpu.memref_slice %arg6[%dma_start3A_168, %dma_start3A_170, %dma_start3A_171, %dma_start3A_172] : memref<2x4x50x64xf32, #tpu.memory_space<vmem>> -> memref<1x4x50x64xf32, #tpu.memory_space<vmem>>
      %dma_start3A_174 = tpu.memref_squeeze %dma_start3A_173 : memref<1x4x50x64xf32, #tpu.memory_space<vmem>> -> memref<4x50x64xf32, #tpu.memory_space<vmem>>
      %dma_start3A_175 = arith.constant 0 : i32
      %dma_start3A_176 = arith.constant 0 : i32
      %dma_start3A_177 = tpu.memref_slice %dma_start3A_174[%dma_start3A_169, %dma_start3A_175, %dma_start3A_176] : memref<4x50x64xf32, #tpu.memory_space<vmem>> -> memref<1x50x64xf32, #tpu.memory_space<vmem>>
      %dma_start3A_178 = tpu.memref_squeeze %dma_start3A_177 : memref<1x50x64xf32, #tpu.memory_space<vmem>> -> memref<50x64xf32, #tpu.memory_space<vmem>>
      %dma_start3A_179 = arith.constant 0 : i32
      %dma_start3A_180 = arith.constant 0 : i32
      %dma_start3A_181 = tpu.memref_slice %arg5[%dma_start3A_166, %dma_start3A_179, %dma_start3A_180] : memref<8x4x50xi32, #tpu.memory_space<vmem>> -> memref<1x4x50xi32, #tpu.memory_space<vmem>>
      %dma_start3A_182 = tpu.memref_squeeze %dma_start3A_181 : memref<1x4x50xi32, #tpu.memory_space<vmem>> -> memref<4x50xi32, #tpu.memory_space<vmem>>
      %dma_start3A_183 = arith.constant 0 : i32
      %dma_start3A_184 = tpu.memref_slice %dma_start3A_182[%dma_start3A_167, %dma_start3A_183] : memref<4x50xi32, #tpu.memory_space<vmem>> -> memref<1x50xi32, #tpu.memory_space<vmem>>
      %dma_start3A_185 = tpu.memref_squeeze %dma_start3A_184 : memref<1x50xi32, #tpu.memory_space<vmem>> -> memref<50xi32, #tpu.memory_space<vmem>>
      %dma_start3A_186 = arith.constant 0 : i32
      %dma_start3A_187 = arith.constant 0 : i32
      %dma_start3A_188 = tpu.memref_slice %arg3[%dma_start3A_186, %dma_start3A_187] : memref<8000x64xf32, #tpu.memory_space<hbm>> -> memref<8000x64xf32, #tpu.memory_space<hbm>>
      tpu.enqueue_indirect_dma source(%dma_start3A_188 : memref<8000x64xf32, #tpu.memory_space<hbm>>) target(%dma_start3A_178 : memref<50x64xf32, #tpu.memory_space<vmem>>) offsets(%dma_start3A_185 : memref<50xi32, #tpu.memory_space<vmem>>) semaphore(%arg15 : memref<!tpu.dma_semaphore, #tpu.memory_space<semaphore_mem>>)
      %dma_start3A_189 = arith.constant 0 : i32
      %dma_start3A_190 = arith.constant 2 : i32
      %dma_start3A_191 = arith.constant 0 : i32
      %dma_start3A_192 = arith.constant 2 : i32
      %dma_start3A_193 = arith.constant 0 : i32
      %dma_start3A_194 = arith.constant 0 : i32
      %dma_start3A_195 = arith.constant 0 : i32
      %dma_start3A_196 = tpu.memref_slice %arg6[%dma_start3A_191, %dma_start3A_193, %dma_start3A_194, %dma_start3A_195] : memref<2x4x50x64xf32, #tpu.memory_space<vmem>> -> memref<1x4x50x64xf32, #tpu.memory_space<vmem>>
      %dma_start3A_197 = tpu.memref_squeeze %dma_start3A_196 : memref<1x4x50x64xf32, #tpu.memory_space<vmem>> -> memref<4x50x64xf32, #tpu.memory_space<vmem>>
      %dma_start3A_198 = arith.constant 0 : i32
      %dma_start3A_199 = arith.constant 0 : i32
      %dma_start3A_200 = tpu.memref_slice %dma_start3A_197[%dma_start3A_192, %dma_start3A_198, %dma_start3A_199] : memref<4x50x64xf32, #tpu.memory_space<vmem>> -> memref<1x50x64xf32, #tpu.memory_space<vmem>>
      %dma_start3A_201 = tpu.memref_squeeze %dma_start3A_200 : memref<1x50x64xf32, #tpu.memory_space<vmem>> -> memref<50x64xf32, #tpu.memory_space<vmem>>
      %dma_start3A_202 = arith.constant 0 : i32
      %dma_start3A_203 = arith.constant 0 : i32
      %dma_start3A_204 = tpu.memref_slice %arg5[%dma_start3A_189, %dma_start3A_202, %dma_start3A_203] : memref<8x4x50xi32, #tpu.memory_space<vmem>> -> memref<1x4x50xi32, #tpu.memory_space<vmem>>
      %dma_start3A_205 = tpu.memref_squeeze %dma_start3A_204 : memref<1x4x50xi32, #tpu.memory_space<vmem>> -> memref<4x50xi32, #tpu.memory_space<vmem>>
      %dma_start3A_206 = arith.constant 0 : i32
      %dma_start3A_207 = tpu.memref_slice %dma_start3A_205[%dma_start3A_190, %dma_start3A_206] : memref<4x50xi32, #tpu.memory_space<vmem>> -> memref<1x50xi32, #tpu.memory_space<vmem>>
      %dma_start3A_208 = tpu.memref_squeeze %dma_start3A_207 : memref<1x50xi32, #tpu.memory_space<vmem>> -> memref<50xi32, #tpu.memory_space<vmem>>
      %dma_start3A_209 = arith.constant 0 : i32
      %dma_start3A_210 = arith.constant 0 : i32
      %dma_start3A_211 = tpu.memref_slice %arg3[%dma_start3A_209, %dma_start3A_210] : memref<8000x64xf32, #tpu.memory_space<hbm>> -> memref<8000x64xf32, #tpu.memory_space<hbm>>
      tpu.enqueue_indirect_dma source(%dma_start3A_211 : memref<8000x64xf32, #tpu.memory_space<hbm>>) target(%dma_start3A_201 : memref<50x64xf32, #tpu.memory_space<vmem>>) offsets(%dma_start3A_208 : memref<50xi32, #tpu.memory_space<vmem>>) semaphore(%arg15 : memref<!tpu.dma_semaphore, #tpu.memory_space<semaphore_mem>>)
      %dma_start3A_212 = arith.constant 0 : i32
      %dma_start3A_213 = arith.constant 3 : i32
      %dma_start3A_214 = arith.constant 0 : i32
      %dma_start3A_215 = arith.constant 3 : i32
      %dma_start3A_216 = arith.constant 0 : i32
      %dma_start3A_217 = arith.constant 0 : i32
      %dma_start3A_218 = arith.constant 0 : i32
      %dma_start3A_219 = tpu.memref_slice %arg6[%dma_start3A_214, %dma_start3A_216, %dma_start3A_217, %dma_start3A_218] : memref<2x4x50x64xf32, #tpu.memory_space<vmem>> -> memref<1x4x50x64xf32, #tpu.memory_space<vmem>>
      %dma_start3A_220 = tpu.memref_squeeze %dma_start3A_219 : memref<1x4x50x64xf32, #tpu.memory_space<vmem>> -> memref<4x50x64xf32, #tpu.memory_space<vmem>>
      %dma_start3A_221 = arith.constant 0 : i32
      %dma_start3A_222 = arith.constant 0 : i32
      %dma_start3A_223 = tpu.memref_slice %dma_start3A_220[%dma_start3A_215, %dma_start3A_221, %dma_start3A_222] : memref<4x50x64xf32, #tpu.memory_space<vmem>> -> memref<1x50x64xf32, #tpu.memory_space<vmem>>
      %dma_start3A_224 = tpu.memref_squeeze %dma_start3A_223 : memref<1x50x64xf32, #tpu.memory_space<vmem>> -> memref<50x64xf32, #tpu.memory_space<vmem>>
      %dma_start3A_225 = arith.constant 0 : i32
      %dma_start3A_226 = arith.constant 0 : i32
      %dma_start3A_227 = tpu.memref_slice %arg5[%dma_start3A_212, %dma_start3A_225, %dma_start3A_226] : memref<8x4x50xi32, #tpu.memory_space<vmem>> -> memref<1x4x50xi32, #tpu.memory_space<vmem>>
      %dma_start3A_228 = tpu.memref_squeeze %dma_start3A_227 : memref<1x4x50xi32, #tpu.memory_space<vmem>> -> memref<4x50xi32, #tpu.memory_space<vmem>>
      %dma_start3A_229 = arith.constant 0 : i32
      %dma_start3A_230 = tpu.memref_slice %dma_start3A_228[%dma_start3A_213, %dma_start3A_229] : memref<4x50xi32, #tpu.memory_space<vmem>> -> memref<1x50xi32, #tpu.memory_space<vmem>>
      %dma_start3A_231 = tpu.memref_squeeze %dma_start3A_230 : memref<1x50xi32, #tpu.memory_space<vmem>> -> memref<50xi32, #tpu.memory_space<vmem>>
      %dma_start3A_232 = arith.constant 0 : i32
      %dma_start3A_233 = arith.constant 0 : i32
      %dma_start3A_234 = tpu.memref_slice %arg3[%dma_start3A_232, %dma_start3A_233] : memref<8000x64xf32, #tpu.memory_space<hbm>> -> memref<8000x64xf32, #tpu.memory_space<hbm>>
      tpu.enqueue_indirect_dma source(%dma_start3A_234 : memref<8000x64xf32, #tpu.memory_space<hbm>>) target(%dma_start3A_224 : memref<50x64xf32, #tpu.memory_space<vmem>>) offsets(%dma_start3A_231 : memref<50xi32, #tpu.memory_space<vmem>>) semaphore(%arg15 : memref<!tpu.dma_semaphore, #tpu.memory_space<semaphore_mem>>)
      %dma_wait3A_235 = arith.constant 0 : i32
      %dma_wait3A_236 = arith.constant 0 : i32
      %dma_wait3A_237 = arith.constant 0 : i32
      %dma_wait3A_238 = arith.constant 0 : i32
      %dma_wait3A_239 = arith.constant 0 : i32
      %dma_wait3A_240 = arith.constant 0 : i32
      %dma_wait3A_241 = arith.constant 0 : i32
      %dma_wait3A_242 = tpu.memref_slice %arg6[%dma_wait3A_237, %dma_wait3A_239, %dma_wait3A_240, %dma_wait3A_241] : memref<2x4x50x64xf32, #tpu.memory_space<vmem>> -> memref<1x4x50x64xf32, #tpu.memory_space<vmem>>
      %dma_wait3A_243 = tpu.memref_squeeze %dma_wait3A_242 : memref<1x4x50x64xf32, #tpu.memory_space<vmem>> -> memref<4x50x64xf32, #tpu.memory_space<vmem>>
      %dma_wait3A_244 = arith.constant 0 : i32
      %dma_wait3A_245 = arith.constant 0 : i32
      %dma_wait3A_246 = tpu.memref_slice %dma_wait3A_243[%dma_wait3A_238, %dma_wait3A_244, %dma_wait3A_245] : memref<4x50x64xf32, #tpu.memory_space<vmem>> -> memref<1x50x64xf32, #tpu.memory_space<vmem>>
      %dma_wait3A_247 = tpu.memref_squeeze %dma_wait3A_246 : memref<1x50x64xf32, #tpu.memory_space<vmem>> -> memref<50x64xf32, #tpu.memory_space<vmem>>
      %dma_wait3A_248 = arith.constant 0 : i32
      %dma_wait3A_249 = arith.constant 0 : i32
      %dma_wait3A_250 = tpu.memref_slice %arg5[%dma_wait3A_235, %dma_wait3A_248, %dma_wait3A_249] : memref<8x4x50xi32, #tpu.memory_space<vmem>> -> memref<1x4x50xi32, #tpu.memory_space<vmem>>
      %dma_wait3A_251 = tpu.memref_squeeze %dma_wait3A_250 : memref<1x4x50xi32, #tpu.memory_space<vmem>> -> memref<4x50xi32, #tpu.memory_space<vmem>>
      %dma_wait3A_252 = arith.constant 0 : i32
      %dma_wait3A_253 = tpu.memref_slice %dma_wait3A_251[%dma_wait3A_236, %dma_wait3A_252] : memref<4x50xi32, #tpu.memory_space<vmem>> -> memref<1x50xi32, #tpu.memory_space<vmem>>
      %dma_wait3A_254 = tpu.memref_squeeze %dma_wait3A_253 : memref<1x50xi32, #tpu.memory_space<vmem>> -> memref<50xi32, #tpu.memory_space<vmem>>
      %dma_wait3A_255 = arith.constant 0 : i32
      %dma_wait3A_256 = arith.constant 0 : i32
      %dma_wait3A_257 = tpu.memref_slice %arg3[%dma_wait3A_255, %dma_wait3A_256] : memref<8000x64xf32, #tpu.memory_space<hbm>> -> memref<8000x64xf32, #tpu.memory_space<hbm>>
      tpu.wait_indirect_dma semaphore(%arg15 : memref<!tpu.dma_semaphore, #tpu.memory_space<semaphore_mem>>) src(%dma_wait3A_257 : memref<8000x64xf32, #tpu.memory_space<hbm>>) dst(%dma_wait3A_247 : memref<50x64xf32, #tpu.memory_space<vmem>>)
      %dma_wait3A_258 = arith.constant 0 : i32
      %dma_wait3A_259 = arith.constant 1 : i32
      %dma_wait3A_260 = arith.constant 0 : i32
      %dma_wait3A_261 = arith.constant 1 : i32
      %dma_wait3A_262 = arith.constant 0 : i32
      %dma_wait3A_263 = arith.constant 0 : i32
      %dma_wait3A_264 = arith.constant 0 : i32
      %dma_wait3A_265 = tpu.memref_slice %arg6[%dma_wait3A_260, %dma_wait3A_262, %dma_wait3A_263, %dma_wait3A_264] : memref<2x4x50x64xf32, #tpu.memory_space<vmem>> -> memref<1x4x50x64xf32, #tpu.memory_space<vmem>>
      %dma_wait3A_266 = tpu.memref_squeeze %dma_wait3A_265 : memref<1x4x50x64xf32, #tpu.memory_space<vmem>> -> memref<4x50x64xf32, #tpu.memory_space<vmem>>
      %dma_wait3A_267 = arith.constant 0 : i32
      %dma_wait3A_268 = arith.constant 0 : i32
      %dma_wait3A_269 = tpu.memref_slice %dma_wait3A_266[%dma_wait3A_261, %dma_wait3A_267, %dma_wait3A_268] : memref<4x50x64xf32, #tpu.memory_space<vmem>> -> memref<1x50x64xf32, #tpu.memory_space<vmem>>
      %dma_wait3A_270 = tpu.memref_squeeze %dma_wait3A_269 : memref<1x50x64xf32, #tpu.memory_space<vmem>> -> memref<50x64xf32, #tpu.memory_space<vmem>>
      %dma_wait3A_271 = arith.constant 0 : i32
      %dma_wait3A_272 = arith.constant 0 : i32
      %dma_wait3A_273 = tpu.memref_slice %arg5[%dma_wait3A_258, %dma_wait3A_271, %dma_wait3A_272] : memref<8x4x50xi32, #tpu.memory_space<vmem>> -> memref<1x4x50xi32, #tpu.memory_space<vmem>>
      %dma_wait3A_274 = tpu.memref_squeeze %dma_wait3A_273 : memref<1x4x50xi32, #tpu.memory_space<vmem>> -> memref<4x50xi32, #tpu.memory_space<vmem>>
      %dma_wait3A_275 = arith.constant 0 : i32
      %dma_wait3A_276 = tpu.memref_slice %dma_wait3A_274[%dma_wait3A_259, %dma_wait3A_275] : memref<4x50xi32, #tpu.memory_space<vmem>> -> memref<1x50xi32, #tpu.memory_space<vmem>>
      %dma_wait3A_277 = tpu.memref_squeeze %dma_wait3A_276 : memref<1x50xi32, #tpu.memory_space<vmem>> -> memref<50xi32, #tpu.memory_space<vmem>>
      %dma_wait3A_278 = arith.constant 0 : i32
      %dma_wait3A_279 = arith.constant 0 : i32
      %dma_wait3A_280 = tpu.memref_slice %arg3[%dma_wait3A_278, %dma_wait3A_279] : memref<8000x64xf32, #tpu.memory_space<hbm>> -> memref<8000x64xf32, #tpu.memory_space<hbm>>
      tpu.wait_indirect_dma semaphore(%arg15 : memref<!tpu.dma_semaphore, #tpu.memory_space<semaphore_mem>>) src(%dma_wait3A_280 : memref<8000x64xf32, #tpu.memory_space<hbm>>) dst(%dma_wait3A_270 : memref<50x64xf32, #tpu.memory_space<vmem>>)
      %dma_wait3A_281 = arith.constant 0 : i32
      %dma_wait3A_282 = arith.constant 2 : i32
      %dma_wait3A_283 = arith.constant 0 : i32
      %dma_wait3A_284 = arith.constant 2 : i32
      %dma_wait3A_285 = arith.constant 0 : i32
      %dma_wait3A_286 = arith.constant 0 : i32
      %dma_wait3A_287 = arith.constant 0 : i32
      %dma_wait3A_288 = tpu.memref_slice %arg6[%dma_wait3A_283, %dma_wait3A_285, %dma_wait3A_286, %dma_wait3A_287] : memref<2x4x50x64xf32, #tpu.memory_space<vmem>> -> memref<1x4x50x64xf32, #tpu.memory_space<vmem>>
      %dma_wait3A_289 = tpu.memref_squeeze %dma_wait3A_288 : memref<1x4x50x64xf32, #tpu.memory_space<vmem>> -> memref<4x50x64xf32, #tpu.memory_space<vmem>>
      %dma_wait3A_290 = arith.constant 0 : i32
      %dma_wait3A_291 = arith.constant 0 : i32
      %dma_wait3A_292 = tpu.memref_slice %dma_wait3A_289[%dma_wait3A_284, %dma_wait3A_290, %dma_wait3A_291] : memref<4x50x64xf32, #tpu.memory_space<vmem>> -> memref<1x50x64xf32, #tpu.memory_space<vmem>>
      %dma_wait3A_293 = tpu.memref_squeeze %dma_wait3A_292 : memref<1x50x64xf32, #tpu.memory_space<vmem>> -> memref<50x64xf32, #tpu.memory_space<vmem>>
      %dma_wait3A_294 = arith.constant 0 : i32
      %dma_wait3A_295 = arith.constant 0 : i32
      %dma_wait3A_296 = tpu.memref_slice %arg5[%dma_wait3A_281, %dma_wait3A_294, %dma_wait3A_295] : memref<8x4x50xi32, #tpu.memory_space<vmem>> -> memref<1x4x50xi32, #tpu.memory_space<vmem>>
      %dma_wait3A_297 = tpu.memref_squeeze %dma_wait3A_296 : memref<1x4x50xi32, #tpu.memory_space<vmem>> -> memref<4x50xi32, #tpu.memory_space<vmem>>
      %dma_wait3A_298 = arith.constant 0 : i32
      %dma_wait3A_299 = tpu.memref_slice %dma_wait3A_297[%dma_wait3A_282, %dma_wait3A_298] : memref<4x50xi32, #tpu.memory_space<vmem>> -> memref<1x50xi32, #tpu.memory_space<vmem>>
      %dma_wait3A_300 = tpu.memref_squeeze %dma_wait3A_299 : memref<1x50xi32, #tpu.memory_space<vmem>> -> memref<50xi32, #tpu.memory_space<vmem>>
      %dma_wait3A_301 = arith.constant 0 : i32
      %dma_wait3A_302 = arith.constant 0 : i32
      %dma_wait3A_303 = tpu.memref_slice %arg3[%dma_wait3A_301, %dma_wait3A_302] : memref<8000x64xf32, #tpu.memory_space<hbm>> -> memref<8000x64xf32, #tpu.memory_space<hbm>>
      tpu.wait_indirect_dma semaphore(%arg15 : memref<!tpu.dma_semaphore, #tpu.memory_space<semaphore_mem>>) src(%dma_wait3A_303 : memref<8000x64xf32, #tpu.memory_space<hbm>>) dst(%dma_wait3A_293 : memref<50x64xf32, #tpu.memory_space<vmem>>)
      %dma_wait3A_304 = arith.constant 0 : i32
      %dma_wait3A_305 = arith.constant 3 : i32
      %dma_wait3A_306 = arith.constant 0 : i32
      %dma_wait3A_307 = arith.constant 3 : i32
      %dma_wait3A_308 = arith.constant 0 : i32
      %dma_wait3A_309 = arith.constant 0 : i32
      %dma_wait3A_310 = arith.constant 0 : i32
      %dma_wait3A_311 = tpu.memref_slice %arg6[%dma_wait3A_306, %dma_wait3A_308, %dma_wait3A_309, %dma_wait3A_310] : memref<2x4x50x64xf32, #tpu.memory_space<vmem>> -> memref<1x4x50x64xf32, #tpu.memory_space<vmem>>
      %dma_wait3A_312 = tpu.memref_squeeze %dma_wait3A_311 : memref<1x4x50x64xf32, #tpu.memory_space<vmem>> -> memref<4x50x64xf32, #tpu.memory_space<vmem>>
      %dma_wait3A_313 = arith.constant 0 : i32
      %dma_wait3A_314 = arith.constant 0 : i32
      %dma_wait3A_315 = tpu.memref_slice %dma_wait3A_312[%dma_wait3A_307, %dma_wait3A_313, %dma_wait3A_314] : memref<4x50x64xf32, #tpu.memory_space<vmem>> -> memref<1x50x64xf32, #tpu.memory_space<vmem>>
      %dma_wait3A_316 = tpu.memref_squeeze %dma_wait3A_315 : memref<1x50x64xf32, #tpu.memory_space<vmem>> -> memref<50x64xf32, #tpu.memory_space<vmem>>
      %dma_wait3A_317 = arith.constant 0 : i32
      %dma_wait3A_318 = arith.constant 0 : i32
      %dma_wait3A_319 = tpu.memref_slice %arg5[%dma_wait3A_304, %dma_wait3A_317, %dma_wait3A_318] : memref<8x4x50xi32, #tpu.memory_space<vmem>> -> memref<1x4x50xi32, #tpu.memory_space<vmem>>
      %dma_wait3A_320 = tpu.memref_squeeze %dma_wait3A_319 : memref<1x4x50xi32, #tpu.memory_space<vmem>> -> memref<4x50xi32, #tpu.memory_space<vmem>>
      %dma_wait3A_321 = arith.constant 0 : i32
      %dma_wait3A_322 = tpu.memref_slice %dma_wait3A_320[%dma_wait3A_305, %dma_wait3A_321] : memref<4x50xi32, #tpu.memory_space<vmem>> -> memref<1x50xi32, #tpu.memory_space<vmem>>
      %dma_wait3A_323 = tpu.memref_squeeze %dma_wait3A_322 : memref<1x50xi32, #tpu.memory_space<vmem>> -> memref<50xi32, #tpu.memory_space<vmem>>
      %dma_wait3A_324 = arith.constant 0 : i32
      %dma_wait3A_325 = arith.constant 0 : i32
      %dma_wait3A_326 = tpu.memref_slice %arg3[%dma_wait3A_324, %dma_wait3A_325] : memref<8000x64xf32, #tpu.memory_space<hbm>> -> memref<8000x64xf32, #tpu.memory_space<hbm>>
      tpu.wait_indirect_dma semaphore(%arg15 : memref<!tpu.dma_semaphore, #tpu.memory_space<semaphore_mem>>) src(%dma_wait3A_326 : memref<8000x64xf32, #tpu.memory_space<hbm>>) dst(%dma_wait3A_316 : memref<50x64xf32, #tpu.memory_space<vmem>>)
      %add3A_327 = arith.constant 0 : i32
      %add3A_328 = arith.addi %add3A_11, %add3A_327 : i32
      %dma_start3A_329 = arith.constant 0 : i32
      %dma_start3A_330 = arith.constant 0 : i32
      %dma_start3A_331 = arith.constant 0 : i32
      %dma_start3A_332 = arith.constant 0 : i32
      %dma_start3A_333 = tpu.memref_slice %arg6[%dma_start3A_329, %dma_start3A_330, %dma_start3A_331, %dma_start3A_332] : memref<2x4x50x64xf32, #tpu.memory_space<vmem>> -> memref<1x4x50x64xf32, #tpu.memory_space<vmem>>
      %dma_start3A_334 = tpu.memref_squeeze %dma_start3A_333 : memref<1x4x50x64xf32, #tpu.memory_space<vmem>> -> memref<4x50x64xf32, #tpu.memory_space<vmem>>
      %dma_start3A_335 = arith.constant 0 : i32
      %dma_start3A_336 = arith.constant 0 : i32
      %dma_start3A_337 = tpu.memref_slice %arg4[%add3A_328, %dma_start3A_335, %dma_start3A_336] : memref<16384x50x64xf32, #tpu.memory_space<hbm>> -> memref<4x50x64xf32, #tpu.memory_space<hbm>>
      %dma_start3A_338 = arith.constant 0 : i32
      %dma_start3A_339 = arith.constant 0 : i32
      %dma_start3A_340 = tpu.memref_slice %arg4[%add3A_328, %dma_start3A_338, %dma_start3A_339] : memref<16384x50x64xf32, #tpu.memory_space<hbm>> -> memref<4x50x64xf32, #tpu.memory_space<hbm>>
      %dma_start3A_341 = arith.constant 0 : i32
      %dma_start3A_342 = arith.constant 0 : i32
      %dma_start3A_343 = arith.constant 0 : i32
      %dma_start3A_344 = tpu.memref_slice %arg6[%dma_start3A_329, %dma_start3A_341, %dma_start3A_342, %dma_start3A_343] : memref<2x4x50x64xf32, #tpu.memory_space<vmem>> -> memref<1x4x50x64xf32, #tpu.memory_space<vmem>>
      %dma_start3A_345 = tpu.memref_squeeze %dma_start3A_344 : memref<1x4x50x64xf32, #tpu.memory_space<vmem>> -> memref<4x50x64xf32, #tpu.memory_space<vmem>>
      tpu.enqueue_dma source(%dma_start3A_345 : memref<4x50x64xf32, #tpu.memory_space<vmem>>) target(%dma_start3A_340 : memref<4x50x64xf32, #tpu.memory_space<hbm>>) target_semaphore(%arg17 : memref<!tpu.dma_semaphore, #tpu.memory_space<semaphore_mem>>)
      %dma_wait3A_346 = arith.constant 1 : i32
      %dma_wait3A_347 = arith.constant 0 : i32
      %dma_wait3A_348 = arith.constant 0 : i32
      %dma_wait3A_349 = tpu.memref_slice %arg5[%dma_wait3A_346, %dma_wait3A_347, %dma_wait3A_348] : memref<8x4x50xi32, #tpu.memory_space<vmem>> -> memref<1x4x50xi32, #tpu.memory_space<vmem>>
      %dma_wait3A_350 = tpu.memref_squeeze %dma_wait3A_349 : memref<1x4x50xi32, #tpu.memory_space<vmem>> -> memref<4x50xi32, #tpu.memory_space<vmem>>
      %dma_wait3A_351 = arith.constant 0 : i32
      %dma_wait3A_352 = tpu.memref_slice %arg2[%add3A_27, %dma_wait3A_351] : memref<16384x50xi32, #tpu.memory_space<hbm>> -> memref<4x50xi32, #tpu.memory_space<hbm>>
      %dma_wait3A_353 = arith.constant 0 : i32
      %dma_wait3A_354 = arith.constant 0 : i32
      %dma_wait3A_355 = tpu.memref_slice %arg5[%dma_wait3A_346, %dma_wait3A_353, %dma_wait3A_354] : memref<8x4x50xi32, #tpu.memory_space<vmem>> -> memref<1x4x50xi32, #tpu.memory_space<vmem>>
      %dma_wait3A_356 = tpu.memref_squeeze %dma_wait3A_355 : memref<1x4x50xi32, #tpu.memory_space<vmem>> -> memref<4x50xi32, #tpu.memory_space<vmem>>
      %dma_wait3A_357 = arith.constant 0 : i32
      %dma_wait3A_358 = tpu.memref_slice %arg2[%add3A_27, %dma_wait3A_357] : memref<16384x50xi32, #tpu.memory_space<hbm>> -> memref<4x50xi32, #tpu.memory_space<hbm>>
      tpu.wait_dma2 semaphore(%arg8 : memref<!tpu.dma_semaphore, #tpu.memory_space<semaphore_mem>>) src(%dma_wait3A_358 : memref<4x50xi32, #tpu.memory_space<hbm>>) dst(%dma_wait3A_356 : memref<4x50xi32, #tpu.memory_space<vmem>>)
      %dma_start3A_359 = arith.constant 1 : i32
      %dma_start3A_360 = arith.constant 0 : i32
      %dma_start3A_361 = arith.constant 1 : i32
      %dma_start3A_362 = arith.constant 0 : i32
      %dma_start3A_363 = arith.constant 0 : i32
      %dma_start3A_364 = arith.constant 0 : i32
      %dma_start3A_365 = arith.constant 0 : i32
      %dma_start3A_366 = tpu.memref_slice %arg6[%dma_start3A_361, %dma_start3A_363, %dma_start3A_364, %dma_start3A_365] : memref<2x4x50x64xf32, #tpu.memory_space<vmem>> -> memref<1x4x50x64xf32, #tpu.memory_space<vmem>>
      %dma_start3A_367 = tpu.memref_squeeze %dma_start3A_366 : memref<1x4x50x64xf32, #tpu.memory_space<vmem>> -> memref<4x50x64xf32, #tpu.memory_space<vmem>>
      %dma_start3A_368 = arith.constant 0 : i32
      %dma_start3A_369 = arith.constant 0 : i32
      %dma_start3A_370 = tpu.memref_slice %dma_start3A_367[%dma_start3A_362, %dma_start3A_368, %dma_start3A_369] : memref<4x50x64xf32, #tpu.memory_space<vmem>> -> memref<1x50x64xf32, #tpu.memory_space<vmem>>
      %dma_start3A_371 = tpu.memref_squeeze %dma_start3A_370 : memref<1x50x64xf32, #tpu.memory_space<vmem>> -> memref<50x64xf32, #tpu.memory_space<vmem>>
      %dma_start3A_372 = arith.constant 0 : i32
      %dma_start3A_373 = arith.constant 0 : i32
      %dma_start3A_374 = tpu.memref_slice %arg5[%dma_start3A_359, %dma_start3A_372, %dma_start3A_373] : memref<8x4x50xi32, #tpu.memory_space<vmem>> -> memref<1x4x50xi32, #tpu.memory_space<vmem>>
      %dma_start3A_375 = tpu.memref_squeeze %dma_start3A_374 : memref<1x4x50xi32, #tpu.memory_space<vmem>> -> memref<4x50xi32, #tpu.memory_space<vmem>>
      %dma_start3A_376 = arith.constant 0 : i32
      %dma_start3A_377 = tpu.memref_slice %dma_start3A_375[%dma_start3A_360, %dma_start3A_376] : memref<4x50xi32, #tpu.memory_space<vmem>> -> memref<1x50xi32, #tpu.memory_space<vmem>>
      %dma_start3A_378 = tpu.memref_squeeze %dma_start3A_377 : memref<1x50xi32, #tpu.memory_space<vmem>> -> memref<50xi32, #tpu.memory_space<vmem>>
      %dma_start3A_379 = arith.constant 0 : i32
      %dma_start3A_380 = arith.constant 0 : i32
      %dma_start3A_381 = tpu.memref_slice %arg3[%dma_start3A_379, %dma_start3A_380] : memref<8000x64xf32, #tpu.memory_space<hbm>> -> memref<8000x64xf32, #tpu.memory_space<hbm>>
      tpu.enqueue_indirect_dma source(%dma_start3A_381 : memref<8000x64xf32, #tpu.memory_space<hbm>>) target(%dma_start3A_371 : memref<50x64xf32, #tpu.memory_space<vmem>>) offsets(%dma_start3A_378 : memref<50xi32, #tpu.memory_space<vmem>>) semaphore(%arg16 : memref<!tpu.dma_semaphore, #tpu.memory_space<semaphore_mem>>)
      %dma_start3A_382 = arith.constant 1 : i32
      %dma_start3A_383 = arith.constant 1 : i32
      %dma_start3A_384 = arith.constant 1 : i32
      %dma_start3A_385 = arith.constant 1 : i32
      %dma_start3A_386 = arith.constant 0 : i32
      %dma_start3A_387 = arith.constant 0 : i32
      %dma_start3A_388 = arith.constant 0 : i32
      %dma_start3A_389 = tpu.memref_slice %arg6[%dma_start3A_384, %dma_start3A_386, %dma_start3A_387, %dma_start3A_388] : memref<2x4x50x64xf32, #tpu.memory_space<vmem>> -> memref<1x4x50x64xf32, #tpu.memory_space<vmem>>
      %dma_start3A_390 = tpu.memref_squeeze %dma_start3A_389 : memref<1x4x50x64xf32, #tpu.memory_space<vmem>> -> memref<4x50x64xf32, #tpu.memory_space<vmem>>
      %dma_start3A_391 = arith.constant 0 : i32
      %dma_start3A_392 = arith.constant 0 : i32
      %dma_start3A_393 = tpu.memref_slice %dma_start3A_390[%dma_start3A_385, %dma_start3A_391, %dma_start3A_392] : memref<4x50x64xf32, #tpu.memory_space<vmem>> -> memref<1x50x64xf32, #tpu.memory_space<vmem>>
      %dma_start3A_394 = tpu.memref_squeeze %dma_start3A_393 : memref<1x50x64xf32, #tpu.memory_space<vmem>> -> memref<50x64xf32, #tpu.memory_space<vmem>>
      %dma_start3A_395 = arith.constant 0 : i32
      %dma_start3A_396 = arith.constant 0 : i32
      %dma_start3A_397 = tpu.memref_slice %arg5[%dma_start3A_382, %dma_start3A_395, %dma_start3A_396] : memref<8x4x50xi32, #tpu.memory_space<vmem>> -> memref<1x4x50xi32, #tpu.memory_space<vmem>>
      %dma_start3A_398 = tpu.memref_squeeze %dma_start3A_397 : memref<1x4x50xi32, #tpu.memory_space<vmem>> -> memref<4x50xi32, #tpu.memory_space<vmem>>
      %dma_start3A_399 = arith.constant 0 : i32
      %dma_start3A_400 = tpu.memref_slice %dma_start3A_398[%dma_start3A_383, %dma_start3A_399] : memref<4x50xi32, #tpu.memory_space<vmem>> -> memref<1x50xi32, #tpu.memory_space<vmem>>
      %dma_start3A_401 = tpu.memref_squeeze %dma_start3A_400 : memref<1x50xi32, #tpu.memory_space<vmem>> -> memref<50xi32, #tpu.memory_space<vmem>>
      %dma_start3A_402 = arith.constant 0 : i32
      %dma_start3A_403 = arith.constant 0 : i32
      %dma_start3A_404 = tpu.memref_slice %arg3[%dma_start3A_402, %dma_start3A_403] : memref<8000x64xf32, #tpu.memory_space<hbm>> -> memref<8000x64xf32, #tpu.memory_space<hbm>>
      tpu.enqueue_indirect_dma source(%dma_start3A_404 : memref<8000x64xf32, #tpu.memory_space<hbm>>) target(%dma_start3A_394 : memref<50x64xf32, #tpu.memory_space<vmem>>) offsets(%dma_start3A_401 : memref<50xi32, #tpu.memory_space<vmem>>) semaphore(%arg16 : memref<!tpu.dma_semaphore, #tpu.memory_space<semaphore_mem>>)
      %dma_start3A_405 = arith.constant 1 : i32
      %dma_start3A_406 = arith.constant 2 : i32
      %dma_start3A_407 = arith.constant 1 : i32
      %dma_start3A_408 = arith.constant 2 : i32
      %dma_start3A_409 = arith.constant 0 : i32
      %dma_start3A_410 = arith.constant 0 : i32
      %dma_start3A_411 = arith.constant 0 : i32
      %dma_start3A_412 = tpu.memref_slice %arg6[%dma_start3A_407, %dma_start3A_409, %dma_start3A_410, %dma_start3A_411] : memref<2x4x50x64xf32, #tpu.memory_space<vmem>> -> memref<1x4x50x64xf32, #tpu.memory_space<vmem>>
      %dma_start3A_413 = tpu.memref_squeeze %dma_start3A_412 : memref<1x4x50x64xf32, #tpu.memory_space<vmem>> -> memref<4x50x64xf32, #tpu.memory_space<vmem>>
      %dma_start3A_414 = arith.constant 0 : i32
      %dma_start3A_415 = arith.constant 0 : i32
      %dma_start3A_416 = tpu.memref_slice %dma_start3A_413[%dma_start3A_408, %dma_start3A_414, %dma_start3A_415] : memref<4x50x64xf32, #tpu.memory_space<vmem>> -> memref<1x50x64xf32, #tpu.memory_space<vmem>>
      %dma_start3A_417 = tpu.memref_squeeze %dma_start3A_416 : memref<1x50x64xf32, #tpu.memory_space<vmem>> -> memref<50x64xf32, #tpu.memory_space<vmem>>
      %dma_start3A_418 = arith.constant 0 : i32
      %dma_start3A_419 = arith.constant 0 : i32
      %dma_start3A_420 = tpu.memref_slice %arg5[%dma_start3A_405, %dma_start3A_418, %dma_start3A_419] : memref<8x4x50xi32, #tpu.memory_space<vmem>> -> memref<1x4x50xi32, #tpu.memory_space<vmem>>
      %dma_start3A_421 = tpu.memref_squeeze %dma_start3A_420 : memref<1x4x50xi32, #tpu.memory_space<vmem>> -> memref<4x50xi32, #tpu.memory_space<vmem>>
      %dma_start3A_422 = arith.constant 0 : i32
      %dma_start3A_423 = tpu.memref_slice %dma_start3A_421[%dma_start3A_406, %dma_start3A_422] : memref<4x50xi32, #tpu.memory_space<vmem>> -> memref<1x50xi32, #tpu.memory_space<vmem>>
      %dma_start3A_424 = tpu.memref_squeeze %dma_start3A_423 : memref<1x50xi32, #tpu.memory_space<vmem>> -> memref<50xi32, #tpu.memory_space<vmem>>
      %dma_start3A_425 = arith.constant 0 : i32
      %dma_start3A_426 = arith.constant 0 : i32
      %dma_start3A_427 = tpu.memref_slice %arg3[%dma_start3A_425, %dma_start3A_426] : memref<8000x64xf32, #tpu.memory_space<hbm>> -> memref<8000x64xf32, #tpu.memory_space<hbm>>
      tpu.enqueue_indirect_dma source(%dma_start3A_427 : memref<8000x64xf32, #tpu.memory_space<hbm>>) target(%dma_start3A_417 : memref<50x64xf32, #tpu.memory_space<vmem>>) offsets(%dma_start3A_424 : memref<50xi32, #tpu.memory_space<vmem>>) semaphore(%arg16 : memref<!tpu.dma_semaphore, #tpu.memory_space<semaphore_mem>>)
      %dma_start3A_428 = arith.constant 1 : i32
      %dma_start3A_429 = arith.constant 3 : i32
      %dma_start3A_430 = arith.constant 1 : i32
      %dma_start3A_431 = arith.constant 3 : i32
      %dma_start3A_432 = arith.constant 0 : i32
      %dma_start3A_433 = arith.constant 0 : i32
      %dma_start3A_434 = arith.constant 0 : i32
      %dma_start3A_435 = tpu.memref_slice %arg6[%dma_start3A_430, %dma_start3A_432, %dma_start3A_433, %dma_start3A_434] : memref<2x4x50x64xf32, #tpu.memory_space<vmem>> -> memref<1x4x50x64xf32, #tpu.memory_space<vmem>>
      %dma_start3A_436 = tpu.memref_squeeze %dma_start3A_435 : memref<1x4x50x64xf32, #tpu.memory_space<vmem>> -> memref<4x50x64xf32, #tpu.memory_space<vmem>>
      %dma_start3A_437 = arith.constant 0 : i32
      %dma_start3A_438 = arith.constant 0 : i32
      %dma_start3A_439 = tpu.memref_slice %dma_start3A_436[%dma_start3A_431, %dma_start3A_437, %dma_start3A_438] : memref<4x50x64xf32, #tpu.memory_space<vmem>> -> memref<1x50x64xf32, #tpu.memory_space<vmem>>
      %dma_start3A_440 = tpu.memref_squeeze %dma_start3A_439 : memref<1x50x64xf32, #tpu.memory_space<vmem>> -> memref<50x64xf32, #tpu.memory_space<vmem>>
      %dma_start3A_441 = arith.constant 0 : i32
      %dma_start3A_442 = arith.constant 0 : i32
      %dma_start3A_443 = tpu.memref_slice %arg5[%dma_start3A_428, %dma_start3A_441, %dma_start3A_442] : memref<8x4x50xi32, #tpu.memory_space<vmem>> -> memref<1x4x50xi32, #tpu.memory_space<vmem>>
      %dma_start3A_444 = tpu.memref_squeeze %dma_start3A_443 : memref<1x4x50xi32, #tpu.memory_space<vmem>> -> memref<4x50xi32, #tpu.memory_space<vmem>>
      %dma_start3A_445 = arith.constant 0 : i32
      %dma_start3A_446 = tpu.memref_slice %dma_start3A_444[%dma_start3A_429, %dma_start3A_445] : memref<4x50xi32, #tpu.memory_space<vmem>> -> memref<1x50xi32, #tpu.memory_space<vmem>>
      %dma_start3A_447 = tpu.memref_squeeze %dma_start3A_446 : memref<1x50xi32, #tpu.memory_space<vmem>> -> memref<50xi32, #tpu.memory_space<vmem>>
      %dma_start3A_448 = arith.constant 0 : i32
      %dma_start3A_449 = arith.constant 0 : i32
      %dma_start3A_450 = tpu.memref_slice %arg3[%dma_start3A_448, %dma_start3A_449] : memref<8000x64xf32, #tpu.memory_space<hbm>> -> memref<8000x64xf32, #tpu.memory_space<hbm>>
      tpu.enqueue_indirect_dma source(%dma_start3A_450 : memref<8000x64xf32, #tpu.memory_space<hbm>>) target(%dma_start3A_440 : memref<50x64xf32, #tpu.memory_space<vmem>>) offsets(%dma_start3A_447 : memref<50xi32, #tpu.memory_space<vmem>>) semaphore(%arg16 : memref<!tpu.dma_semaphore, #tpu.memory_space<semaphore_mem>>)
      %dma_wait3A_451 = arith.constant 1 : i32
      %dma_wait3A_452 = arith.constant 0 : i32
      %dma_wait3A_453 = arith.constant 1 : i32
      %dma_wait3A_454 = arith.constant 0 : i32
      %dma_wait3A_455 = arith.constant 0 : i32
      %dma_wait3A_456 = arith.constant 0 : i32
      %dma_wait3A_457 = arith.constant 0 : i32
      %dma_wait3A_458 = tpu.memref_slice %arg6[%dma_wait3A_453, %dma_wait3A_455, %dma_wait3A_456, %dma_wait3A_457] : memref<2x4x50x64xf32, #tpu.memory_space<vmem>> -> memref<1x4x50x64xf32, #tpu.memory_space<vmem>>
      %dma_wait3A_459 = tpu.memref_squeeze %dma_wait3A_458 : memref<1x4x50x64xf32, #tpu.memory_space<vmem>> -> memref<4x50x64xf32, #tpu.memory_space<vmem>>
      %dma_wait3A_460 = arith.constant 0 : i32
      %dma_wait3A_461 = arith.constant 0 : i32
      %dma_wait3A_462 = tpu.memref_slice %dma_wait3A_459[%dma_wait3A_454, %dma_wait3A_460, %dma_wait3A_461] : memref<4x50x64xf32, #tpu.memory_space<vmem>> -> memref<1x50x64xf32, #tpu.memory_space<vmem>>
      %dma_wait3A_463 = tpu.memref_squeeze %dma_wait3A_462 : memref<1x50x64xf32, #tpu.memory_space<vmem>> -> memref<50x64xf32, #tpu.memory_space<vmem>>
      %dma_wait3A_464 = arith.constant 0 : i32
      %dma_wait3A_465 = arith.constant 0 : i32
      %dma_wait3A_466 = tpu.memref_slice %arg5[%dma_wait3A_451, %dma_wait3A_464, %dma_wait3A_465] : memref<8x4x50xi32, #tpu.memory_space<vmem>> -> memref<1x4x50xi32, #tpu.memory_space<vmem>>
      %dma_wait3A_467 = tpu.memref_squeeze %dma_wait3A_466 : memref<1x4x50xi32, #tpu.memory_space<vmem>> -> memref<4x50xi32, #tpu.memory_space<vmem>>
      %dma_wait3A_468 = arith.constant 0 : i32
      %dma_wait3A_469 = tpu.memref_slice %dma_wait3A_467[%dma_wait3A_452, %dma_wait3A_468] : memref<4x50xi32, #tpu.memory_space<vmem>> -> memref<1x50xi32, #tpu.memory_space<vmem>>
      %dma_wait3A_470 = tpu.memref_squeeze %dma_wait3A_469 : memref<1x50xi32, #tpu.memory_space<vmem>> -> memref<50xi32, #tpu.memory_space<vmem>>
      %dma_wait3A_471 = arith.constant 0 : i32
      %dma_wait3A_472 = arith.constant 0 : i32
      %dma_wait3A_473 = tpu.memref_slice %arg3[%dma_wait3A_471, %dma_wait3A_472] : memref<8000x64xf32, #tpu.memory_space<hbm>> -> memref<8000x64xf32, #tpu.memory_space<hbm>>
      tpu.wait_indirect_dma semaphore(%arg16 : memref<!tpu.dma_semaphore, #tpu.memory_space<semaphore_mem>>) src(%dma_wait3A_473 : memref<8000x64xf32, #tpu.memory_space<hbm>>) dst(%dma_wait3A_463 : memref<50x64xf32, #tpu.memory_space<vmem>>)
      %dma_wait3A_474 = arith.constant 1 : i32
      %dma_wait3A_475 = arith.constant 1 : i32
      %dma_wait3A_476 = arith.constant 1 : i32
      %dma_wait3A_477 = arith.constant 1 : i32
      %dma_wait3A_478 = arith.constant 0 : i32
      %dma_wait3A_479 = arith.constant 0 : i32
      %dma_wait3A_480 = arith.constant 0 : i32
      %dma_wait3A_481 = tpu.memref_slice %arg6[%dma_wait3A_476, %dma_wait3A_478, %dma_wait3A_479, %dma_wait3A_480] : memref<2x4x50x64xf32, #tpu.memory_space<vmem>> -> memref<1x4x50x64xf32, #tpu.memory_space<vmem>>
      %dma_wait3A_482 = tpu.memref_squeeze %dma_wait3A_481 : memref<1x4x50x64xf32, #tpu.memory_space<vmem>> -> memref<4x50x64xf32, #tpu.memory_space<vmem>>
      %dma_wait3A_483 = arith.constant 0 : i32
      %dma_wait3A_484 = arith.constant 0 : i32
      %dma_wait3A_485 = tpu.memref_slice %dma_wait3A_482[%dma_wait3A_477, %dma_wait3A_483, %dma_wait3A_484] : memref<4x50x64xf32, #tpu.memory_space<vmem>> -> memref<1x50x64xf32, #tpu.memory_space<vmem>>
      %dma_wait3A_486 = tpu.memref_squeeze %dma_wait3A_485 : memref<1x50x64xf32, #tpu.memory_space<vmem>> -> memref<50x64xf32, #tpu.memory_space<vmem>>
      %dma_wait3A_487 = arith.constant 0 : i32
      %dma_wait3A_488 = arith.constant 0 : i32
      %dma_wait3A_489 = tpu.memref_slice %arg5[%dma_wait3A_474, %dma_wait3A_487, %dma_wait3A_488] : memref<8x4x50xi32, #tpu.memory_space<vmem>> -> memref<1x4x50xi32, #tpu.memory_space<vmem>>
      %dma_wait3A_490 = tpu.memref_squeeze %dma_wait3A_489 : memref<1x4x50xi32, #tpu.memory_space<vmem>> -> memref<4x50xi32, #tpu.memory_space<vmem>>
      %dma_wait3A_491 = arith.constant 0 : i32
      %dma_wait3A_492 = tpu.memref_slice %dma_wait3A_490[%dma_wait3A_475, %dma_wait3A_491] : memref<4x50xi32, #tpu.memory_space<vmem>> -> memref<1x50xi32, #tpu.memory_space<vmem>>
      %dma_wait3A_493 = tpu.memref_squeeze %dma_wait3A_492 : memref<1x50xi32, #tpu.memory_space<vmem>> -> memref<50xi32, #tpu.memory_space<vmem>>
      %dma_wait3A_494 = arith.constant 0 : i32
      %dma_wait3A_495 = arith.constant 0 : i32
      %dma_wait3A_496 = tpu.memref_slice %arg3[%dma_wait3A_494, %dma_wait3A_495] : memref<8000x64xf32, #tpu.memory_space<hbm>> -> memref<8000x64xf32, #tpu.memory_space<hbm>>
      tpu.wait_indirect_dma semaphore(%arg16 : memref<!tpu.dma_semaphore, #tpu.memory_space<semaphore_mem>>) src(%dma_wait3A_496 : memref<8000x64xf32, #tpu.memory_space<hbm>>) dst(%dma_wait3A_486 : memref<50x64xf32, #tpu.memory_space<vmem>>)
      %dma_wait3A_497 = arith.constant 1 : i32
      %dma_wait3A_498 = arith.constant 2 : i32
      %dma_wait3A_499 = arith.constant 1 : i32
      %dma_wait3A_500 = arith.constant 2 : i32
      %dma_wait3A_501 = arith.constant 0 : i32
      %dma_wait3A_502 = arith.constant 0 : i32
      %dma_wait3A_503 = arith.constant 0 : i32
      %dma_wait3A_504 = tpu.memref_slice %arg6[%dma_wait3A_499, %dma_wait3A_501, %dma_wait3A_502, %dma_wait3A_503] : memref<2x4x50x64xf32, #tpu.memory_space<vmem>> -> memref<1x4x50x64xf32, #tpu.memory_space<vmem>>
      %dma_wait3A_505 = tpu.memref_squeeze %dma_wait3A_504 : memref<1x4x50x64xf32, #tpu.memory_space<vmem>> -> memref<4x50x64xf32, #tpu.memory_space<vmem>>
      %dma_wait3A_506 = arith.constant 0 : i32
      %dma_wait3A_507 = arith.constant 0 : i32
      %dma_wait3A_508 = tpu.memref_slice %dma_wait3A_505[%dma_wait3A_500, %dma_wait3A_506, %dma_wait3A_507] : memref<4x50x64xf32, #tpu.memory_space<vmem>> -> memref<1x50x64xf32, #tpu.memory_space<vmem>>
      %dma_wait3A_509 = tpu.memref_squeeze %dma_wait3A_508 : memref<1x50x64xf32, #tpu.memory_space<vmem>> -> memref<50x64xf32, #tpu.memory_space<vmem>>
      %dma_wait3A_510 = arith.constant 0 : i32
      %dma_wait3A_511 = arith.constant 0 : i32
      %dma_wait3A_512 = tpu.memref_slice %arg5[%dma_wait3A_497, %dma_wait3A_510, %dma_wait3A_511] : memref<8x4x50xi32, #tpu.memory_space<vmem>> -> memref<1x4x50xi32, #tpu.memory_space<vmem>>
      %dma_wait3A_513 = tpu.memref_squeeze %dma_wait3A_512 : memref<1x4x50xi32, #tpu.memory_space<vmem>> -> memref<4x50xi32, #tpu.memory_space<vmem>>
      %dma_wait3A_514 = arith.constant 0 : i32
      %dma_wait3A_515 = tpu.memref_slice %dma_wait3A_513[%dma_wait3A_498, %dma_wait3A_514] : memref<4x50xi32, #tpu.memory_space<vmem>> -> memref<1x50xi32, #tpu.memory_space<vmem>>
      %dma_wait3A_516 = tpu.memref_squeeze %dma_wait3A_515 : memref<1x50xi32, #tpu.memory_space<vmem>> -> memref<50xi32, #tpu.memory_space<vmem>>
      %dma_wait3A_517 = arith.constant 0 : i32
      %dma_wait3A_518 = arith.constant 0 : i32
      %dma_wait3A_519 = tpu.memref_slice %arg3[%dma_wait3A_517, %dma_wait3A_518] : memref<8000x64xf32, #tpu.memory_space<hbm>> -> memref<8000x64xf32, #tpu.memory_space<hbm>>
      tpu.wait_indirect_dma semaphore(%arg16 : memref<!tpu.dma_semaphore, #tpu.memory_space<semaphore_mem>>) src(%dma_wait3A_519 : memref<8000x64xf32, #tpu.memory_space<hbm>>) dst(%dma_wait3A_509 : memref<50x64xf32, #tpu.memory_space<vmem>>)
      %dma_wait3A_520 = arith.constant 1 : i32
      %dma_wait3A_521 = arith.constant 3 : i32
      %dma_wait3A_522 = arith.constant 1 : i32
      %dma_wait3A_523 = arith.constant 3 : i32
      %dma_wait3A_524 = arith.constant 0 : i32
      %dma_wait3A_525 = arith.constant 0 : i32
      %dma_wait3A_526 = arith.constant 0 : i32
      %dma_wait3A_527 = tpu.memref_slice %arg6[%dma_wait3A_522, %dma_wait3A_524, %dma_wait3A_525, %dma_wait3A_526] : memref<2x4x50x64xf32, #tpu.memory_space<vmem>> -> memref<1x4x50x64xf32, #tpu.memory_space<vmem>>
      %dma_wait3A_528 = tpu.memref_squeeze %dma_wait3A_527 : memref<1x4x50x64xf32, #tpu.memory_space<vmem>> -> memref<4x50x64xf32, #tpu.memory_space<vmem>>
      %dma_wait3A_529 = arith.constant 0 : i32
      %dma_wait3A_530 = arith.constant 0 : i32
      %dma_wait3A_531 = tpu.memref_slice %dma_wait3A_528[%dma_wait3A_523, %dma_wait3A_529, %dma_wait3A_530] : memref<4x50x64xf32, #tpu.memory_space<vmem>> -> memref<1x50x64xf32, #tpu.memory_space<vmem>>
      %dma_wait3A_532 = tpu.memref_squeeze %dma_wait3A_531 : memref<1x50x64xf32, #tpu.memory_space<vmem>> -> memref<50x64xf32, #tpu.memory_space<vmem>>
      %dma_wait3A_533 = arith.constant 0 : i32
      %dma_wait3A_534 = arith.constant 0 : i32
      %dma_wait3A_535 = tpu.memref_slice %arg5[%dma_wait3A_520, %dma_wait3A_533, %dma_wait3A_534] : memref<8x4x50xi32, #tpu.memory_space<vmem>> -> memref<1x4x50xi32, #tpu.memory_space<vmem>>
      %dma_wait3A_536 = tpu.memref_squeeze %dma_wait3A_535 : memref<1x4x50xi32, #tpu.memory_space<vmem>> -> memref<4x50xi32, #tpu.memory_space<vmem>>
      %dma_wait3A_537 = arith.constant 0 : i32
      %dma_wait3A_538 = tpu.memref_slice %dma_wait3A_536[%dma_wait3A_521, %dma_wait3A_537] : memref<4x50xi32, #tpu.memory_space<vmem>> -> memref<1x50xi32, #tpu.memory_space<vmem>>
      %dma_wait3A_539 = tpu.memref_squeeze %dma_wait3A_538 : memref<1x50xi32, #tpu.memory_space<vmem>> -> memref<50xi32, #tpu.memory_space<vmem>>
      %dma_wait3A_540 = arith.constant 0 : i32
      %dma_wait3A_541 = arith.constant 0 : i32
      %dma_wait3A_542 = tpu.memref_slice %arg3[%dma_wait3A_540, %dma_wait3A_541] : memref<8000x64xf32, #tpu.memory_space<hbm>> -> memref<8000x64xf32, #tpu.memory_space<hbm>>
      tpu.wait_indirect_dma semaphore(%arg16 : memref<!tpu.dma_semaphore, #tpu.memory_space<semaphore_mem>>) src(%dma_wait3A_542 : memref<8000x64xf32, #tpu.memory_space<hbm>>) dst(%dma_wait3A_532 : memref<50x64xf32, #tpu.memory_space<vmem>>)
      %add3A_543 = arith.constant 4 : i32
      %add3A_544 = arith.addi %add3A_11, %add3A_543 : i32
      %dma_start3A_545 = arith.constant 1 : i32
      %dma_start3A_546 = arith.constant 0 : i32
      %dma_start3A_547 = arith.constant 0 : i32
      %dma_start3A_548 = arith.constant 0 : i32
      %dma_start3A_549 = tpu.memref_slice %arg6[%dma_start3A_545, %dma_start3A_546, %dma_start3A_547, %dma_start3A_548] : memref<2x4x50x64xf32, #tpu.memory_space<vmem>> -> memref<1x4x50x64xf32, #tpu.memory_space<vmem>>
      %dma_start3A_550 = tpu.memref_squeeze %dma_start3A_549 : memref<1x4x50x64xf32, #tpu.memory_space<vmem>> -> memref<4x50x64xf32, #tpu.memory_space<vmem>>
      %dma_start3A_551 = arith.constant 0 : i32
      %dma_start3A_552 = arith.constant 0 : i32
      %dma_start3A_553 = tpu.memref_slice %arg4[%add3A_544, %dma_start3A_551, %dma_start3A_552] : memref<16384x50x64xf32, #tpu.memory_space<hbm>> -> memref<4x50x64xf32, #tpu.memory_space<hbm>>
      %dma_start3A_554 = arith.constant 0 : i32
      %dma_start3A_555 = arith.constant 0 : i32
      %dma_start3A_556 = tpu.memref_slice %arg4[%add3A_544, %dma_start3A_554, %dma_start3A_555] : memref<16384x50x64xf32, #tpu.memory_space<hbm>> -> memref<4x50x64xf32, #tpu.memory_space<hbm>>
      %dma_start3A_557 = arith.constant 0 : i32
      %dma_start3A_558 = arith.constant 0 : i32
      %dma_start3A_559 = arith.constant 0 : i32
      %dma_start3A_560 = tpu.memref_slice %arg6[%dma_start3A_545, %dma_start3A_557, %dma_start3A_558, %dma_start3A_559] : memref<2x4x50x64xf32, #tpu.memory_space<vmem>> -> memref<1x4x50x64xf32, #tpu.memory_space<vmem>>
      %dma_start3A_561 = tpu.memref_squeeze %dma_start3A_560 : memref<1x4x50x64xf32, #tpu.memory_space<vmem>> -> memref<4x50x64xf32, #tpu.memory_space<vmem>>
      tpu.enqueue_dma source(%dma_start3A_561 : memref<4x50x64xf32, #tpu.memory_space<vmem>>) target(%dma_start3A_556 : memref<4x50x64xf32, #tpu.memory_space<hbm>>) target_semaphore(%arg18 : memref<!tpu.dma_semaphore, #tpu.memory_space<semaphore_mem>>)
      %dma_wait3A_562 = arith.constant 2 : i32
      %dma_wait3A_563 = arith.constant 0 : i32
      %dma_wait3A_564 = arith.constant 0 : i32
      %dma_wait3A_565 = tpu.memref_slice %arg5[%dma_wait3A_562, %dma_wait3A_563, %dma_wait3A_564] : memref<8x4x50xi32, #tpu.memory_space<vmem>> -> memref<1x4x50xi32, #tpu.memory_space<vmem>>
      %dma_wait3A_566 = tpu.memref_squeeze %dma_wait3A_565 : memref<1x4x50xi32, #tpu.memory_space<vmem>> -> memref<4x50xi32, #tpu.memory_space<vmem>>
      %dma_wait3A_567 = arith.constant 0 : i32
      %dma_wait3A_568 = tpu.memref_slice %arg2[%add3A_42, %dma_wait3A_567] : memref<16384x50xi32, #tpu.memory_space<hbm>> -> memref<4x50xi32, #tpu.memory_space<hbm>>
      %dma_wait3A_569 = arith.constant 0 : i32
      %dma_wait3A_570 = arith.constant 0 : i32
      %dma_wait3A_571 = tpu.memref_slice %arg5[%dma_wait3A_562, %dma_wait3A_569, %dma_wait3A_570] : memref<8x4x50xi32, #tpu.memory_space<vmem>> -> memref<1x4x50xi32, #tpu.memory_space<vmem>>
      %dma_wait3A_572 = tpu.memref_squeeze %dma_wait3A_571 : memref<1x4x50xi32, #tpu.memory_space<vmem>> -> memref<4x50xi32, #tpu.memory_space<vmem>>
      %dma_wait3A_573 = arith.constant 0 : i32
      %dma_wait3A_574 = tpu.memref_slice %arg2[%add3A_42, %dma_wait3A_573] : memref<16384x50xi32, #tpu.memory_space<hbm>> -> memref<4x50xi32, #tpu.memory_space<hbm>>
      tpu.wait_dma2 semaphore(%arg9 : memref<!tpu.dma_semaphore, #tpu.memory_space<semaphore_mem>>) src(%dma_wait3A_574 : memref<4x50xi32, #tpu.memory_space<hbm>>) dst(%dma_wait3A_572 : memref<4x50xi32, #tpu.memory_space<vmem>>)
      %dma_wait3A_575 = arith.constant 0 : i32
      %dma_wait3A_576 = arith.constant 0 : i32
      %dma_wait3A_577 = arith.constant 0 : i32
      %dma_wait3A_578 = arith.constant 0 : i32
      %dma_wait3A_579 = tpu.memref_slice %arg6[%dma_wait3A_575, %dma_wait3A_576, %dma_wait3A_577, %dma_wait3A_578] : memref<2x4x50x64xf32, #tpu.memory_space<vmem>> -> memref<1x4x50x64xf32, #tpu.memory_space<vmem>>
      %dma_wait3A_580 = tpu.memref_squeeze %dma_wait3A_579 : memref<1x4x50x64xf32, #tpu.memory_space<vmem>> -> memref<4x50x64xf32, #tpu.memory_space<vmem>>
      %dma_wait3A_581 = arith.constant 0 : i32
      %dma_wait3A_582 = arith.constant 0 : i32
      %dma_wait3A_583 = tpu.memref_slice %arg4[%add3A_328, %dma_wait3A_581, %dma_wait3A_582] : memref<16384x50x64xf32, #tpu.memory_space<hbm>> -> memref<4x50x64xf32, #tpu.memory_space<hbm>>
      %dma_wait3A_584 = arith.constant 0 : i32
      %dma_wait3A_585 = arith.constant 0 : i32
      %dma_wait3A_586 = tpu.memref_slice %arg4[%add3A_328, %dma_wait3A_584, %dma_wait3A_585] : memref<16384x50x64xf32, #tpu.memory_space<hbm>> -> memref<4x50x64xf32, #tpu.memory_space<hbm>>
      %dma_wait3A_587 = arith.constant 0 : i32
      %dma_wait3A_588 = arith.constant 0 : i32
      %dma_wait3A_589 = arith.constant 0 : i32
      %dma_wait3A_590 = tpu.memref_slice %arg6[%dma_wait3A_575, %dma_wait3A_587, %dma_wait3A_588, %dma_wait3A_589] : memref<2x4x50x64xf32, #tpu.memory_space<vmem>> -> memref<1x4x50x64xf32, #tpu.memory_space<vmem>>
      %dma_wait3A_591 = tpu.memref_squeeze %dma_wait3A_590 : memref<1x4x50x64xf32, #tpu.memory_space<vmem>> -> memref<4x50x64xf32, #tpu.memory_space<vmem>>
      tpu.wait_dma2 semaphore(%arg17 : memref<!tpu.dma_semaphore, #tpu.memory_space<semaphore_mem>>) src(%dma_wait3A_591 : memref<4x50x64xf32, #tpu.memory_space<vmem>>) dst(%dma_wait3A_586 : memref<4x50x64xf32, #tpu.memory_space<hbm>>)
      %dma_start3A_592 = arith.constant 2 : i32
      %dma_start3A_593 = arith.constant 0 : i32
      %dma_start3A_594 = arith.constant 0 : i32
      %dma_start3A_595 = arith.constant 0 : i32
      %dma_start3A_596 = arith.constant 0 : i32
      %dma_start3A_597 = arith.constant 0 : i32
      %dma_start3A_598 = arith.constant 0 : i32
      %dma_start3A_599 = tpu.memref_slice %arg6[%dma_start3A_594, %dma_start3A_596, %dma_start3A_597, %dma_start3A_598] : memref<2x4x50x64xf32, #tpu.memory_space<vmem>> -> memref<1x4x50x64xf32, #tpu.memory_space<vmem>>
      %dma_start3A_600 = tpu.memref_squeeze %dma_start3A_599 : memref<1x4x50x64xf32, #tpu.memory_space<vmem>> -> memref<4x50x64xf32, #tpu.memory_space<vmem>>
      %dma_start3A_601 = arith.constant 0 : i32
      %dma_start3A_602 = arith.constant 0 : i32
      %dma_start3A_603 = tpu.memref_slice %dma_start3A_600[%dma_start3A_595, %dma_start3A_601, %dma_start3A_602] : memref<4x50x64xf32, #tpu.memory_space<vmem>> -> memref<1x50x64xf32, #tpu.memory_space<vmem>>
      %dma_start3A_604 = tpu.memref_squeeze %dma_start3A_603 : memref<1x50x64xf32, #tpu.memory_space<vmem>> -> memref<50x64xf32, #tpu.memory_space<vmem>>
      %dma_start3A_605 = arith.constant 0 : i32
      %dma_start3A_606 = arith.constant 0 : i32
      %dma_start3A_607 = tpu.memref_slice %arg5[%dma_start3A_592, %dma_start3A_605, %dma_start3A_606] : memref<8x4x50xi32, #tpu.memory_space<vmem>> -> memref<1x4x50xi32, #tpu.memory_space<vmem>>
      %dma_start3A_608 = tpu.memref_squeeze %dma_start3A_607 : memref<1x4x50xi32, #tpu.memory_space<vmem>> -> memref<4x50xi32, #tpu.memory_space<vmem>>
      %dma_start3A_609 = arith.constant 0 : i32
      %dma_start3A_610 = tpu.memref_slice %dma_start3A_608[%dma_start3A_593, %dma_start3A_609] : memref<4x50xi32, #tpu.memory_space<vmem>> -> memref<1x50xi32, #tpu.memory_space<vmem>>
      %dma_start3A_611 = tpu.memref_squeeze %dma_start3A_610 : memref<1x50xi32, #tpu.memory_space<vmem>> -> memref<50xi32, #tpu.memory_space<vmem>>
      %dma_start3A_612 = arith.constant 0 : i32
      %dma_start3A_613 = arith.constant 0 : i32
      %dma_start3A_614 = tpu.memref_slice %arg3[%dma_start3A_612, %dma_start3A_613] : memref<8000x64xf32, #tpu.memory_space<hbm>> -> memref<8000x64xf32, #tpu.memory_space<hbm>>
      tpu.enqueue_indirect_dma source(%dma_start3A_614 : memref<8000x64xf32, #tpu.memory_space<hbm>>) target(%dma_start3A_604 : memref<50x64xf32, #tpu.memory_space<vmem>>) offsets(%dma_start3A_611 : memref<50xi32, #tpu.memory_space<vmem>>) semaphore(%arg15 : memref<!tpu.dma_semaphore, #tpu.memory_space<semaphore_mem>>)
      %dma_start3A_615 = arith.constant 2 : i32
      %dma_start3A_616 = arith.constant 1 : i32
      %dma_start3A_617 = arith.constant 0 : i32
      %dma_start3A_618 = arith.constant 1 : i32
      %dma_start3A_619 = arith.constant 0 : i32
      %dma_start3A_620 = arith.constant 0 : i32
      %dma_start3A_621 = arith.constant 0 : i32
      %dma_start3A_622 = tpu.memref_slice %arg6[%dma_start3A_617, %dma_start3A_619, %dma_start3A_620, %dma_start3A_621] : memref<2x4x50x64xf32, #tpu.memory_space<vmem>> -> memref<1x4x50x64xf32, #tpu.memory_space<vmem>>
      %dma_start3A_623 = tpu.memref_squeeze %dma_start3A_622 : memref<1x4x50x64xf32, #tpu.memory_space<vmem>> -> memref<4x50x64xf32, #tpu.memory_space<vmem>>
      %dma_start3A_624 = arith.constant 0 : i32
      %dma_start3A_625 = arith.constant 0 : i32
      %dma_start3A_626 = tpu.memref_slice %dma_start3A_623[%dma_start3A_618, %dma_start3A_624, %dma_start3A_625] : memref<4x50x64xf32, #tpu.memory_space<vmem>> -> memref<1x50x64xf32, #tpu.memory_space<vmem>>
      %dma_start3A_627 = tpu.memref_squeeze %dma_start3A_626 : memref<1x50x64xf32, #tpu.memory_space<vmem>> -> memref<50x64xf32, #tpu.memory_space<vmem>>
      %dma_start3A_628 = arith.constant 0 : i32
      %dma_start3A_629 = arith.constant 0 : i32
      %dma_start3A_630 = tpu.memref_slice %arg5[%dma_start3A_615, %dma_start3A_628, %dma_start3A_629] : memref<8x4x50xi32, #tpu.memory_space<vmem>> -> memref<1x4x50xi32, #tpu.memory_space<vmem>>
      %dma_start3A_631 = tpu.memref_squeeze %dma_start3A_630 : memref<1x4x50xi32, #tpu.memory_space<vmem>> -> memref<4x50xi32, #tpu.memory_space<vmem>>
      %dma_start3A_632 = arith.constant 0 : i32
      %dma_start3A_633 = tpu.memref_slice %dma_start3A_631[%dma_start3A_616, %dma_start3A_632] : memref<4x50xi32, #tpu.memory_space<vmem>> -> memref<1x50xi32, #tpu.memory_space<vmem>>
      %dma_start3A_634 = tpu.memref_squeeze %dma_start3A_633 : memref<1x50xi32, #tpu.memory_space<vmem>> -> memref<50xi32, #tpu.memory_space<vmem>>
      %dma_start3A_635 = arith.constant 0 : i32
      %dma_start3A_636 = arith.constant 0 : i32
      %dma_start3A_637 = tpu.memref_slice %arg3[%dma_start3A_635, %dma_start3A_636] : memref<8000x64xf32, #tpu.memory_space<hbm>> -> memref<8000x64xf32, #tpu.memory_space<hbm>>
      tpu.enqueue_indirect_dma source(%dma_start3A_637 : memref<8000x64xf32, #tpu.memory_space<hbm>>) target(%dma_start3A_627 : memref<50x64xf32, #tpu.memory_space<vmem>>) offsets(%dma_start3A_634 : memref<50xi32, #tpu.memory_space<vmem>>) semaphore(%arg15 : memref<!tpu.dma_semaphore, #tpu.memory_space<semaphore_mem>>)
      %dma_start3A_638 = arith.constant 2 : i32
      %dma_start3A_639 = arith.constant 2 : i32
      %dma_start3A_640 = arith.constant 0 : i32
      %dma_start3A_641 = arith.constant 2 : i32
      %dma_start3A_642 = arith.constant 0 : i32
      %dma_start3A_643 = arith.constant 0 : i32
      %dma_start3A_644 = arith.constant 0 : i32
      %dma_start3A_645 = tpu.memref_slice %arg6[%dma_start3A_640, %dma_start3A_642, %dma_start3A_643, %dma_start3A_644] : memref<2x4x50x64xf32, #tpu.memory_space<vmem>> -> memref<1x4x50x64xf32, #tpu.memory_space<vmem>>
      %dma_start3A_646 = tpu.memref_squeeze %dma_start3A_645 : memref<1x4x50x64xf32, #tpu.memory_space<vmem>> -> memref<4x50x64xf32, #tpu.memory_space<vmem>>
      %dma_start3A_647 = arith.constant 0 : i32
      %dma_start3A_648 = arith.constant 0 : i32
      %dma_start3A_649 = tpu.memref_slice %dma_start3A_646[%dma_start3A_641, %dma_start3A_647, %dma_start3A_648] : memref<4x50x64xf32, #tpu.memory_space<vmem>> -> memref<1x50x64xf32, #tpu.memory_space<vmem>>
      %dma_start3A_650 = tpu.memref_squeeze %dma_start3A_649 : memref<1x50x64xf32, #tpu.memory_space<vmem>> -> memref<50x64xf32, #tpu.memory_space<vmem>>
      %dma_start3A_651 = arith.constant 0 : i32
      %dma_start3A_652 = arith.constant 0 : i32
      %dma_start3A_653 = tpu.memref_slice %arg5[%dma_start3A_638, %dma_start3A_651, %dma_start3A_652] : memref<8x4x50xi32, #tpu.memory_space<vmem>> -> memref<1x4x50xi32, #tpu.memory_space<vmem>>
      %dma_start3A_654 = tpu.memref_squeeze %dma_start3A_653 : memref<1x4x50xi32, #tpu.memory_space<vmem>> -> memref<4x50xi32, #tpu.memory_space<vmem>>
      %dma_start3A_655 = arith.constant 0 : i32
      %dma_start3A_656 = tpu.memref_slice %dma_start3A_654[%dma_start3A_639, %dma_start3A_655] : memref<4x50xi32, #tpu.memory_space<vmem>> -> memref<1x50xi32, #tpu.memory_space<vmem>>
      %dma_start3A_657 = tpu.memref_squeeze %dma_start3A_656 : memref<1x50xi32, #tpu.memory_space<vmem>> -> memref<50xi32, #tpu.memory_space<vmem>>
      %dma_start3A_658 = arith.constant 0 : i32
      %dma_start3A_659 = arith.constant 0 : i32
      %dma_start3A_660 = tpu.memref_slice %arg3[%dma_start3A_658, %dma_start3A_659] : memref<8000x64xf32, #tpu.memory_space<hbm>> -> memref<8000x64xf32, #tpu.memory_space<hbm>>
      tpu.enqueue_indirect_dma source(%dma_start3A_660 : memref<8000x64xf32, #tpu.memory_space<hbm>>) target(%dma_start3A_650 : memref<50x64xf32, #tpu.memory_space<vmem>>) offsets(%dma_start3A_657 : memref<50xi32, #tpu.memory_space<vmem>>) semaphore(%arg15 : memref<!tpu.dma_semaphore, #tpu.memory_space<semaphore_mem>>)
      %dma_start3A_661 = arith.constant 2 : i32
      %dma_start3A_662 = arith.constant 3 : i32
      %dma_start3A_663 = arith.constant 0 : i32
      %dma_start3A_664 = arith.constant 3 : i32
      %dma_start3A_665 = arith.constant 0 : i32
      %dma_start3A_666 = arith.constant 0 : i32
      %dma_start3A_667 = arith.constant 0 : i32
      %dma_start3A_668 = tpu.memref_slice %arg6[%dma_start3A_663, %dma_start3A_665, %dma_start3A_666, %dma_start3A_667] : memref<2x4x50x64xf32, #tpu.memory_space<vmem>> -> memref<1x4x50x64xf32, #tpu.memory_space<vmem>>
      %dma_start3A_669 = tpu.memref_squeeze %dma_start3A_668 : memref<1x4x50x64xf32, #tpu.memory_space<vmem>> -> memref<4x50x64xf32, #tpu.memory_space<vmem>>
      %dma_start3A_670 = arith.constant 0 : i32
      %dma_start3A_671 = arith.constant 0 : i32
      %dma_start3A_672 = tpu.memref_slice %dma_start3A_669[%dma_start3A_664, %dma_start3A_670, %dma_start3A_671] : memref<4x50x64xf32, #tpu.memory_space<vmem>> -> memref<1x50x64xf32, #tpu.memory_space<vmem>>
      %dma_start3A_673 = tpu.memref_squeeze %dma_start3A_672 : memref<1x50x64xf32, #tpu.memory_space<vmem>> -> memref<50x64xf32, #tpu.memory_space<vmem>>
      %dma_start3A_674 = arith.constant 0 : i32
      %dma_start3A_675 = arith.constant 0 : i32
      %dma_start3A_676 = tpu.memref_slice %arg5[%dma_start3A_661, %dma_start3A_674, %dma_start3A_675] : memref<8x4x50xi32, #tpu.memory_space<vmem>> -> memref<1x4x50xi32, #tpu.memory_space<vmem>>
      %dma_start3A_677 = tpu.memref_squeeze %dma_start3A_676 : memref<1x4x50xi32, #tpu.memory_space<vmem>> -> memref<4x50xi32, #tpu.memory_space<vmem>>
      %dma_start3A_678 = arith.constant 0 : i32
      %dma_start3A_679 = tpu.memref_slice %dma_start3A_677[%dma_start3A_662, %dma_start3A_678] : memref<4x50xi32, #tpu.memory_space<vmem>> -> memref<1x50xi32, #tpu.memory_space<vmem>>
      %dma_start3A_680 = tpu.memref_squeeze %dma_start3A_679 : memref<1x50xi32, #tpu.memory_space<vmem>> -> memref<50xi32, #tpu.memory_space<vmem>>
      %dma_start3A_681 = arith.constant 0 : i32
      %dma_start3A_682 = arith.constant 0 : i32
      %dma_start3A_683 = tpu.memref_slice %arg3[%dma_start3A_681, %dma_start3A_682] : memref<8000x64xf32, #tpu.memory_space<hbm>> -> memref<8000x64xf32, #tpu.memory_space<hbm>>
      tpu.enqueue_indirect_dma source(%dma_start3A_683 : memref<8000x64xf32, #tpu.memory_space<hbm>>) target(%dma_start3A_673 : memref<50x64xf32, #tpu.memory_space<vmem>>) offsets(%dma_start3A_680 : memref<50xi32, #tpu.memory_space<vmem>>) semaphore(%arg15 : memref<!tpu.dma_semaphore, #tpu.memory_space<semaphore_mem>>)
      %dma_wait3A_684 = arith.constant 2 : i32
      %dma_wait3A_685 = arith.constant 0 : i32
      %dma_wait3A_686 = arith.constant 0 : i32
      %dma_wait3A_687 = arith.constant 0 : i32
      %dma_wait3A_688 = arith.constant 0 : i32
      %dma_wait3A_689 = arith.constant 0 : i32
      %dma_wait3A_690 = arith.constant 0 : i32
      %dma_wait3A_691 = tpu.memref_slice %arg6[%dma_wait3A_686, %dma_wait3A_688, %dma_wait3A_689, %dma_wait3A_690] : memref<2x4x50x64xf32, #tpu.memory_space<vmem>> -> memref<1x4x50x64xf32, #tpu.memory_space<vmem>>
      %dma_wait3A_692 = tpu.memref_squeeze %dma_wait3A_691 : memref<1x4x50x64xf32, #tpu.memory_space<vmem>> -> memref<4x50x64xf32, #tpu.memory_space<vmem>>
      %dma_wait3A_693 = arith.constant 0 : i32
      %dma_wait3A_694 = arith.constant 0 : i32
      %dma_wait3A_695 = tpu.memref_slice %dma_wait3A_692[%dma_wait3A_687, %dma_wait3A_693, %dma_wait3A_694] : memref<4x50x64xf32, #tpu.memory_space<vmem>> -> memref<1x50x64xf32, #tpu.memory_space<vmem>>
      %dma_wait3A_696 = tpu.memref_squeeze %dma_wait3A_695 : memref<1x50x64xf32, #tpu.memory_space<vmem>> -> memref<50x64xf32, #tpu.memory_space<vmem>>
      %dma_wait3A_697 = arith.constant 0 : i32
      %dma_wait3A_698 = arith.constant 0 : i32
      %dma_wait3A_699 = tpu.memref_slice %arg5[%dma_wait3A_684, %dma_wait3A_697, %dma_wait3A_698] : memref<8x4x50xi32, #tpu.memory_space<vmem>> -> memref<1x4x50xi32, #tpu.memory_space<vmem>>
      %dma_wait3A_700 = tpu.memref_squeeze %dma_wait3A_699 : memref<1x4x50xi32, #tpu.memory_space<vmem>> -> memref<4x50xi32, #tpu.memory_space<vmem>>
      %dma_wait3A_701 = arith.constant 0 : i32
      %dma_wait3A_702 = tpu.memref_slice %dma_wait3A_700[%dma_wait3A_685, %dma_wait3A_701] : memref<4x50xi32, #tpu.memory_space<vmem>> -> memref<1x50xi32, #tpu.memory_space<vmem>>
      %dma_wait3A_703 = tpu.memref_squeeze %dma_wait3A_702 : memref<1x50xi32, #tpu.memory_space<vmem>> -> memref<50xi32, #tpu.memory_space<vmem>>
      %dma_wait3A_704 = arith.constant 0 : i32
      %dma_wait3A_705 = arith.constant 0 : i32
      %dma_wait3A_706 = tpu.memref_slice %arg3[%dma_wait3A_704, %dma_wait3A_705] : memref<8000x64xf32, #tpu.memory_space<hbm>> -> memref<8000x64xf32, #tpu.memory_space<hbm>>
      tpu.wait_indirect_dma semaphore(%arg15 : memref<!tpu.dma_semaphore, #tpu.memory_space<semaphore_mem>>) src(%dma_wait3A_706 : memref<8000x64xf32, #tpu.memory_space<hbm>>) dst(%dma_wait3A_696 : memref<50x64xf32, #tpu.memory_space<vmem>>)
      %dma_wait3A_707 = arith.constant 2 : i32
      %dma_wait3A_708 = arith.constant 1 : i32
      %dma_wait3A_709 = arith.constant 0 : i32
      %dma_wait3A_710 = arith.constant 1 : i32
      %dma_wait3A_711 = arith.constant 0 : i32
      %dma_wait3A_712 = arith.constant 0 : i32
      %dma_wait3A_713 = arith.constant 0 : i32
      %dma_wait3A_714 = tpu.memref_slice %arg6[%dma_wait3A_709, %dma_wait3A_711, %dma_wait3A_712, %dma_wait3A_713] : memref<2x4x50x64xf32, #tpu.memory_space<vmem>> -> memref<1x4x50x64xf32, #tpu.memory_space<vmem>>
      %dma_wait3A_715 = tpu.memref_squeeze %dma_wait3A_714 : memref<1x4x50x64xf32, #tpu.memory_space<vmem>> -> memref<4x50x64xf32, #tpu.memory_space<vmem>>
      %dma_wait3A_716 = arith.constant 0 : i32
      %dma_wait3A_717 = arith.constant 0 : i32
      %dma_wait3A_718 = tpu.memref_slice %dma_wait3A_715[%dma_wait3A_710, %dma_wait3A_716, %dma_wait3A_717] : memref<4x50x64xf32, #tpu.memory_space<vmem>> -> memref<1x50x64xf32, #tpu.memory_space<vmem>>
      %dma_wait3A_719 = tpu.memref_squeeze %dma_wait3A_718 : memref<1x50x64xf32, #tpu.memory_space<vmem>> -> memref<50x64xf32, #tpu.memory_space<vmem>>
      %dma_wait3A_720 = arith.constant 0 : i32
      %dma_wait3A_721 = arith.constant 0 : i32
      %dma_wait3A_722 = tpu.memref_slice %arg5[%dma_wait3A_707, %dma_wait3A_720, %dma_wait3A_721] : memref<8x4x50xi32, #tpu.memory_space<vmem>> -> memref<1x4x50xi32, #tpu.memory_space<vmem>>
      %dma_wait3A_723 = tpu.memref_squeeze %dma_wait3A_722 : memref<1x4x50xi32, #tpu.memory_space<vmem>> -> memref<4x50xi32, #tpu.memory_space<vmem>>
      %dma_wait3A_724 = arith.constant 0 : i32
      %dma_wait3A_725 = tpu.memref_slice %dma_wait3A_723[%dma_wait3A_708, %dma_wait3A_724] : memref<4x50xi32, #tpu.memory_space<vmem>> -> memref<1x50xi32, #tpu.memory_space<vmem>>
      %dma_wait3A_726 = tpu.memref_squeeze %dma_wait3A_725 : memref<1x50xi32, #tpu.memory_space<vmem>> -> memref<50xi32, #tpu.memory_space<vmem>>
      %dma_wait3A_727 = arith.constant 0 : i32
      %dma_wait3A_728 = arith.constant 0 : i32
      %dma_wait3A_729 = tpu.memref_slice %arg3[%dma_wait3A_727, %dma_wait3A_728] : memref<8000x64xf32, #tpu.memory_space<hbm>> -> memref<8000x64xf32, #tpu.memory_space<hbm>>
      tpu.wait_indirect_dma semaphore(%arg15 : memref<!tpu.dma_semaphore, #tpu.memory_space<semaphore_mem>>) src(%dma_wait3A_729 : memref<8000x64xf32, #tpu.memory_space<hbm>>) dst(%dma_wait3A_719 : memref<50x64xf32, #tpu.memory_space<vmem>>)
      %dma_wait3A_730 = arith.constant 2 : i32
      %dma_wait3A_731 = arith.constant 2 : i32
      %dma_wait3A_732 = arith.constant 0 : i32
      %dma_wait3A_733 = arith.constant 2 : i32
      %dma_wait3A_734 = arith.constant 0 : i32
      %dma_wait3A_735 = arith.constant 0 : i32
      %dma_wait3A_736 = arith.constant 0 : i32
      %dma_wait3A_737 = tpu.memref_slice %arg6[%dma_wait3A_732, %dma_wait3A_734, %dma_wait3A_735, %dma_wait3A_736] : memref<2x4x50x64xf32, #tpu.memory_space<vmem>> -> memref<1x4x50x64xf32, #tpu.memory_space<vmem>>
      %dma_wait3A_738 = tpu.memref_squeeze %dma_wait3A_737 : memref<1x4x50x64xf32, #tpu.memory_space<vmem>> -> memref<4x50x64xf32, #tpu.memory_space<vmem>>
      %dma_wait3A_739 = arith.constant 0 : i32
      %dma_wait3A_740 = arith.constant 0 : i32
      %dma_wait3A_741 = tpu.memref_slice %dma_wait3A_738[%dma_wait3A_733, %dma_wait3A_739, %dma_wait3A_740] : memref<4x50x64xf32, #tpu.memory_space<vmem>> -> memref<1x50x64xf32, #tpu.memory_space<vmem>>
      %dma_wait3A_742 = tpu.memref_squeeze %dma_wait3A_741 : memref<1x50x64xf32, #tpu.memory_space<vmem>> -> memref<50x64xf32, #tpu.memory_space<vmem>>
      %dma_wait3A_743 = arith.constant 0 : i32
      %dma_wait3A_744 = arith.constant 0 : i32
      %dma_wait3A_745 = tpu.memref_slice %arg5[%dma_wait3A_730, %dma_wait3A_743, %dma_wait3A_744] : memref<8x4x50xi32, #tpu.memory_space<vmem>> -> memref<1x4x50xi32, #tpu.memory_space<vmem>>
      %dma_wait3A_746 = tpu.memref_squeeze %dma_wait3A_745 : memref<1x4x50xi32, #tpu.memory_space<vmem>> -> memref<4x50xi32, #tpu.memory_space<vmem>>
      %dma_wait3A_747 = arith.constant 0 : i32
      %dma_wait3A_748 = tpu.memref_slice %dma_wait3A_746[%dma_wait3A_731, %dma_wait3A_747] : memref<4x50xi32, #tpu.memory_space<vmem>> -> memref<1x50xi32, #tpu.memory_space<vmem>>
      %dma_wait3A_749 = tpu.memref_squeeze %dma_wait3A_748 : memref<1x50xi32, #tpu.memory_space<vmem>> -> memref<50xi32, #tpu.memory_space<vmem>>
      %dma_wait3A_750 = arith.constant 0 : i32
      %dma_wait3A_751 = arith.constant 0 : i32
      %dma_wait3A_752 = tpu.memref_slice %arg3[%dma_wait3A_750, %dma_wait3A_751] : memref<8000x64xf32, #tpu.memory_space<hbm>> -> memref<8000x64xf32, #tpu.memory_space<hbm>>
      tpu.wait_indirect_dma semaphore(%arg15 : memref<!tpu.dma_semaphore, #tpu.memory_space<semaphore_mem>>) src(%dma_wait3A_752 : memref<8000x64xf32, #tpu.memory_space<hbm>>) dst(%dma_wait3A_742 : memref<50x64xf32, #tpu.memory_space<vmem>>)
      %dma_wait3A_753 = arith.constant 2 : i32
      %dma_wait3A_754 = arith.constant 3 : i32
      %dma_wait3A_755 = arith.constant 0 : i32
      %dma_wait3A_756 = arith.constant 3 : i32
      %dma_wait3A_757 = arith.constant 0 : i32
      %dma_wait3A_758 = arith.constant 0 : i32
      %dma_wait3A_759 = arith.constant 0 : i32
      %dma_wait3A_760 = tpu.memref_slice %arg6[%dma_wait3A_755, %dma_wait3A_757, %dma_wait3A_758, %dma_wait3A_759] : memref<2x4x50x64xf32, #tpu.memory_space<vmem>> -> memref<1x4x50x64xf32, #tpu.memory_space<vmem>>
      %dma_wait3A_761 = tpu.memref_squeeze %dma_wait3A_760 : memref<1x4x50x64xf32, #tpu.memory_space<vmem>> -> memref<4x50x64xf32, #tpu.memory_space<vmem>>
      %dma_wait3A_762 = arith.constant 0 : i32
      %dma_wait3A_763 = arith.constant 0 : i32
      %dma_wait3A_764 = tpu.memref_slice %dma_wait3A_761[%dma_wait3A_756, %dma_wait3A_762, %dma_wait3A_763] : memref<4x50x64xf32, #tpu.memory_space<vmem>> -> memref<1x50x64xf32, #tpu.memory_space<vmem>>
      %dma_wait3A_765 = tpu.memref_squeeze %dma_wait3A_764 : memref<1x50x64xf32, #tpu.memory_space<vmem>> -> memref<50x64xf32, #tpu.memory_space<vmem>>
      %dma_wait3A_766 = arith.constant 0 : i32
      %dma_wait3A_767 = arith.constant 0 : i32
      %dma_wait3A_768 = tpu.memref_slice %arg5[%dma_wait3A_753, %dma_wait3A_766, %dma_wait3A_767] : memref<8x4x50xi32, #tpu.memory_space<vmem>> -> memref<1x4x50xi32, #tpu.memory_space<vmem>>
      %dma_wait3A_769 = tpu.memref_squeeze %dma_wait3A_768 : memref<1x4x50xi32, #tpu.memory_space<vmem>> -> memref<4x50xi32, #tpu.memory_space<vmem>>
      %dma_wait3A_770 = arith.constant 0 : i32
      %dma_wait3A_771 = tpu.memref_slice %dma_wait3A_769[%dma_wait3A_754, %dma_wait3A_770] : memref<4x50xi32, #tpu.memory_space<vmem>> -> memref<1x50xi32, #tpu.memory_space<vmem>>
      %dma_wait3A_772 = tpu.memref_squeeze %dma_wait3A_771 : memref<1x50xi32, #tpu.memory_space<vmem>> -> memref<50xi32, #tpu.memory_space<vmem>>
      %dma_wait3A_773 = arith.constant 0 : i32
      %dma_wait3A_774 = arith.constant 0 : i32
      %dma_wait3A_775 = tpu.memref_slice %arg3[%dma_wait3A_773, %dma_wait3A_774] : memref<8000x64xf32, #tpu.memory_space<hbm>> -> memref<8000x64xf32, #tpu.memory_space<hbm>>
      tpu.wait_indirect_dma semaphore(%arg15 : memref<!tpu.dma_semaphore, #tpu.memory_space<semaphore_mem>>) src(%dma_wait3A_775 : memref<8000x64xf32, #tpu.memory_space<hbm>>) dst(%dma_wait3A_765 : memref<50x64xf32, #tpu.memory_space<vmem>>)
      %add3A_776 = arith.constant 8 : i32
      %add3A_777 = arith.addi %add3A_11, %add3A_776 : i32
      %dma_start3A_778 = arith.constant 0 : i32
      %dma_start3A_779 = arith.constant 0 : i32
      %dma_start3A_780 = arith.constant 0 : i32
      %dma_start3A_781 = arith.constant 0 : i32
      %dma_start3A_782 = tpu.memref_slice %arg6[%dma_start3A_778, %dma_start3A_779, %dma_start3A_780, %dma_start3A_781] : memref<2x4x50x64xf32, #tpu.memory_space<vmem>> -> memref<1x4x50x64xf32, #tpu.memory_space<vmem>>
      %dma_start3A_783 = tpu.memref_squeeze %dma_start3A_782 : memref<1x4x50x64xf32, #tpu.memory_space<vmem>> -> memref<4x50x64xf32, #tpu.memory_space<vmem>>
      %dma_start3A_784 = arith.constant 0 : i32
      %dma_start3A_785 = arith.constant 0 : i32
      %dma_start3A_786 = tpu.memref_slice %arg4[%add3A_777, %dma_start3A_784, %dma_start3A_785] : memref<16384x50x64xf32, #tpu.memory_space<hbm>> -> memref<4x50x64xf32, #tpu.memory_space<hbm>>
      %dma_start3A_787 = arith.constant 0 : i32
      %dma_start3A_788 = arith.constant 0 : i32
      %dma_start3A_789 = tpu.memref_slice %arg4[%add3A_777, %dma_start3A_787, %dma_start3A_788] : memref<16384x50x64xf32, #tpu.memory_space<hbm>> -> memref<4x50x64xf32, #tpu.memory_space<hbm>>
      %dma_start3A_790 = arith.constant 0 : i32
      %dma_start3A_791 = arith.constant 0 : i32
      %dma_start3A_792 = arith.constant 0 : i32
      %dma_start3A_793 = tpu.memref_slice %arg6[%dma_start3A_778, %dma_start3A_790, %dma_start3A_791, %dma_start3A_792] : memref<2x4x50x64xf32, #tpu.memory_space<vmem>> -> memref<1x4x50x64xf32, #tpu.memory_space<vmem>>
      %dma_start3A_794 = tpu.memref_squeeze %dma_start3A_793 : memref<1x4x50x64xf32, #tpu.memory_space<vmem>> -> memref<4x50x64xf32, #tpu.memory_space<vmem>>
      tpu.enqueue_dma source(%dma_start3A_794 : memref<4x50x64xf32, #tpu.memory_space<vmem>>) target(%dma_start3A_789 : memref<4x50x64xf32, #tpu.memory_space<hbm>>) target_semaphore(%arg17 : memref<!tpu.dma_semaphore, #tpu.memory_space<semaphore_mem>>)
      %dma_wait3A_795 = arith.constant 3 : i32
      %dma_wait3A_796 = arith.constant 0 : i32
      %dma_wait3A_797 = arith.constant 0 : i32
      %dma_wait3A_798 = tpu.memref_slice %arg5[%dma_wait3A_795, %dma_wait3A_796, %dma_wait3A_797] : memref<8x4x50xi32, #tpu.memory_space<vmem>> -> memref<1x4x50xi32, #tpu.memory_space<vmem>>
      %dma_wait3A_799 = tpu.memref_squeeze %dma_wait3A_798 : memref<1x4x50xi32, #tpu.memory_space<vmem>> -> memref<4x50xi32, #tpu.memory_space<vmem>>
      %dma_wait3A_800 = arith.constant 0 : i32
      %dma_wait3A_801 = tpu.memref_slice %arg2[%add3A_57, %dma_wait3A_800] : memref<16384x50xi32, #tpu.memory_space<hbm>> -> memref<4x50xi32, #tpu.memory_space<hbm>>
      %dma_wait3A_802 = arith.constant 0 : i32
      %dma_wait3A_803 = arith.constant 0 : i32
      %dma_wait3A_804 = tpu.memref_slice %arg5[%dma_wait3A_795, %dma_wait3A_802, %dma_wait3A_803] : memref<8x4x50xi32, #tpu.memory_space<vmem>> -> memref<1x4x50xi32, #tpu.memory_space<vmem>>
      %dma_wait3A_805 = tpu.memref_squeeze %dma_wait3A_804 : memref<1x4x50xi32, #tpu.memory_space<vmem>> -> memref<4x50xi32, #tpu.memory_space<vmem>>
      %dma_wait3A_806 = arith.constant 0 : i32
      %dma_wait3A_807 = tpu.memref_slice %arg2[%add3A_57, %dma_wait3A_806] : memref<16384x50xi32, #tpu.memory_space<hbm>> -> memref<4x50xi32, #tpu.memory_space<hbm>>
      tpu.wait_dma2 semaphore(%arg10 : memref<!tpu.dma_semaphore, #tpu.memory_space<semaphore_mem>>) src(%dma_wait3A_807 : memref<4x50xi32, #tpu.memory_space<hbm>>) dst(%dma_wait3A_805 : memref<4x50xi32, #tpu.memory_space<vmem>>)
      %dma_wait3A_808 = arith.constant 1 : i32
      %dma_wait3A_809 = arith.constant 0 : i32
      %dma_wait3A_810 = arith.constant 0 : i32
      %dma_wait3A_811 = arith.constant 0 : i32
      %dma_wait3A_812 = tpu.memref_slice %arg6[%dma_wait3A_808, %dma_wait3A_809, %dma_wait3A_810, %dma_wait3A_811] : memref<2x4x50x64xf32, #tpu.memory_space<vmem>> -> memref<1x4x50x64xf32, #tpu.memory_space<vmem>>
      %dma_wait3A_813 = tpu.memref_squeeze %dma_wait3A_812 : memref<1x4x50x64xf32, #tpu.memory_space<vmem>> -> memref<4x50x64xf32, #tpu.memory_space<vmem>>
      %dma_wait3A_814 = arith.constant 0 : i32
      %dma_wait3A_815 = arith.constant 0 : i32
      %dma_wait3A_816 = tpu.memref_slice %arg4[%add3A_544, %dma_wait3A_814, %dma_wait3A_815] : memref<16384x50x64xf32, #tpu.memory_space<hbm>> -> memref<4x50x64xf32, #tpu.memory_space<hbm>>
      %dma_wait3A_817 = arith.constant 0 : i32
      %dma_wait3A_818 = arith.constant 0 : i32
      %dma_wait3A_819 = tpu.memref_slice %arg4[%add3A_544, %dma_wait3A_817, %dma_wait3A_818] : memref<16384x50x64xf32, #tpu.memory_space<hbm>> -> memref<4x50x64xf32, #tpu.memory_space<hbm>>
      %dma_wait3A_820 = arith.constant 0 : i32
      %dma_wait3A_821 = arith.constant 0 : i32
      %dma_wait3A_822 = arith.constant 0 : i32
      %dma_wait3A_823 = tpu.memref_slice %arg6[%dma_wait3A_808, %dma_wait3A_820, %dma_wait3A_821, %dma_wait3A_822] : memref<2x4x50x64xf32, #tpu.memory_space<vmem>> -> memref<1x4x50x64xf32, #tpu.memory_space<vmem>>
      %dma_wait3A_824 = tpu.memref_squeeze %dma_wait3A_823 : memref<1x4x50x64xf32, #tpu.memory_space<vmem>> -> memref<4x50x64xf32, #tpu.memory_space<vmem>>
      tpu.wait_dma2 semaphore(%arg18 : memref<!tpu.dma_semaphore, #tpu.memory_space<semaphore_mem>>) src(%dma_wait3A_824 : memref<4x50x64xf32, #tpu.memory_space<vmem>>) dst(%dma_wait3A_819 : memref<4x50x64xf32, #tpu.memory_space<hbm>>)
      %dma_start3A_825 = arith.constant 3 : i32
      %dma_start3A_826 = arith.constant 0 : i32
      %dma_start3A_827 = arith.constant 1 : i32
      %dma_start3A_828 = arith.constant 0 : i32
      %dma_start3A_829 = arith.constant 0 : i32
      %dma_start3A_830 = arith.constant 0 : i32
      %dma_start3A_831 = arith.constant 0 : i32
      %dma_start3A_832 = tpu.memref_slice %arg6[%dma_start3A_827, %dma_start3A_829, %dma_start3A_830, %dma_start3A_831] : memref<2x4x50x64xf32, #tpu.memory_space<vmem>> -> memref<1x4x50x64xf32, #tpu.memory_space<vmem>>
      %dma_start3A_833 = tpu.memref_squeeze %dma_start3A_832 : memref<1x4x50x64xf32, #tpu.memory_space<vmem>> -> memref<4x50x64xf32, #tpu.memory_space<vmem>>
      %dma_start3A_834 = arith.constant 0 : i32
      %dma_start3A_835 = arith.constant 0 : i32
      %dma_start3A_836 = tpu.memref_slice %dma_start3A_833[%dma_start3A_828, %dma_start3A_834, %dma_start3A_835] : memref<4x50x64xf32, #tpu.memory_space<vmem>> -> memref<1x50x64xf32, #tpu.memory_space<vmem>>
      %dma_start3A_837 = tpu.memref_squeeze %dma_start3A_836 : memref<1x50x64xf32, #tpu.memory_space<vmem>> -> memref<50x64xf32, #tpu.memory_space<vmem>>
      %dma_start3A_838 = arith.constant 0 : i32
      %dma_start3A_839 = arith.constant 0 : i32
      %dma_start3A_840 = tpu.memref_slice %arg5[%dma_start3A_825, %dma_start3A_838, %dma_start3A_839] : memref<8x4x50xi32, #tpu.memory_space<vmem>> -> memref<1x4x50xi32, #tpu.memory_space<vmem>>
      %dma_start3A_841 = tpu.memref_squeeze %dma_start3A_840 : memref<1x4x50xi32, #tpu.memory_space<vmem>> -> memref<4x50xi32, #tpu.memory_space<vmem>>
      %dma_start3A_842 = arith.constant 0 : i32
      %dma_start3A_843 = tpu.memref_slice %dma_start3A_841[%dma_start3A_826, %dma_start3A_842] : memref<4x50xi32, #tpu.memory_space<vmem>> -> memref<1x50xi32, #tpu.memory_space<vmem>>
      %dma_start3A_844 = tpu.memref_squeeze %dma_start3A_843 : memref<1x50xi32, #tpu.memory_space<vmem>> -> memref<50xi32, #tpu.memory_space<vmem>>
      %dma_start3A_845 = arith.constant 0 : i32
      %dma_start3A_846 = arith.constant 0 : i32
      %dma_start3A_847 = tpu.memref_slice %arg3[%dma_start3A_845, %dma_start3A_846] : memref<8000x64xf32, #tpu.memory_space<hbm>> -> memref<8000x64xf32, #tpu.memory_space<hbm>>
      tpu.enqueue_indirect_dma source(%dma_start3A_847 : memref<8000x64xf32, #tpu.memory_space<hbm>>) target(%dma_start3A_837 : memref<50x64xf32, #tpu.memory_space<vmem>>) offsets(%dma_start3A_844 : memref<50xi32, #tpu.memory_space<vmem>>) semaphore(%arg16 : memref<!tpu.dma_semaphore, #tpu.memory_space<semaphore_mem>>)
      %dma_start3A_848 = arith.constant 3 : i32
      %dma_start3A_849 = arith.constant 1 : i32
      %dma_start3A_850 = arith.constant 1 : i32
      %dma_start3A_851 = arith.constant 1 : i32
      %dma_start3A_852 = arith.constant 0 : i32
      %dma_start3A_853 = arith.constant 0 : i32
      %dma_start3A_854 = arith.constant 0 : i32
      %dma_start3A_855 = tpu.memref_slice %arg6[%dma_start3A_850, %dma_start3A_852, %dma_start3A_853, %dma_start3A_854] : memref<2x4x50x64xf32, #tpu.memory_space<vmem>> -> memref<1x4x50x64xf32, #tpu.memory_space<vmem>>
      %dma_start3A_856 = tpu.memref_squeeze %dma_start3A_855 : memref<1x4x50x64xf32, #tpu.memory_space<vmem>> -> memref<4x50x64xf32, #tpu.memory_space<vmem>>
      %dma_start3A_857 = arith.constant 0 : i32
      %dma_start3A_858 = arith.constant 0 : i32
      %dma_start3A_859 = tpu.memref_slice %dma_start3A_856[%dma_start3A_851, %dma_start3A_857, %dma_start3A_858] : memref<4x50x64xf32, #tpu.memory_space<vmem>> -> memref<1x50x64xf32, #tpu.memory_space<vmem>>
      %dma_start3A_860 = tpu.memref_squeeze %dma_start3A_859 : memref<1x50x64xf32, #tpu.memory_space<vmem>> -> memref<50x64xf32, #tpu.memory_space<vmem>>
      %dma_start3A_861 = arith.constant 0 : i32
      %dma_start3A_862 = arith.constant 0 : i32
      %dma_start3A_863 = tpu.memref_slice %arg5[%dma_start3A_848, %dma_start3A_861, %dma_start3A_862] : memref<8x4x50xi32, #tpu.memory_space<vmem>> -> memref<1x4x50xi32, #tpu.memory_space<vmem>>
      %dma_start3A_864 = tpu.memref_squeeze %dma_start3A_863 : memref<1x4x50xi32, #tpu.memory_space<vmem>> -> memref<4x50xi32, #tpu.memory_space<vmem>>
      %dma_start3A_865 = arith.constant 0 : i32
      %dma_start3A_866 = tpu.memref_slice %dma_start3A_864[%dma_start3A_849, %dma_start3A_865] : memref<4x50xi32, #tpu.memory_space<vmem>> -> memref<1x50xi32, #tpu.memory_space<vmem>>
      %dma_start3A_867 = tpu.memref_squeeze %dma_start3A_866 : memref<1x50xi32, #tpu.memory_space<vmem>> -> memref<50xi32, #tpu.memory_space<vmem>>
      %dma_start3A_868 = arith.constant 0 : i32
      %dma_start3A_869 = arith.constant 0 : i32
      %dma_start3A_870 = tpu.memref_slice %arg3[%dma_start3A_868, %dma_start3A_869] : memref<8000x64xf32, #tpu.memory_space<hbm>> -> memref<8000x64xf32, #tpu.memory_space<hbm>>
      tpu.enqueue_indirect_dma source(%dma_start3A_870 : memref<8000x64xf32, #tpu.memory_space<hbm>>) target(%dma_start3A_860 : memref<50x64xf32, #tpu.memory_space<vmem>>) offsets(%dma_start3A_867 : memref<50xi32, #tpu.memory_space<vmem>>) semaphore(%arg16 : memref<!tpu.dma_semaphore, #tpu.memory_space<semaphore_mem>>)
      %dma_start3A_871 = arith.constant 3 : i32
      %dma_start3A_872 = arith.constant 2 : i32
      %dma_start3A_873 = arith.constant 1 : i32
      %dma_start3A_874 = arith.constant 2 : i32
      %dma_start3A_875 = arith.constant 0 : i32
      %dma_start3A_876 = arith.constant 0 : i32
      %dma_start3A_877 = arith.constant 0 : i32
      %dma_start3A_878 = tpu.memref_slice %arg6[%dma_start3A_873, %dma_start3A_875, %dma_start3A_876, %dma_start3A_877] : memref<2x4x50x64xf32, #tpu.memory_space<vmem>> -> memref<1x4x50x64xf32, #tpu.memory_space<vmem>>
      %dma_start3A_879 = tpu.memref_squeeze %dma_start3A_878 : memref<1x4x50x64xf32, #tpu.memory_space<vmem>> -> memref<4x50x64xf32, #tpu.memory_space<vmem>>
      %dma_start3A_880 = arith.constant 0 : i32
      %dma_start3A_881 = arith.constant 0 : i32
      %dma_start3A_882 = tpu.memref_slice %dma_start3A_879[%dma_start3A_874, %dma_start3A_880, %dma_start3A_881] : memref<4x50x64xf32, #tpu.memory_space<vmem>> -> memref<1x50x64xf32, #tpu.memory_space<vmem>>
      %dma_start3A_883 = tpu.memref_squeeze %dma_start3A_882 : memref<1x50x64xf32, #tpu.memory_space<vmem>> -> memref<50x64xf32, #tpu.memory_space<vmem>>
      %dma_start3A_884 = arith.constant 0 : i32
      %dma_start3A_885 = arith.constant 0 : i32
      %dma_start3A_886 = tpu.memref_slice %arg5[%dma_start3A_871, %dma_start3A_884, %dma_start3A_885] : memref<8x4x50xi32, #tpu.memory_space<vmem>> -> memref<1x4x50xi32, #tpu.memory_space<vmem>>
      %dma_start3A_887 = tpu.memref_squeeze %dma_start3A_886 : memref<1x4x50xi32, #tpu.memory_space<vmem>> -> memref<4x50xi32, #tpu.memory_space<vmem>>
      %dma_start3A_888 = arith.constant 0 : i32
      %dma_start3A_889 = tpu.memref_slice %dma_start3A_887[%dma_start3A_872, %dma_start3A_888] : memref<4x50xi32, #tpu.memory_space<vmem>> -> memref<1x50xi32, #tpu.memory_space<vmem>>
      %dma_start3A_890 = tpu.memref_squeeze %dma_start3A_889 : memref<1x50xi32, #tpu.memory_space<vmem>> -> memref<50xi32, #tpu.memory_space<vmem>>
      %dma_start3A_891 = arith.constant 0 : i32
      %dma_start3A_892 = arith.constant 0 : i32
      %dma_start3A_893 = tpu.memref_slice %arg3[%dma_start3A_891, %dma_start3A_892] : memref<8000x64xf32, #tpu.memory_space<hbm>> -> memref<8000x64xf32, #tpu.memory_space<hbm>>
      tpu.enqueue_indirect_dma source(%dma_start3A_893 : memref<8000x64xf32, #tpu.memory_space<hbm>>) target(%dma_start3A_883 : memref<50x64xf32, #tpu.memory_space<vmem>>) offsets(%dma_start3A_890 : memref<50xi32, #tpu.memory_space<vmem>>) semaphore(%arg16 : memref<!tpu.dma_semaphore, #tpu.memory_space<semaphore_mem>>)
      %dma_start3A_894 = arith.constant 3 : i32
      %dma_start3A_895 = arith.constant 3 : i32
      %dma_start3A_896 = arith.constant 1 : i32
      %dma_start3A_897 = arith.constant 3 : i32
      %dma_start3A_898 = arith.constant 0 : i32
      %dma_start3A_899 = arith.constant 0 : i32
      %dma_start3A_900 = arith.constant 0 : i32
      %dma_start3A_901 = tpu.memref_slice %arg6[%dma_start3A_896, %dma_start3A_898, %dma_start3A_899, %dma_start3A_900] : memref<2x4x50x64xf32, #tpu.memory_space<vmem>> -> memref<1x4x50x64xf32, #tpu.memory_space<vmem>>
      %dma_start3A_902 = tpu.memref_squeeze %dma_start3A_901 : memref<1x4x50x64xf32, #tpu.memory_space<vmem>> -> memref<4x50x64xf32, #tpu.memory_space<vmem>>
      %dma_start3A_903 = arith.constant 0 : i32
      %dma_start3A_904 = arith.constant 0 : i32
      %dma_start3A_905 = tpu.memref_slice %dma_start3A_902[%dma_start3A_897, %dma_start3A_903, %dma_start3A_904] : memref<4x50x64xf32, #tpu.memory_space<vmem>> -> memref<1x50x64xf32, #tpu.memory_space<vmem>>
      %dma_start3A_906 = tpu.memref_squeeze %dma_start3A_905 : memref<1x50x64xf32, #tpu.memory_space<vmem>> -> memref<50x64xf32, #tpu.memory_space<vmem>>
      %dma_start3A_907 = arith.constant 0 : i32
      %dma_start3A_908 = arith.constant 0 : i32
      %dma_start3A_909 = tpu.memref_slice %arg5[%dma_start3A_894, %dma_start3A_907, %dma_start3A_908] : memref<8x4x50xi32, #tpu.memory_space<vmem>> -> memref<1x4x50xi32, #tpu.memory_space<vmem>>
      %dma_start3A_910 = tpu.memref_squeeze %dma_start3A_909 : memref<1x4x50xi32, #tpu.memory_space<vmem>> -> memref<4x50xi32, #tpu.memory_space<vmem>>
      %dma_start3A_911 = arith.constant 0 : i32
      %dma_start3A_912 = tpu.memref_slice %dma_start3A_910[%dma_start3A_895, %dma_start3A_911] : memref<4x50xi32, #tpu.memory_space<vmem>> -> memref<1x50xi32, #tpu.memory_space<vmem>>
      %dma_start3A_913 = tpu.memref_squeeze %dma_start3A_912 : memref<1x50xi32, #tpu.memory_space<vmem>> -> memref<50xi32, #tpu.memory_space<vmem>>
      %dma_start3A_914 = arith.constant 0 : i32
      %dma_start3A_915 = arith.constant 0 : i32
      %dma_start3A_916 = tpu.memref_slice %arg3[%dma_start3A_914, %dma_start3A_915] : memref<8000x64xf32, #tpu.memory_space<hbm>> -> memref<8000x64xf32, #tpu.memory_space<hbm>>
      tpu.enqueue_indirect_dma source(%dma_start3A_916 : memref<8000x64xf32, #tpu.memory_space<hbm>>) target(%dma_start3A_906 : memref<50x64xf32, #tpu.memory_space<vmem>>) offsets(%dma_start3A_913 : memref<50xi32, #tpu.memory_space<vmem>>) semaphore(%arg16 : memref<!tpu.dma_semaphore, #tpu.memory_space<semaphore_mem>>)
      %dma_wait3A_917 = arith.constant 3 : i32
      %dma_wait3A_918 = arith.constant 0 : i32
      %dma_wait3A_919 = arith.constant 1 : i32
      %dma_wait3A_920 = arith.constant 0 : i32
      %dma_wait3A_921 = arith.constant 0 : i32
      %dma_wait3A_922 = arith.constant 0 : i32
      %dma_wait3A_923 = arith.constant 0 : i32
      %dma_wait3A_924 = tpu.memref_slice %arg6[%dma_wait3A_919, %dma_wait3A_921, %dma_wait3A_922, %dma_wait3A_923] : memref<2x4x50x64xf32, #tpu.memory_space<vmem>> -> memref<1x4x50x64xf32, #tpu.memory_space<vmem>>
      %dma_wait3A_925 = tpu.memref_squeeze %dma_wait3A_924 : memref<1x4x50x64xf32, #tpu.memory_space<vmem>> -> memref<4x50x64xf32, #tpu.memory_space<vmem>>
      %dma_wait3A_926 = arith.constant 0 : i32
      %dma_wait3A_927 = arith.constant 0 : i32
      %dma_wait3A_928 = tpu.memref_slice %dma_wait3A_925[%dma_wait3A_920, %dma_wait3A_926, %dma_wait3A_927] : memref<4x50x64xf32, #tpu.memory_space<vmem>> -> memref<1x50x64xf32, #tpu.memory_space<vmem>>
      %dma_wait3A_929 = tpu.memref_squeeze %dma_wait3A_928 : memref<1x50x64xf32, #tpu.memory_space<vmem>> -> memref<50x64xf32, #tpu.memory_space<vmem>>
      %dma_wait3A_930 = arith.constant 0 : i32
      %dma_wait3A_931 = arith.constant 0 : i32
      %dma_wait3A_932 = tpu.memref_slice %arg5[%dma_wait3A_917, %dma_wait3A_930, %dma_wait3A_931] : memref<8x4x50xi32, #tpu.memory_space<vmem>> -> memref<1x4x50xi32, #tpu.memory_space<vmem>>
      %dma_wait3A_933 = tpu.memref_squeeze %dma_wait3A_932 : memref<1x4x50xi32, #tpu.memory_space<vmem>> -> memref<4x50xi32, #tpu.memory_space<vmem>>
      %dma_wait3A_934 = arith.constant 0 : i32
      %dma_wait3A_935 = tpu.memref_slice %dma_wait3A_933[%dma_wait3A_918, %dma_wait3A_934] : memref<4x50xi32, #tpu.memory_space<vmem>> -> memref<1x50xi32, #tpu.memory_space<vmem>>
      %dma_wait3A_936 = tpu.memref_squeeze %dma_wait3A_935 : memref<1x50xi32, #tpu.memory_space<vmem>> -> memref<50xi32, #tpu.memory_space<vmem>>
      %dma_wait3A_937 = arith.constant 0 : i32
      %dma_wait3A_938 = arith.constant 0 : i32
      %dma_wait3A_939 = tpu.memref_slice %arg3[%dma_wait3A_937, %dma_wait3A_938] : memref<8000x64xf32, #tpu.memory_space<hbm>> -> memref<8000x64xf32, #tpu.memory_space<hbm>>
      tpu.wait_indirect_dma semaphore(%arg16 : memref<!tpu.dma_semaphore, #tpu.memory_space<semaphore_mem>>) src(%dma_wait3A_939 : memref<8000x64xf32, #tpu.memory_space<hbm>>) dst(%dma_wait3A_929 : memref<50x64xf32, #tpu.memory_space<vmem>>)
      %dma_wait3A_940 = arith.constant 3 : i32
      %dma_wait3A_941 = arith.constant 1 : i32
      %dma_wait3A_942 = arith.constant 1 : i32
      %dma_wait3A_943 = arith.constant 1 : i32
      %dma_wait3A_944 = arith.constant 0 : i32
      %dma_wait3A_945 = arith.constant 0 : i32
      %dma_wait3A_946 = arith.constant 0 : i32
      %dma_wait3A_947 = tpu.memref_slice %arg6[%dma_wait3A_942, %dma_wait3A_944, %dma_wait3A_945, %dma_wait3A_946] : memref<2x4x50x64xf32, #tpu.memory_space<vmem>> -> memref<1x4x50x64xf32, #tpu.memory_space<vmem>>
      %dma_wait3A_948 = tpu.memref_squeeze %dma_wait3A_947 : memref<1x4x50x64xf32, #tpu.memory_space<vmem>> -> memref<4x50x64xf32, #tpu.memory_space<vmem>>
      %dma_wait3A_949 = arith.constant 0 : i32
      %dma_wait3A_950 = arith.constant 0 : i32
      %dma_wait3A_951 = tpu.memref_slice %dma_wait3A_948[%dma_wait3A_943, %dma_wait3A_949, %dma_wait3A_950] : memref<4x50x64xf32, #tpu.memory_space<vmem>> -> memref<1x50x64xf32, #tpu.memory_space<vmem>>
      %dma_wait3A_952 = tpu.memref_squeeze %dma_wait3A_951 : memref<1x50x64xf32, #tpu.memory_space<vmem>> -> memref<50x64xf32, #tpu.memory_space<vmem>>
      %dma_wait3A_953 = arith.constant 0 : i32
      %dma_wait3A_954 = arith.constant 0 : i32
      %dma_wait3A_955 = tpu.memref_slice %arg5[%dma_wait3A_940, %dma_wait3A_953, %dma_wait3A_954] : memref<8x4x50xi32, #tpu.memory_space<vmem>> -> memref<1x4x50xi32, #tpu.memory_space<vmem>>
      %dma_wait3A_956 = tpu.memref_squeeze %dma_wait3A_955 : memref<1x4x50xi32, #tpu.memory_space<vmem>> -> memref<4x50xi32, #tpu.memory_space<vmem>>
      %dma_wait3A_957 = arith.constant 0 : i32
      %dma_wait3A_958 = tpu.memref_slice %dma_wait3A_956[%dma_wait3A_941, %dma_wait3A_957] : memref<4x50xi32, #tpu.memory_space<vmem>> -> memref<1x50xi32, #tpu.memory_space<vmem>>
      %dma_wait3A_959 = tpu.memref_squeeze %dma_wait3A_958 : memref<1x50xi32, #tpu.memory_space<vmem>> -> memref<50xi32, #tpu.memory_space<vmem>>
      %dma_wait3A_960 = arith.constant 0 : i32
      %dma_wait3A_961 = arith.constant 0 : i32
      %dma_wait3A_962 = tpu.memref_slice %arg3[%dma_wait3A_960, %dma_wait3A_961] : memref<8000x64xf32, #tpu.memory_space<hbm>> -> memref<8000x64xf32, #tpu.memory_space<hbm>>
      tpu.wait_indirect_dma semaphore(%arg16 : memref<!tpu.dma_semaphore, #tpu.memory_space<semaphore_mem>>) src(%dma_wait3A_962 : memref<8000x64xf32, #tpu.memory_space<hbm>>) dst(%dma_wait3A_952 : memref<50x64xf32, #tpu.memory_space<vmem>>)
      %dma_wait3A_963 = arith.constant 3 : i32
      %dma_wait3A_964 = arith.constant 2 : i32
      %dma_wait3A_965 = arith.constant 1 : i32
      %dma_wait3A_966 = arith.constant 2 : i32
      %dma_wait3A_967 = arith.constant 0 : i32
      %dma_wait3A_968 = arith.constant 0 : i32
      %dma_wait3A_969 = arith.constant 0 : i32
      %dma_wait3A_970 = tpu.memref_slice %arg6[%dma_wait3A_965, %dma_wait3A_967, %dma_wait3A_968, %dma_wait3A_969] : memref<2x4x50x64xf32, #tpu.memory_space<vmem>> -> memref<1x4x50x64xf32, #tpu.memory_space<vmem>>
      %dma_wait3A_971 = tpu.memref_squeeze %dma_wait3A_970 : memref<1x4x50x64xf32, #tpu.memory_space<vmem>> -> memref<4x50x64xf32, #tpu.memory_space<vmem>>
      %dma_wait3A_972 = arith.constant 0 : i32
      %dma_wait3A_973 = arith.constant 0 : i32
      %dma_wait3A_974 = tpu.memref_slice %dma_wait3A_971[%dma_wait3A_966, %dma_wait3A_972, %dma_wait3A_973] : memref<4x50x64xf32, #tpu.memory_space<vmem>> -> memref<1x50x64xf32, #tpu.memory_space<vmem>>
      %dma_wait3A_975 = tpu.memref_squeeze %dma_wait3A_974 : memref<1x50x64xf32, #tpu.memory_space<vmem>> -> memref<50x64xf32, #tpu.memory_space<vmem>>
      %dma_wait3A_976 = arith.constant 0 : i32
      %dma_wait3A_977 = arith.constant 0 : i32
      %dma_wait3A_978 = tpu.memref_slice %arg5[%dma_wait3A_963, %dma_wait3A_976, %dma_wait3A_977] : memref<8x4x50xi32, #tpu.memory_space<vmem>> -> memref<1x4x50xi32, #tpu.memory_space<vmem>>
      %dma_wait3A_979 = tpu.memref_squeeze %dma_wait3A_978 : memref<1x4x50xi32, #tpu.memory_space<vmem>> -> memref<4x50xi32, #tpu.memory_space<vmem>>
      %dma_wait3A_980 = arith.constant 0 : i32
      %dma_wait3A_981 = tpu.memref_slice %dma_wait3A_979[%dma_wait3A_964, %dma_wait3A_980] : memref<4x50xi32, #tpu.memory_space<vmem>> -> memref<1x50xi32, #tpu.memory_space<vmem>>
      %dma_wait3A_982 = tpu.memref_squeeze %dma_wait3A_981 : memref<1x50xi32, #tpu.memory_space<vmem>> -> memref<50xi32, #tpu.memory_space<vmem>>
      %dma_wait3A_983 = arith.constant 0 : i32
      %dma_wait3A_984 = arith.constant 0 : i32
      %dma_wait3A_985 = tpu.memref_slice %arg3[%dma_wait3A_983, %dma_wait3A_984] : memref<8000x64xf32, #tpu.memory_space<hbm>> -> memref<8000x64xf32, #tpu.memory_space<hbm>>
      tpu.wait_indirect_dma semaphore(%arg16 : memref<!tpu.dma_semaphore, #tpu.memory_space<semaphore_mem>>) src(%dma_wait3A_985 : memref<8000x64xf32, #tpu.memory_space<hbm>>) dst(%dma_wait3A_975 : memref<50x64xf32, #tpu.memory_space<vmem>>)
      %dma_wait3A_986 = arith.constant 3 : i32
      %dma_wait3A_987 = arith.constant 3 : i32
      %dma_wait3A_988 = arith.constant 1 : i32
      %dma_wait3A_989 = arith.constant 3 : i32
      %dma_wait3A_990 = arith.constant 0 : i32
      %dma_wait3A_991 = arith.constant 0 : i32
      %dma_wait3A_992 = arith.constant 0 : i32
      %dma_wait3A_993 = tpu.memref_slice %arg6[%dma_wait3A_988, %dma_wait3A_990, %dma_wait3A_991, %dma_wait3A_992] : memref<2x4x50x64xf32, #tpu.memory_space<vmem>> -> memref<1x4x50x64xf32, #tpu.memory_space<vmem>>
      %dma_wait3A_994 = tpu.memref_squeeze %dma_wait3A_993 : memref<1x4x50x64xf32, #tpu.memory_space<vmem>> -> memref<4x50x64xf32, #tpu.memory_space<vmem>>
      %dma_wait3A_995 = arith.constant 0 : i32
      %dma_wait3A_996 = arith.constant 0 : i32
      %dma_wait3A_997 = tpu.memref_slice %dma_wait3A_994[%dma_wait3A_989, %dma_wait3A_995, %dma_wait3A_996] : memref<4x50x64xf32, #tpu.memory_space<vmem>> -> memref<1x50x64xf32, #tpu.memory_space<vmem>>
      %dma_wait3A_998 = tpu.memref_squeeze %dma_wait3A_997 : memref<1x50x64xf32, #tpu.memory_space<vmem>> -> memref<50x64xf32, #tpu.memory_space<vmem>>
      %dma_wait3A_999 = arith.constant 0 : i32
      %dma_wait3A_1000 = arith.constant 0 : i32
      %dma_wait3A_1001 = tpu.memref_slice %arg5[%dma_wait3A_986, %dma_wait3A_999, %dma_wait3A_1000] : memref<8x4x50xi32, #tpu.memory_space<vmem>> -> memref<1x4x50xi32, #tpu.memory_space<vmem>>
      %dma_wait3A_1002 = tpu.memref_squeeze %dma_wait3A_1001 : memref<1x4x50xi32, #tpu.memory_space<vmem>> -> memref<4x50xi32, #tpu.memory_space<vmem>>
      %dma_wait3A_1003 = arith.constant 0 : i32
      %dma_wait3A_1004 = tpu.memref_slice %dma_wait3A_1002[%dma_wait3A_987, %dma_wait3A_1003] : memref<4x50xi32, #tpu.memory_space<vmem>> -> memref<1x50xi32, #tpu.memory_space<vmem>>
      %dma_wait3A_1005 = tpu.memref_squeeze %dma_wait3A_1004 : memref<1x50xi32, #tpu.memory_space<vmem>> -> memref<50xi32, #tpu.memory_space<vmem>>
      %dma_wait3A_1006 = arith.constant 0 : i32
      %dma_wait3A_1007 = arith.constant 0 : i32
      %dma_wait3A_1008 = tpu.memref_slice %arg3[%dma_wait3A_1006, %dma_wait3A_1007] : memref<8000x64xf32, #tpu.memory_space<hbm>> -> memref<8000x64xf32, #tpu.memory_space<hbm>>
      tpu.wait_indirect_dma semaphore(%arg16 : memref<!tpu.dma_semaphore, #tpu.memory_space<semaphore_mem>>) src(%dma_wait3A_1008 : memref<8000x64xf32, #tpu.memory_space<hbm>>) dst(%dma_wait3A_998 : memref<50x64xf32, #tpu.memory_space<vmem>>)
      %add3A_1009 = arith.constant 12 : i32
      %add3A_1010 = arith.addi %add3A_11, %add3A_1009 : i32
      %dma_start3A_1011 = arith.constant 1 : i32
      %dma_start3A_1012 = arith.constant 0 : i32
      %dma_start3A_1013 = arith.constant 0 : i32
      %dma_start3A_1014 = arith.constant 0 : i32
      %dma_start3A_1015 = tpu.memref_slice %arg6[%dma_start3A_1011, %dma_start3A_1012, %dma_start3A_1013, %dma_start3A_1014] : memref<2x4x50x64xf32, #tpu.memory_space<vmem>> -> memref<1x4x50x64xf32, #tpu.memory_space<vmem>>
      %dma_start3A_1016 = tpu.memref_squeeze %dma_start3A_1015 : memref<1x4x50x64xf32, #tpu.memory_space<vmem>> -> memref<4x50x64xf32, #tpu.memory_space<vmem>>
      %dma_start3A_1017 = arith.constant 0 : i32
      %dma_start3A_1018 = arith.constant 0 : i32
      %dma_start3A_1019 = tpu.memref_slice %arg4[%add3A_1010, %dma_start3A_1017, %dma_start3A_1018] : memref<16384x50x64xf32, #tpu.memory_space<hbm>> -> memref<4x50x64xf32, #tpu.memory_space<hbm>>
      %dma_start3A_1020 = arith.constant 0 : i32
      %dma_start3A_1021 = arith.constant 0 : i32
      %dma_start3A_1022 = tpu.memref_slice %arg4[%add3A_1010, %dma_start3A_1020, %dma_start3A_1021] : memref<16384x50x64xf32, #tpu.memory_space<hbm>> -> memref<4x50x64xf32, #tpu.memory_space<hbm>>
      %dma_start3A_1023 = arith.constant 0 : i32
      %dma_start3A_1024 = arith.constant 0 : i32
      %dma_start3A_1025 = arith.constant 0 : i32
      %dma_start3A_1026 = tpu.memref_slice %arg6[%dma_start3A_1011, %dma_start3A_1023, %dma_start3A_1024, %dma_start3A_1025] : memref<2x4x50x64xf32, #tpu.memory_space<vmem>> -> memref<1x4x50x64xf32, #tpu.memory_space<vmem>>
      %dma_start3A_1027 = tpu.memref_squeeze %dma_start3A_1026 : memref<1x4x50x64xf32, #tpu.memory_space<vmem>> -> memref<4x50x64xf32, #tpu.memory_space<vmem>>
      tpu.enqueue_dma source(%dma_start3A_1027 : memref<4x50x64xf32, #tpu.memory_space<vmem>>) target(%dma_start3A_1022 : memref<4x50x64xf32, #tpu.memory_space<hbm>>) target_semaphore(%arg18 : memref<!tpu.dma_semaphore, #tpu.memory_space<semaphore_mem>>)
      %dma_wait3A_1028 = arith.constant 4 : i32
      %dma_wait3A_1029 = arith.constant 0 : i32
      %dma_wait3A_1030 = arith.constant 0 : i32
      %dma_wait3A_1031 = tpu.memref_slice %arg5[%dma_wait3A_1028, %dma_wait3A_1029, %dma_wait3A_1030] : memref<8x4x50xi32, #tpu.memory_space<vmem>> -> memref<1x4x50xi32, #tpu.memory_space<vmem>>
      %dma_wait3A_1032 = tpu.memref_squeeze %dma_wait3A_1031 : memref<1x4x50xi32, #tpu.memory_space<vmem>> -> memref<4x50xi32, #tpu.memory_space<vmem>>
      %dma_wait3A_1033 = arith.constant 0 : i32
      %dma_wait3A_1034 = tpu.memref_slice %arg2[%add3A_72, %dma_wait3A_1033] : memref<16384x50xi32, #tpu.memory_space<hbm>> -> memref<4x50xi32, #tpu.memory_space<hbm>>
      %dma_wait3A_1035 = arith.constant 0 : i32
      %dma_wait3A_1036 = arith.constant 0 : i32
      %dma_wait3A_1037 = tpu.memref_slice %arg5[%dma_wait3A_1028, %dma_wait3A_1035, %dma_wait3A_1036] : memref<8x4x50xi32, #tpu.memory_space<vmem>> -> memref<1x4x50xi32, #tpu.memory_space<vmem>>
      %dma_wait3A_1038 = tpu.memref_squeeze %dma_wait3A_1037 : memref<1x4x50xi32, #tpu.memory_space<vmem>> -> memref<4x50xi32, #tpu.memory_space<vmem>>
      %dma_wait3A_1039 = arith.constant 0 : i32
      %dma_wait3A_1040 = tpu.memref_slice %arg2[%add3A_72, %dma_wait3A_1039] : memref<16384x50xi32, #tpu.memory_space<hbm>> -> memref<4x50xi32, #tpu.memory_space<hbm>>
      tpu.wait_dma2 semaphore(%arg11 : memref<!tpu.dma_semaphore, #tpu.memory_space<semaphore_mem>>) src(%dma_wait3A_1040 : memref<4x50xi32, #tpu.memory_space<hbm>>) dst(%dma_wait3A_1038 : memref<4x50xi32, #tpu.memory_space<vmem>>)
      %dma_wait3A_1041 = arith.constant 0 : i32
      %dma_wait3A_1042 = arith.constant 0 : i32
      %dma_wait3A_1043 = arith.constant 0 : i32
      %dma_wait3A_1044 = arith.constant 0 : i32
      %dma_wait3A_1045 = tpu.memref_slice %arg6[%dma_wait3A_1041, %dma_wait3A_1042, %dma_wait3A_1043, %dma_wait3A_1044] : memref<2x4x50x64xf32, #tpu.memory_space<vmem>> -> memref<1x4x50x64xf32, #tpu.memory_space<vmem>>
      %dma_wait3A_1046 = tpu.memref_squeeze %dma_wait3A_1045 : memref<1x4x50x64xf32, #tpu.memory_space<vmem>> -> memref<4x50x64xf32, #tpu.memory_space<vmem>>
      %dma_wait3A_1047 = arith.constant 0 : i32
      %dma_wait3A_1048 = arith.constant 0 : i32
      %dma_wait3A_1049 = tpu.memref_slice %arg4[%add3A_777, %dma_wait3A_1047, %dma_wait3A_1048] : memref<16384x50x64xf32, #tpu.memory_space<hbm>> -> memref<4x50x64xf32, #tpu.memory_space<hbm>>
      %dma_wait3A_1050 = arith.constant 0 : i32
      %dma_wait3A_1051 = arith.constant 0 : i32
      %dma_wait3A_1052 = tpu.memref_slice %arg4[%add3A_777, %dma_wait3A_1050, %dma_wait3A_1051] : memref<16384x50x64xf32, #tpu.memory_space<hbm>> -> memref<4x50x64xf32, #tpu.memory_space<hbm>>
      %dma_wait3A_1053 = arith.constant 0 : i32
      %dma_wait3A_1054 = arith.constant 0 : i32
      %dma_wait3A_1055 = arith.constant 0 : i32
      %dma_wait3A_1056 = tpu.memref_slice %arg6[%dma_wait3A_1041, %dma_wait3A_1053, %dma_wait3A_1054, %dma_wait3A_1055] : memref<2x4x50x64xf32, #tpu.memory_space<vmem>> -> memref<1x4x50x64xf32, #tpu.memory_space<vmem>>
      %dma_wait3A_1057 = tpu.memref_squeeze %dma_wait3A_1056 : memref<1x4x50x64xf32, #tpu.memory_space<vmem>> -> memref<4x50x64xf32, #tpu.memory_space<vmem>>
      tpu.wait_dma2 semaphore(%arg17 : memref<!tpu.dma_semaphore, #tpu.memory_space<semaphore_mem>>) src(%dma_wait3A_1057 : memref<4x50x64xf32, #tpu.memory_space<vmem>>) dst(%dma_wait3A_1052 : memref<4x50x64xf32, #tpu.memory_space<hbm>>)
      %dma_start3A_1058 = arith.constant 4 : i32
      %dma_start3A_1059 = arith.constant 0 : i32
      %dma_start3A_1060 = arith.constant 0 : i32
      %dma_start3A_1061 = arith.constant 0 : i32
      %dma_start3A_1062 = arith.constant 0 : i32
      %dma_start3A_1063 = arith.constant 0 : i32
      %dma_start3A_1064 = arith.constant 0 : i32
      %dma_start3A_1065 = tpu.memref_slice %arg6[%dma_start3A_1060, %dma_start3A_1062, %dma_start3A_1063, %dma_start3A_1064] : memref<2x4x50x64xf32, #tpu.memory_space<vmem>> -> memref<1x4x50x64xf32, #tpu.memory_space<vmem>>
      %dma_start3A_1066 = tpu.memref_squeeze %dma_start3A_1065 : memref<1x4x50x64xf32, #tpu.memory_space<vmem>> -> memref<4x50x64xf32, #tpu.memory_space<vmem>>
      %dma_start3A_1067 = arith.constant 0 : i32
      %dma_start3A_1068 = arith.constant 0 : i32
      %dma_start3A_1069 = tpu.memref_slice %dma_start3A_1066[%dma_start3A_1061, %dma_start3A_1067, %dma_start3A_1068] : memref<4x50x64xf32, #tpu.memory_space<vmem>> -> memref<1x50x64xf32, #tpu.memory_space<vmem>>
      %dma_start3A_1070 = tpu.memref_squeeze %dma_start3A_1069 : memref<1x50x64xf32, #tpu.memory_space<vmem>> -> memref<50x64xf32, #tpu.memory_space<vmem>>
      %dma_start3A_1071 = arith.constant 0 : i32
      %dma_start3A_1072 = arith.constant 0 : i32
      %dma_start3A_1073 = tpu.memref_slice %arg5[%dma_start3A_1058, %dma_start3A_1071, %dma_start3A_1072] : memref<8x4x50xi32, #tpu.memory_space<vmem>> -> memref<1x4x50xi32, #tpu.memory_space<vmem>>
      %dma_start3A_1074 = tpu.memref_squeeze %dma_start3A_1073 : memref<1x4x50xi32, #tpu.memory_space<vmem>> -> memref<4x50xi32, #tpu.memory_space<vmem>>
      %dma_start3A_1075 = arith.constant 0 : i32
      %dma_start3A_1076 = tpu.memref_slice %dma_start3A_1074[%dma_start3A_1059, %dma_start3A_1075] : memref<4x50xi32, #tpu.memory_space<vmem>> -> memref<1x50xi32, #tpu.memory_space<vmem>>
      %dma_start3A_1077 = tpu.memref_squeeze %dma_start3A_1076 : memref<1x50xi32, #tpu.memory_space<vmem>> -> memref<50xi32, #tpu.memory_space<vmem>>
      %dma_start3A_1078 = arith.constant 0 : i32
      %dma_start3A_1079 = arith.constant 0 : i32
      %dma_start3A_1080 = tpu.memref_slice %arg3[%dma_start3A_1078, %dma_start3A_1079] : memref<8000x64xf32, #tpu.memory_space<hbm>> -> memref<8000x64xf32, #tpu.memory_space<hbm>>
      tpu.enqueue_indirect_dma source(%dma_start3A_1080 : memref<8000x64xf32, #tpu.memory_space<hbm>>) target(%dma_start3A_1070 : memref<50x64xf32, #tpu.memory_space<vmem>>) offsets(%dma_start3A_1077 : memref<50xi32, #tpu.memory_space<vmem>>) semaphore(%arg15 : memref<!tpu.dma_semaphore, #tpu.memory_space<semaphore_mem>>)
      %dma_start3A_1081 = arith.constant 4 : i32
      %dma_start3A_1082 = arith.constant 1 : i32
      %dma_start3A_1083 = arith.constant 0 : i32
      %dma_start3A_1084 = arith.constant 1 : i32
      %dma_start3A_1085 = arith.constant 0 : i32
      %dma_start3A_1086 = arith.constant 0 : i32
      %dma_start3A_1087 = arith.constant 0 : i32
      %dma_start3A_1088 = tpu.memref_slice %arg6[%dma_start3A_1083, %dma_start3A_1085, %dma_start3A_1086, %dma_start3A_1087] : memref<2x4x50x64xf32, #tpu.memory_space<vmem>> -> memref<1x4x50x64xf32, #tpu.memory_space<vmem>>
      %dma_start3A_1089 = tpu.memref_squeeze %dma_start3A_1088 : memref<1x4x50x64xf32, #tpu.memory_space<vmem>> -> memref<4x50x64xf32, #tpu.memory_space<vmem>>
      %dma_start3A_1090 = arith.constant 0 : i32
      %dma_start3A_1091 = arith.constant 0 : i32
      %dma_start3A_1092 = tpu.memref_slice %dma_start3A_1089[%dma_start3A_1084, %dma_start3A_1090, %dma_start3A_1091] : memref<4x50x64xf32, #tpu.memory_space<vmem>> -> memref<1x50x64xf32, #tpu.memory_space<vmem>>
      %dma_start3A_1093 = tpu.memref_squeeze %dma_start3A_1092 : memref<1x50x64xf32, #tpu.memory_space<vmem>> -> memref<50x64xf32, #tpu.memory_space<vmem>>
      %dma_start3A_1094 = arith.constant 0 : i32
      %dma_start3A_1095 = arith.constant 0 : i32
      %dma_start3A_1096 = tpu.memref_slice %arg5[%dma_start3A_1081, %dma_start3A_1094, %dma_start3A_1095] : memref<8x4x50xi32, #tpu.memory_space<vmem>> -> memref<1x4x50xi32, #tpu.memory_space<vmem>>
      %dma_start3A_1097 = tpu.memref_squeeze %dma_start3A_1096 : memref<1x4x50xi32, #tpu.memory_space<vmem>> -> memref<4x50xi32, #tpu.memory_space<vmem>>
      %dma_start3A_1098 = arith.constant 0 : i32
      %dma_start3A_1099 = tpu.memref_slice %dma_start3A_1097[%dma_start3A_1082, %dma_start3A_1098] : memref<4x50xi32, #tpu.memory_space<vmem>> -> memref<1x50xi32, #tpu.memory_space<vmem>>
      %dma_start3A_1100 = tpu.memref_squeeze %dma_start3A_1099 : memref<1x50xi32, #tpu.memory_space<vmem>> -> memref<50xi32, #tpu.memory_space<vmem>>
      %dma_start3A_1101 = arith.constant 0 : i32
      %dma_start3A_1102 = arith.constant 0 : i32
      %dma_start3A_1103 = tpu.memref_slice %arg3[%dma_start3A_1101, %dma_start3A_1102] : memref<8000x64xf32, #tpu.memory_space<hbm>> -> memref<8000x64xf32, #tpu.memory_space<hbm>>
      tpu.enqueue_indirect_dma source(%dma_start3A_1103 : memref<8000x64xf32, #tpu.memory_space<hbm>>) target(%dma_start3A_1093 : memref<50x64xf32, #tpu.memory_space<vmem>>) offsets(%dma_start3A_1100 : memref<50xi32, #tpu.memory_space<vmem>>) semaphore(%arg15 : memref<!tpu.dma_semaphore, #tpu.memory_space<semaphore_mem>>)
      %dma_start3A_1104 = arith.constant 4 : i32
      %dma_start3A_1105 = arith.constant 2 : i32
      %dma_start3A_1106 = arith.constant 0 : i32
      %dma_start3A_1107 = arith.constant 2 : i32
      %dma_start3A_1108 = arith.constant 0 : i32
      %dma_start3A_1109 = arith.constant 0 : i32
      %dma_start3A_1110 = arith.constant 0 : i32
      %dma_start3A_1111 = tpu.memref_slice %arg6[%dma_start3A_1106, %dma_start3A_1108, %dma_start3A_1109, %dma_start3A_1110] : memref<2x4x50x64xf32, #tpu.memory_space<vmem>> -> memref<1x4x50x64xf32, #tpu.memory_space<vmem>>
      %dma_start3A_1112 = tpu.memref_squeeze %dma_start3A_1111 : memref<1x4x50x64xf32, #tpu.memory_space<vmem>> -> memref<4x50x64xf32, #tpu.memory_space<vmem>>
      %dma_start3A_1113 = arith.constant 0 : i32
      %dma_start3A_1114 = arith.constant 0 : i32
      %dma_start3A_1115 = tpu.memref_slice %dma_start3A_1112[%dma_start3A_1107, %dma_start3A_1113, %dma_start3A_1114] : memref<4x50x64xf32, #tpu.memory_space<vmem>> -> memref<1x50x64xf32, #tpu.memory_space<vmem>>
      %dma_start3A_1116 = tpu.memref_squeeze %dma_start3A_1115 : memref<1x50x64xf32, #tpu.memory_space<vmem>> -> memref<50x64xf32, #tpu.memory_space<vmem>>
      %dma_start3A_1117 = arith.constant 0 : i32
      %dma_start3A_1118 = arith.constant 0 : i32
      %dma_start3A_1119 = tpu.memref_slice %arg5[%dma_start3A_1104, %dma_start3A_1117, %dma_start3A_1118] : memref<8x4x50xi32, #tpu.memory_space<vmem>> -> memref<1x4x50xi32, #tpu.memory_space<vmem>>
      %dma_start3A_1120 = tpu.memref_squeeze %dma_start3A_1119 : memref<1x4x50xi32, #tpu.memory_space<vmem>> -> memref<4x50xi32, #tpu.memory_space<vmem>>
      %dma_start3A_1121 = arith.constant 0 : i32
      %dma_start3A_1122 = tpu.memref_slice %dma_start3A_1120[%dma_start3A_1105, %dma_start3A_1121] : memref<4x50xi32, #tpu.memory_space<vmem>> -> memref<1x50xi32, #tpu.memory_space<vmem>>
      %dma_start3A_1123 = tpu.memref_squeeze %dma_start3A_1122 : memref<1x50xi32, #tpu.memory_space<vmem>> -> memref<50xi32, #tpu.memory_space<vmem>>
      %dma_start3A_1124 = arith.constant 0 : i32
      %dma_start3A_1125 = arith.constant 0 : i32
      %dma_start3A_1126 = tpu.memref_slice %arg3[%dma_start3A_1124, %dma_start3A_1125] : memref<8000x64xf32, #tpu.memory_space<hbm>> -> memref<8000x64xf32, #tpu.memory_space<hbm>>
      tpu.enqueue_indirect_dma source(%dma_start3A_1126 : memref<8000x64xf32, #tpu.memory_space<hbm>>) target(%dma_start3A_1116 : memref<50x64xf32, #tpu.memory_space<vmem>>) offsets(%dma_start3A_1123 : memref<50xi32, #tpu.memory_space<vmem>>) semaphore(%arg15 : memref<!tpu.dma_semaphore, #tpu.memory_space<semaphore_mem>>)
      %dma_start3A_1127 = arith.constant 4 : i32
      %dma_start3A_1128 = arith.constant 3 : i32
      %dma_start3A_1129 = arith.constant 0 : i32
      %dma_start3A_1130 = arith.constant 3 : i32
      %dma_start3A_1131 = arith.constant 0 : i32
      %dma_start3A_1132 = arith.constant 0 : i32
      %dma_start3A_1133 = arith.constant 0 : i32
      %dma_start3A_1134 = tpu.memref_slice %arg6[%dma_start3A_1129, %dma_start3A_1131, %dma_start3A_1132, %dma_start3A_1133] : memref<2x4x50x64xf32, #tpu.memory_space<vmem>> -> memref<1x4x50x64xf32, #tpu.memory_space<vmem>>
      %dma_start3A_1135 = tpu.memref_squeeze %dma_start3A_1134 : memref<1x4x50x64xf32, #tpu.memory_space<vmem>> -> memref<4x50x64xf32, #tpu.memory_space<vmem>>
      %dma_start3A_1136 = arith.constant 0 : i32
      %dma_start3A_1137 = arith.constant 0 : i32
      %dma_start3A_1138 = tpu.memref_slice %dma_start3A_1135[%dma_start3A_1130, %dma_start3A_1136, %dma_start3A_1137] : memref<4x50x64xf32, #tpu.memory_space<vmem>> -> memref<1x50x64xf32, #tpu.memory_space<vmem>>
      %dma_start3A_1139 = tpu.memref_squeeze %dma_start3A_1138 : memref<1x50x64xf32, #tpu.memory_space<vmem>> -> memref<50x64xf32, #tpu.memory_space<vmem>>
      %dma_start3A_1140 = arith.constant 0 : i32
      %dma_start3A_1141 = arith.constant 0 : i32
      %dma_start3A_1142 = tpu.memref_slice %arg5[%dma_start3A_1127, %dma_start3A_1140, %dma_start3A_1141] : memref<8x4x50xi32, #tpu.memory_space<vmem>> -> memref<1x4x50xi32, #tpu.memory_space<vmem>>
      %dma_start3A_1143 = tpu.memref_squeeze %dma_start3A_1142 : memref<1x4x50xi32, #tpu.memory_space<vmem>> -> memref<4x50xi32, #tpu.memory_space<vmem>>
      %dma_start3A_1144 = arith.constant 0 : i32
      %dma_start3A_1145 = tpu.memref_slice %dma_start3A_1143[%dma_start3A_1128, %dma_start3A_1144] : memref<4x50xi32, #tpu.memory_space<vmem>> -> memref<1x50xi32, #tpu.memory_space<vmem>>
      %dma_start3A_1146 = tpu.memref_squeeze %dma_start3A_1145 : memref<1x50xi32, #tpu.memory_space<vmem>> -> memref<50xi32, #tpu.memory_space<vmem>>
      %dma_start3A_1147 = arith.constant 0 : i32
      %dma_start3A_1148 = arith.constant 0 : i32
      %dma_start3A_1149 = tpu.memref_slice %arg3[%dma_start3A_1147, %dma_start3A_1148] : memref<8000x64xf32, #tpu.memory_space<hbm>> -> memref<8000x64xf32, #tpu.memory_space<hbm>>
      tpu.enqueue_indirect_dma source(%dma_start3A_1149 : memref<8000x64xf32, #tpu.memory_space<hbm>>) target(%dma_start3A_1139 : memref<50x64xf32, #tpu.memory_space<vmem>>) offsets(%dma_start3A_1146 : memref<50xi32, #tpu.memory_space<vmem>>) semaphore(%arg15 : memref<!tpu.dma_semaphore, #tpu.memory_space<semaphore_mem>>)
      %dma_wait3A_1150 = arith.constant 4 : i32
      %dma_wait3A_1151 = arith.constant 0 : i32
      %dma_wait3A_1152 = arith.constant 0 : i32
      %dma_wait3A_1153 = arith.constant 0 : i32
      %dma_wait3A_1154 = arith.constant 0 : i32
      %dma_wait3A_1155 = arith.constant 0 : i32
      %dma_wait3A_1156 = arith.constant 0 : i32
      %dma_wait3A_1157 = tpu.memref_slice %arg6[%dma_wait3A_1152, %dma_wait3A_1154, %dma_wait3A_1155, %dma_wait3A_1156] : memref<2x4x50x64xf32, #tpu.memory_space<vmem>> -> memref<1x4x50x64xf32, #tpu.memory_space<vmem>>
      %dma_wait3A_1158 = tpu.memref_squeeze %dma_wait3A_1157 : memref<1x4x50x64xf32, #tpu.memory_space<vmem>> -> memref<4x50x64xf32, #tpu.memory_space<vmem>>
      %dma_wait3A_1159 = arith.constant 0 : i32
      %dma_wait3A_1160 = arith.constant 0 : i32
      %dma_wait3A_1161 = tpu.memref_slice %dma_wait3A_1158[%dma_wait3A_1153, %dma_wait3A_1159, %dma_wait3A_1160] : memref<4x50x64xf32, #tpu.memory_space<vmem>> -> memref<1x50x64xf32, #tpu.memory_space<vmem>>
      %dma_wait3A_1162 = tpu.memref_squeeze %dma_wait3A_1161 : memref<1x50x64xf32, #tpu.memory_space<vmem>> -> memref<50x64xf32, #tpu.memory_space<vmem>>
      %dma_wait3A_1163 = arith.constant 0 : i32
      %dma_wait3A_1164 = arith.constant 0 : i32
      %dma_wait3A_1165 = tpu.memref_slice %arg5[%dma_wait3A_1150, %dma_wait3A_1163, %dma_wait3A_1164] : memref<8x4x50xi32, #tpu.memory_space<vmem>> -> memref<1x4x50xi32, #tpu.memory_space<vmem>>
      %dma_wait3A_1166 = tpu.memref_squeeze %dma_wait3A_1165 : memref<1x4x50xi32, #tpu.memory_space<vmem>> -> memref<4x50xi32, #tpu.memory_space<vmem>>
      %dma_wait3A_1167 = arith.constant 0 : i32
      %dma_wait3A_1168 = tpu.memref_slice %dma_wait3A_1166[%dma_wait3A_1151, %dma_wait3A_1167] : memref<4x50xi32, #tpu.memory_space<vmem>> -> memref<1x50xi32, #tpu.memory_space<vmem>>
      %dma_wait3A_1169 = tpu.memref_squeeze %dma_wait3A_1168 : memref<1x50xi32, #tpu.memory_space<vmem>> -> memref<50xi32, #tpu.memory_space<vmem>>
      %dma_wait3A_1170 = arith.constant 0 : i32
      %dma_wait3A_1171 = arith.constant 0 : i32
      %dma_wait3A_1172 = tpu.memref_slice %arg3[%dma_wait3A_1170, %dma_wait3A_1171] : memref<8000x64xf32, #tpu.memory_space<hbm>> -> memref<8000x64xf32, #tpu.memory_space<hbm>>
      tpu.wait_indirect_dma semaphore(%arg15 : memref<!tpu.dma_semaphore, #tpu.memory_space<semaphore_mem>>) src(%dma_wait3A_1172 : memref<8000x64xf32, #tpu.memory_space<hbm>>) dst(%dma_wait3A_1162 : memref<50x64xf32, #tpu.memory_space<vmem>>)
      %dma_wait3A_1173 = arith.constant 4 : i32
      %dma_wait3A_1174 = arith.constant 1 : i32
      %dma_wait3A_1175 = arith.constant 0 : i32
      %dma_wait3A_1176 = arith.constant 1 : i32
      %dma_wait3A_1177 = arith.constant 0 : i32
      %dma_wait3A_1178 = arith.constant 0 : i32
      %dma_wait3A_1179 = arith.constant 0 : i32
      %dma_wait3A_1180 = tpu.memref_slice %arg6[%dma_wait3A_1175, %dma_wait3A_1177, %dma_wait3A_1178, %dma_wait3A_1179] : memref<2x4x50x64xf32, #tpu.memory_space<vmem>> -> memref<1x4x50x64xf32, #tpu.memory_space<vmem>>
      %dma_wait3A_1181 = tpu.memref_squeeze %dma_wait3A_1180 : memref<1x4x50x64xf32, #tpu.memory_space<vmem>> -> memref<4x50x64xf32, #tpu.memory_space<vmem>>
      %dma_wait3A_1182 = arith.constant 0 : i32
      %dma_wait3A_1183 = arith.constant 0 : i32
      %dma_wait3A_1184 = tpu.memref_slice %dma_wait3A_1181[%dma_wait3A_1176, %dma_wait3A_1182, %dma_wait3A_1183] : memref<4x50x64xf32, #tpu.memory_space<vmem>> -> memref<1x50x64xf32, #tpu.memory_space<vmem>>
      %dma_wait3A_1185 = tpu.memref_squeeze %dma_wait3A_1184 : memref<1x50x64xf32, #tpu.memory_space<vmem>> -> memref<50x64xf32, #tpu.memory_space<vmem>>
      %dma_wait3A_1186 = arith.constant 0 : i32
      %dma_wait3A_1187 = arith.constant 0 : i32
      %dma_wait3A_1188 = tpu.memref_slice %arg5[%dma_wait3A_1173, %dma_wait3A_1186, %dma_wait3A_1187] : memref<8x4x50xi32, #tpu.memory_space<vmem>> -> memref<1x4x50xi32, #tpu.memory_space<vmem>>
      %dma_wait3A_1189 = tpu.memref_squeeze %dma_wait3A_1188 : memref<1x4x50xi32, #tpu.memory_space<vmem>> -> memref<4x50xi32, #tpu.memory_space<vmem>>
      %dma_wait3A_1190 = arith.constant 0 : i32
      %dma_wait3A_1191 = tpu.memref_slice %dma_wait3A_1189[%dma_wait3A_1174, %dma_wait3A_1190] : memref<4x50xi32, #tpu.memory_space<vmem>> -> memref<1x50xi32, #tpu.memory_space<vmem>>
      %dma_wait3A_1192 = tpu.memref_squeeze %dma_wait3A_1191 : memref<1x50xi32, #tpu.memory_space<vmem>> -> memref<50xi32, #tpu.memory_space<vmem>>
      %dma_wait3A_1193 = arith.constant 0 : i32
      %dma_wait3A_1194 = arith.constant 0 : i32
      %dma_wait3A_1195 = tpu.memref_slice %arg3[%dma_wait3A_1193, %dma_wait3A_1194] : memref<8000x64xf32, #tpu.memory_space<hbm>> -> memref<8000x64xf32, #tpu.memory_space<hbm>>
      tpu.wait_indirect_dma semaphore(%arg15 : memref<!tpu.dma_semaphore, #tpu.memory_space<semaphore_mem>>) src(%dma_wait3A_1195 : memref<8000x64xf32, #tpu.memory_space<hbm>>) dst(%dma_wait3A_1185 : memref<50x64xf32, #tpu.memory_space<vmem>>)
      %dma_wait3A_1196 = arith.constant 4 : i32
      %dma_wait3A_1197 = arith.constant 2 : i32
      %dma_wait3A_1198 = arith.constant 0 : i32
      %dma_wait3A_1199 = arith.constant 2 : i32
      %dma_wait3A_1200 = arith.constant 0 : i32
      %dma_wait3A_1201 = arith.constant 0 : i32
      %dma_wait3A_1202 = arith.constant 0 : i32
      %dma_wait3A_1203 = tpu.memref_slice %arg6[%dma_wait3A_1198, %dma_wait3A_1200, %dma_wait3A_1201, %dma_wait3A_1202] : memref<2x4x50x64xf32, #tpu.memory_space<vmem>> -> memref<1x4x50x64xf32, #tpu.memory_space<vmem>>
      %dma_wait3A_1204 = tpu.memref_squeeze %dma_wait3A_1203 : memref<1x4x50x64xf32, #tpu.memory_space<vmem>> -> memref<4x50x64xf32, #tpu.memory_space<vmem>>
      %dma_wait3A_1205 = arith.constant 0 : i32
      %dma_wait3A_1206 = arith.constant 0 : i32
      %dma_wait3A_1207 = tpu.memref_slice %dma_wait3A_1204[%dma_wait3A_1199, %dma_wait3A_1205, %dma_wait3A_1206] : memref<4x50x64xf32, #tpu.memory_space<vmem>> -> memref<1x50x64xf32, #tpu.memory_space<vmem>>
      %dma_wait3A_1208 = tpu.memref_squeeze %dma_wait3A_1207 : memref<1x50x64xf32, #tpu.memory_space<vmem>> -> memref<50x64xf32, #tpu.memory_space<vmem>>
      %dma_wait3A_1209 = arith.constant 0 : i32
      %dma_wait3A_1210 = arith.constant 0 : i32
      %dma_wait3A_1211 = tpu.memref_slice %arg5[%dma_wait3A_1196, %dma_wait3A_1209, %dma_wait3A_1210] : memref<8x4x50xi32, #tpu.memory_space<vmem>> -> memref<1x4x50xi32, #tpu.memory_space<vmem>>
      %dma_wait3A_1212 = tpu.memref_squeeze %dma_wait3A_1211 : memref<1x4x50xi32, #tpu.memory_space<vmem>> -> memref<4x50xi32, #tpu.memory_space<vmem>>
      %dma_wait3A_1213 = arith.constant 0 : i32
      %dma_wait3A_1214 = tpu.memref_slice %dma_wait3A_1212[%dma_wait3A_1197, %dma_wait3A_1213] : memref<4x50xi32, #tpu.memory_space<vmem>> -> memref<1x50xi32, #tpu.memory_space<vmem>>
      %dma_wait3A_1215 = tpu.memref_squeeze %dma_wait3A_1214 : memref<1x50xi32, #tpu.memory_space<vmem>> -> memref<50xi32, #tpu.memory_space<vmem>>
      %dma_wait3A_1216 = arith.constant 0 : i32
      %dma_wait3A_1217 = arith.constant 0 : i32
      %dma_wait3A_1218 = tpu.memref_slice %arg3[%dma_wait3A_1216, %dma_wait3A_1217] : memref<8000x64xf32, #tpu.memory_space<hbm>> -> memref<8000x64xf32, #tpu.memory_space<hbm>>
      tpu.wait_indirect_dma semaphore(%arg15 : memref<!tpu.dma_semaphore, #tpu.memory_space<semaphore_mem>>) src(%dma_wait3A_1218 : memref<8000x64xf32, #tpu.memory_space<hbm>>) dst(%dma_wait3A_1208 : memref<50x64xf32, #tpu.memory_space<vmem>>)
      %dma_wait3A_1219 = arith.constant 4 : i32
      %dma_wait3A_1220 = arith.constant 3 : i32
      %dma_wait3A_1221 = arith.constant 0 : i32
      %dma_wait3A_1222 = arith.constant 3 : i32
      %dma_wait3A_1223 = arith.constant 0 : i32
      %dma_wait3A_1224 = arith.constant 0 : i32
      %dma_wait3A_1225 = arith.constant 0 : i32
      %dma_wait3A_1226 = tpu.memref_slice %arg6[%dma_wait3A_1221, %dma_wait3A_1223, %dma_wait3A_1224, %dma_wait3A_1225] : memref<2x4x50x64xf32, #tpu.memory_space<vmem>> -> memref<1x4x50x64xf32, #tpu.memory_space<vmem>>
      %dma_wait3A_1227 = tpu.memref_squeeze %dma_wait3A_1226 : memref<1x4x50x64xf32, #tpu.memory_space<vmem>> -> memref<4x50x64xf32, #tpu.memory_space<vmem>>
      %dma_wait3A_1228 = arith.constant 0 : i32
      %dma_wait3A_1229 = arith.constant 0 : i32
      %dma_wait3A_1230 = tpu.memref_slice %dma_wait3A_1227[%dma_wait3A_1222, %dma_wait3A_1228, %dma_wait3A_1229] : memref<4x50x64xf32, #tpu.memory_space<vmem>> -> memref<1x50x64xf32, #tpu.memory_space<vmem>>
      %dma_wait3A_1231 = tpu.memref_squeeze %dma_wait3A_1230 : memref<1x50x64xf32, #tpu.memory_space<vmem>> -> memref<50x64xf32, #tpu.memory_space<vmem>>
      %dma_wait3A_1232 = arith.constant 0 : i32
      %dma_wait3A_1233 = arith.constant 0 : i32
      %dma_wait3A_1234 = tpu.memref_slice %arg5[%dma_wait3A_1219, %dma_wait3A_1232, %dma_wait3A_1233] : memref<8x4x50xi32, #tpu.memory_space<vmem>> -> memref<1x4x50xi32, #tpu.memory_space<vmem>>
      %dma_wait3A_1235 = tpu.memref_squeeze %dma_wait3A_1234 : memref<1x4x50xi32, #tpu.memory_space<vmem>> -> memref<4x50xi32, #tpu.memory_space<vmem>>
      %dma_wait3A_1236 = arith.constant 0 : i32
      %dma_wait3A_1237 = tpu.memref_slice %dma_wait3A_1235[%dma_wait3A_1220, %dma_wait3A_1236] : memref<4x50xi32, #tpu.memory_space<vmem>> -> memref<1x50xi32, #tpu.memory_space<vmem>>
      %dma_wait3A_1238 = tpu.memref_squeeze %dma_wait3A_1237 : memref<1x50xi32, #tpu.memory_space<vmem>> -> memref<50xi32, #tpu.memory_space<vmem>>
      %dma_wait3A_1239 = arith.constant 0 : i32
      %dma_wait3A_1240 = arith.constant 0 : i32
      %dma_wait3A_1241 = tpu.memref_slice %arg3[%dma_wait3A_1239, %dma_wait3A_1240] : memref<8000x64xf32, #tpu.memory_space<hbm>> -> memref<8000x64xf32, #tpu.memory_space<hbm>>
      tpu.wait_indirect_dma semaphore(%arg15 : memref<!tpu.dma_semaphore, #tpu.memory_space<semaphore_mem>>) src(%dma_wait3A_1241 : memref<8000x64xf32, #tpu.memory_space<hbm>>) dst(%dma_wait3A_1231 : memref<50x64xf32, #tpu.memory_space<vmem>>)
      %add3A_1242 = arith.constant 16 : i32
      %add3A_1243 = arith.addi %add3A_11, %add3A_1242 : i32
      %dma_start3A_1244 = arith.constant 0 : i32
      %dma_start3A_1245 = arith.constant 0 : i32
      %dma_start3A_1246 = arith.constant 0 : i32
      %dma_start3A_1247 = arith.constant 0 : i32
      %dma_start3A_1248 = tpu.memref_slice %arg6[%dma_start3A_1244, %dma_start3A_1245, %dma_start3A_1246, %dma_start3A_1247] : memref<2x4x50x64xf32, #tpu.memory_space<vmem>> -> memref<1x4x50x64xf32, #tpu.memory_space<vmem>>
      %dma_start3A_1249 = tpu.memref_squeeze %dma_start3A_1248 : memref<1x4x50x64xf32, #tpu.memory_space<vmem>> -> memref<4x50x64xf32, #tpu.memory_space<vmem>>
      %dma_start3A_1250 = arith.constant 0 : i32
      %dma_start3A_1251 = arith.constant 0 : i32
      %dma_start3A_1252 = tpu.memref_slice %arg4[%add3A_1243, %dma_start3A_1250, %dma_start3A_1251] : memref<16384x50x64xf32, #tpu.memory_space<hbm>> -> memref<4x50x64xf32, #tpu.memory_space<hbm>>
      %dma_start3A_1253 = arith.constant 0 : i32
      %dma_start3A_1254 = arith.constant 0 : i32
      %dma_start3A_1255 = tpu.memref_slice %arg4[%add3A_1243, %dma_start3A_1253, %dma_start3A_1254] : memref<16384x50x64xf32, #tpu.memory_space<hbm>> -> memref<4x50x64xf32, #tpu.memory_space<hbm>>
      %dma_start3A_1256 = arith.constant 0 : i32
      %dma_start3A_1257 = arith.constant 0 : i32
      %dma_start3A_1258 = arith.constant 0 : i32
      %dma_start3A_1259 = tpu.memref_slice %arg6[%dma_start3A_1244, %dma_start3A_1256, %dma_start3A_1257, %dma_start3A_1258] : memref<2x4x50x64xf32, #tpu.memory_space<vmem>> -> memref<1x4x50x64xf32, #tpu.memory_space<vmem>>
      %dma_start3A_1260 = tpu.memref_squeeze %dma_start3A_1259 : memref<1x4x50x64xf32, #tpu.memory_space<vmem>> -> memref<4x50x64xf32, #tpu.memory_space<vmem>>
      tpu.enqueue_dma source(%dma_start3A_1260 : memref<4x50x64xf32, #tpu.memory_space<vmem>>) target(%dma_start3A_1255 : memref<4x50x64xf32, #tpu.memory_space<hbm>>) target_semaphore(%arg17 : memref<!tpu.dma_semaphore, #tpu.memory_space<semaphore_mem>>)
      %dma_wait3A_1261 = arith.constant 5 : i32
      %dma_wait3A_1262 = arith.constant 0 : i32
      %dma_wait3A_1263 = arith.constant 0 : i32
      %dma_wait3A_1264 = tpu.memref_slice %arg5[%dma_wait3A_1261, %dma_wait3A_1262, %dma_wait3A_1263] : memref<8x4x50xi32, #tpu.memory_space<vmem>> -> memref<1x4x50xi32, #tpu.memory_space<vmem>>
      %dma_wait3A_1265 = tpu.memref_squeeze %dma_wait3A_1264 : memref<1x4x50xi32, #tpu.memory_space<vmem>> -> memref<4x50xi32, #tpu.memory_space<vmem>>
      %dma_wait3A_1266 = arith.constant 0 : i32
      %dma_wait3A_1267 = tpu.memref_slice %arg2[%add3A_87, %dma_wait3A_1266] : memref<16384x50xi32, #tpu.memory_space<hbm>> -> memref<4x50xi32, #tpu.memory_space<hbm>>
      %dma_wait3A_1268 = arith.constant 0 : i32
      %dma_wait3A_1269 = arith.constant 0 : i32
      %dma_wait3A_1270 = tpu.memref_slice %arg5[%dma_wait3A_1261, %dma_wait3A_1268, %dma_wait3A_1269] : memref<8x4x50xi32, #tpu.memory_space<vmem>> -> memref<1x4x50xi32, #tpu.memory_space<vmem>>
      %dma_wait3A_1271 = tpu.memref_squeeze %dma_wait3A_1270 : memref<1x4x50xi32, #tpu.memory_space<vmem>> -> memref<4x50xi32, #tpu.memory_space<vmem>>
      %dma_wait3A_1272 = arith.constant 0 : i32
      %dma_wait3A_1273 = tpu.memref_slice %arg2[%add3A_87, %dma_wait3A_1272] : memref<16384x50xi32, #tpu.memory_space<hbm>> -> memref<4x50xi32, #tpu.memory_space<hbm>>
      tpu.wait_dma2 semaphore(%arg12 : memref<!tpu.dma_semaphore, #tpu.memory_space<semaphore_mem>>) src(%dma_wait3A_1273 : memref<4x50xi32, #tpu.memory_space<hbm>>) dst(%dma_wait3A_1271 : memref<4x50xi32, #tpu.memory_space<vmem>>)
      %dma_wait3A_1274 = arith.constant 1 : i32
      %dma_wait3A_1275 = arith.constant 0 : i32
      %dma_wait3A_1276 = arith.constant 0 : i32
      %dma_wait3A_1277 = arith.constant 0 : i32
      %dma_wait3A_1278 = tpu.memref_slice %arg6[%dma_wait3A_1274, %dma_wait3A_1275, %dma_wait3A_1276, %dma_wait3A_1277] : memref<2x4x50x64xf32, #tpu.memory_space<vmem>> -> memref<1x4x50x64xf32, #tpu.memory_space<vmem>>
      %dma_wait3A_1279 = tpu.memref_squeeze %dma_wait3A_1278 : memref<1x4x50x64xf32, #tpu.memory_space<vmem>> -> memref<4x50x64xf32, #tpu.memory_space<vmem>>
      %dma_wait3A_1280 = arith.constant 0 : i32
      %dma_wait3A_1281 = arith.constant 0 : i32
      %dma_wait3A_1282 = tpu.memref_slice %arg4[%add3A_1010, %dma_wait3A_1280, %dma_wait3A_1281] : memref<16384x50x64xf32, #tpu.memory_space<hbm>> -> memref<4x50x64xf32, #tpu.memory_space<hbm>>
      %dma_wait3A_1283 = arith.constant 0 : i32
      %dma_wait3A_1284 = arith.constant 0 : i32
      %dma_wait3A_1285 = tpu.memref_slice %arg4[%add3A_1010, %dma_wait3A_1283, %dma_wait3A_1284] : memref<16384x50x64xf32, #tpu.memory_space<hbm>> -> memref<4x50x64xf32, #tpu.memory_space<hbm>>
      %dma_wait3A_1286 = arith.constant 0 : i32
      %dma_wait3A_1287 = arith.constant 0 : i32
      %dma_wait3A_1288 = arith.constant 0 : i32
      %dma_wait3A_1289 = tpu.memref_slice %arg6[%dma_wait3A_1274, %dma_wait3A_1286, %dma_wait3A_1287, %dma_wait3A_1288] : memref<2x4x50x64xf32, #tpu.memory_space<vmem>> -> memref<1x4x50x64xf32, #tpu.memory_space<vmem>>
      %dma_wait3A_1290 = tpu.memref_squeeze %dma_wait3A_1289 : memref<1x4x50x64xf32, #tpu.memory_space<vmem>> -> memref<4x50x64xf32, #tpu.memory_space<vmem>>
      tpu.wait_dma2 semaphore(%arg18 : memref<!tpu.dma_semaphore, #tpu.memory_space<semaphore_mem>>) src(%dma_wait3A_1290 : memref<4x50x64xf32, #tpu.memory_space<vmem>>) dst(%dma_wait3A_1285 : memref<4x50x64xf32, #tpu.memory_space<hbm>>)
      %dma_start3A_1291 = arith.constant 5 : i32
      %dma_start3A_1292 = arith.constant 0 : i32
      %dma_start3A_1293 = arith.constant 1 : i32
      %dma_start3A_1294 = arith.constant 0 : i32
      %dma_start3A_1295 = arith.constant 0 : i32
      %dma_start3A_1296 = arith.constant 0 : i32
      %dma_start3A_1297 = arith.constant 0 : i32
      %dma_start3A_1298 = tpu.memref_slice %arg6[%dma_start3A_1293, %dma_start3A_1295, %dma_start3A_1296, %dma_start3A_1297] : memref<2x4x50x64xf32, #tpu.memory_space<vmem>> -> memref<1x4x50x64xf32, #tpu.memory_space<vmem>>
      %dma_start3A_1299 = tpu.memref_squeeze %dma_start3A_1298 : memref<1x4x50x64xf32, #tpu.memory_space<vmem>> -> memref<4x50x64xf32, #tpu.memory_space<vmem>>
      %dma_start3A_1300 = arith.constant 0 : i32
      %dma_start3A_1301 = arith.constant 0 : i32
      %dma_start3A_1302 = tpu.memref_slice %dma_start3A_1299[%dma_start3A_1294, %dma_start3A_1300, %dma_start3A_1301] : memref<4x50x64xf32, #tpu.memory_space<vmem>> -> memref<1x50x64xf32, #tpu.memory_space<vmem>>
      %dma_start3A_1303 = tpu.memref_squeeze %dma_start3A_1302 : memref<1x50x64xf32, #tpu.memory_space<vmem>> -> memref<50x64xf32, #tpu.memory_space<vmem>>
      %dma_start3A_1304 = arith.constant 0 : i32
      %dma_start3A_1305 = arith.constant 0 : i32
      %dma_start3A_1306 = tpu.memref_slice %arg5[%dma_start3A_1291, %dma_start3A_1304, %dma_start3A_1305] : memref<8x4x50xi32, #tpu.memory_space<vmem>> -> memref<1x4x50xi32, #tpu.memory_space<vmem>>
      %dma_start3A_1307 = tpu.memref_squeeze %dma_start3A_1306 : memref<1x4x50xi32, #tpu.memory_space<vmem>> -> memref<4x50xi32, #tpu.memory_space<vmem>>
      %dma_start3A_1308 = arith.constant 0 : i32
      %dma_start3A_1309 = tpu.memref_slice %dma_start3A_1307[%dma_start3A_1292, %dma_start3A_1308] : memref<4x50xi32, #tpu.memory_space<vmem>> -> memref<1x50xi32, #tpu.memory_space<vmem>>
      %dma_start3A_1310 = tpu.memref_squeeze %dma_start3A_1309 : memref<1x50xi32, #tpu.memory_space<vmem>> -> memref<50xi32, #tpu.memory_space<vmem>>
      %dma_start3A_1311 = arith.constant 0 : i32
      %dma_start3A_1312 = arith.constant 0 : i32
      %dma_start3A_1313 = tpu.memref_slice %arg3[%dma_start3A_1311, %dma_start3A_1312] : memref<8000x64xf32, #tpu.memory_space<hbm>> -> memref<8000x64xf32, #tpu.memory_space<hbm>>
      tpu.enqueue_indirect_dma source(%dma_start3A_1313 : memref<8000x64xf32, #tpu.memory_space<hbm>>) target(%dma_start3A_1303 : memref<50x64xf32, #tpu.memory_space<vmem>>) offsets(%dma_start3A_1310 : memref<50xi32, #tpu.memory_space<vmem>>) semaphore(%arg16 : memref<!tpu.dma_semaphore, #tpu.memory_space<semaphore_mem>>)
      %dma_start3A_1314 = arith.constant 5 : i32
      %dma_start3A_1315 = arith.constant 1 : i32
      %dma_start3A_1316 = arith.constant 1 : i32
      %dma_start3A_1317 = arith.constant 1 : i32
      %dma_start3A_1318 = arith.constant 0 : i32
      %dma_start3A_1319 = arith.constant 0 : i32
      %dma_start3A_1320 = arith.constant 0 : i32
      %dma_start3A_1321 = tpu.memref_slice %arg6[%dma_start3A_1316, %dma_start3A_1318, %dma_start3A_1319, %dma_start3A_1320] : memref<2x4x50x64xf32, #tpu.memory_space<vmem>> -> memref<1x4x50x64xf32, #tpu.memory_space<vmem>>
      %dma_start3A_1322 = tpu.memref_squeeze %dma_start3A_1321 : memref<1x4x50x64xf32, #tpu.memory_space<vmem>> -> memref<4x50x64xf32, #tpu.memory_space<vmem>>
      %dma_start3A_1323 = arith.constant 0 : i32
      %dma_start3A_1324 = arith.constant 0 : i32
      %dma_start3A_1325 = tpu.memref_slice %dma_start3A_1322[%dma_start3A_1317, %dma_start3A_1323, %dma_start3A_1324] : memref<4x50x64xf32, #tpu.memory_space<vmem>> -> memref<1x50x64xf32, #tpu.memory_space<vmem>>
      %dma_start3A_1326 = tpu.memref_squeeze %dma_start3A_1325 : memref<1x50x64xf32, #tpu.memory_space<vmem>> -> memref<50x64xf32, #tpu.memory_space<vmem>>
      %dma_start3A_1327 = arith.constant 0 : i32
      %dma_start3A_1328 = arith.constant 0 : i32
      %dma_start3A_1329 = tpu.memref_slice %arg5[%dma_start3A_1314, %dma_start3A_1327, %dma_start3A_1328] : memref<8x4x50xi32, #tpu.memory_space<vmem>> -> memref<1x4x50xi32, #tpu.memory_space<vmem>>
      %dma_start3A_1330 = tpu.memref_squeeze %dma_start3A_1329 : memref<1x4x50xi32, #tpu.memory_space<vmem>> -> memref<4x50xi32, #tpu.memory_space<vmem>>
      %dma_start3A_1331 = arith.constant 0 : i32
      %dma_start3A_1332 = tpu.memref_slice %dma_start3A_1330[%dma_start3A_1315, %dma_start3A_1331] : memref<4x50xi32, #tpu.memory_space<vmem>> -> memref<1x50xi32, #tpu.memory_space<vmem>>
      %dma_start3A_1333 = tpu.memref_squeeze %dma_start3A_1332 : memref<1x50xi32, #tpu.memory_space<vmem>> -> memref<50xi32, #tpu.memory_space<vmem>>
      %dma_start3A_1334 = arith.constant 0 : i32
      %dma_start3A_1335 = arith.constant 0 : i32
      %dma_start3A_1336 = tpu.memref_slice %arg3[%dma_start3A_1334, %dma_start3A_1335] : memref<8000x64xf32, #tpu.memory_space<hbm>> -> memref<8000x64xf32, #tpu.memory_space<hbm>>
      tpu.enqueue_indirect_dma source(%dma_start3A_1336 : memref<8000x64xf32, #tpu.memory_space<hbm>>) target(%dma_start3A_1326 : memref<50x64xf32, #tpu.memory_space<vmem>>) offsets(%dma_start3A_1333 : memref<50xi32, #tpu.memory_space<vmem>>) semaphore(%arg16 : memref<!tpu.dma_semaphore, #tpu.memory_space<semaphore_mem>>)
      %dma_start3A_1337 = arith.constant 5 : i32
      %dma_start3A_1338 = arith.constant 2 : i32
      %dma_start3A_1339 = arith.constant 1 : i32
      %dma_start3A_1340 = arith.constant 2 : i32
      %dma_start3A_1341 = arith.constant 0 : i32
      %dma_start3A_1342 = arith.constant 0 : i32
      %dma_start3A_1343 = arith.constant 0 : i32
      %dma_start3A_1344 = tpu.memref_slice %arg6[%dma_start3A_1339, %dma_start3A_1341, %dma_start3A_1342, %dma_start3A_1343] : memref<2x4x50x64xf32, #tpu.memory_space<vmem>> -> memref<1x4x50x64xf32, #tpu.memory_space<vmem>>
      %dma_start3A_1345 = tpu.memref_squeeze %dma_start3A_1344 : memref<1x4x50x64xf32, #tpu.memory_space<vmem>> -> memref<4x50x64xf32, #tpu.memory_space<vmem>>
      %dma_start3A_1346 = arith.constant 0 : i32
      %dma_start3A_1347 = arith.constant 0 : i32
      %dma_start3A_1348 = tpu.memref_slice %dma_start3A_1345[%dma_start3A_1340, %dma_start3A_1346, %dma_start3A_1347] : memref<4x50x64xf32, #tpu.memory_space<vmem>> -> memref<1x50x64xf32, #tpu.memory_space<vmem>>
      %dma_start3A_1349 = tpu.memref_squeeze %dma_start3A_1348 : memref<1x50x64xf32, #tpu.memory_space<vmem>> -> memref<50x64xf32, #tpu.memory_space<vmem>>
      %dma_start3A_1350 = arith.constant 0 : i32
      %dma_start3A_1351 = arith.constant 0 : i32
      %dma_start3A_1352 = tpu.memref_slice %arg5[%dma_start3A_1337, %dma_start3A_1350, %dma_start3A_1351] : memref<8x4x50xi32, #tpu.memory_space<vmem>> -> memref<1x4x50xi32, #tpu.memory_space<vmem>>
      %dma_start3A_1353 = tpu.memref_squeeze %dma_start3A_1352 : memref<1x4x50xi32, #tpu.memory_space<vmem>> -> memref<4x50xi32, #tpu.memory_space<vmem>>
      %dma_start3A_1354 = arith.constant 0 : i32
      %dma_start3A_1355 = tpu.memref_slice %dma_start3A_1353[%dma_start3A_1338, %dma_start3A_1354] : memref<4x50xi32, #tpu.memory_space<vmem>> -> memref<1x50xi32, #tpu.memory_space<vmem>>
      %dma_start3A_1356 = tpu.memref_squeeze %dma_start3A_1355 : memref<1x50xi32, #tpu.memory_space<vmem>> -> memref<50xi32, #tpu.memory_space<vmem>>
      %dma_start3A_1357 = arith.constant 0 : i32
      %dma_start3A_1358 = arith.constant 0 : i32
      %dma_start3A_1359 = tpu.memref_slice %arg3[%dma_start3A_1357, %dma_start3A_1358] : memref<8000x64xf32, #tpu.memory_space<hbm>> -> memref<8000x64xf32, #tpu.memory_space<hbm>>
      tpu.enqueue_indirect_dma source(%dma_start3A_1359 : memref<8000x64xf32, #tpu.memory_space<hbm>>) target(%dma_start3A_1349 : memref<50x64xf32, #tpu.memory_space<vmem>>) offsets(%dma_start3A_1356 : memref<50xi32, #tpu.memory_space<vmem>>) semaphore(%arg16 : memref<!tpu.dma_semaphore, #tpu.memory_space<semaphore_mem>>)
      %dma_start3A_1360 = arith.constant 5 : i32
      %dma_start3A_1361 = arith.constant 3 : i32
      %dma_start3A_1362 = arith.constant 1 : i32
      %dma_start3A_1363 = arith.constant 3 : i32
      %dma_start3A_1364 = arith.constant 0 : i32
      %dma_start3A_1365 = arith.constant 0 : i32
      %dma_start3A_1366 = arith.constant 0 : i32
      %dma_start3A_1367 = tpu.memref_slice %arg6[%dma_start3A_1362, %dma_start3A_1364, %dma_start3A_1365, %dma_start3A_1366] : memref<2x4x50x64xf32, #tpu.memory_space<vmem>> -> memref<1x4x50x64xf32, #tpu.memory_space<vmem>>
      %dma_start3A_1368 = tpu.memref_squeeze %dma_start3A_1367 : memref<1x4x50x64xf32, #tpu.memory_space<vmem>> -> memref<4x50x64xf32, #tpu.memory_space<vmem>>
      %dma_start3A_1369 = arith.constant 0 : i32
      %dma_start3A_1370 = arith.constant 0 : i32
      %dma_start3A_1371 = tpu.memref_slice %dma_start3A_1368[%dma_start3A_1363, %dma_start3A_1369, %dma_start3A_1370] : memref<4x50x64xf32, #tpu.memory_space<vmem>> -> memref<1x50x64xf32, #tpu.memory_space<vmem>>
      %dma_start3A_1372 = tpu.memref_squeeze %dma_start3A_1371 : memref<1x50x64xf32, #tpu.memory_space<vmem>> -> memref<50x64xf32, #tpu.memory_space<vmem>>
      %dma_start3A_1373 = arith.constant 0 : i32
      %dma_start3A_1374 = arith.constant 0 : i32
      %dma_start3A_1375 = tpu.memref_slice %arg5[%dma_start3A_1360, %dma_start3A_1373, %dma_start3A_1374] : memref<8x4x50xi32, #tpu.memory_space<vmem>> -> memref<1x4x50xi32, #tpu.memory_space<vmem>>
      %dma_start3A_1376 = tpu.memref_squeeze %dma_start3A_1375 : memref<1x4x50xi32, #tpu.memory_space<vmem>> -> memref<4x50xi32, #tpu.memory_space<vmem>>
      %dma_start3A_1377 = arith.constant 0 : i32
      %dma_start3A_1378 = tpu.memref_slice %dma_start3A_1376[%dma_start3A_1361, %dma_start3A_1377] : memref<4x50xi32, #tpu.memory_space<vmem>> -> memref<1x50xi32, #tpu.memory_space<vmem>>
      %dma_start3A_1379 = tpu.memref_squeeze %dma_start3A_1378 : memref<1x50xi32, #tpu.memory_space<vmem>> -> memref<50xi32, #tpu.memory_space<vmem>>
      %dma_start3A_1380 = arith.constant 0 : i32
      %dma_start3A_1381 = arith.constant 0 : i32
      %dma_start3A_1382 = tpu.memref_slice %arg3[%dma_start3A_1380, %dma_start3A_1381] : memref<8000x64xf32, #tpu.memory_space<hbm>> -> memref<8000x64xf32, #tpu.memory_space<hbm>>
      tpu.enqueue_indirect_dma source(%dma_start3A_1382 : memref<8000x64xf32, #tpu.memory_space<hbm>>) target(%dma_start3A_1372 : memref<50x64xf32, #tpu.memory_space<vmem>>) offsets(%dma_start3A_1379 : memref<50xi32, #tpu.memory_space<vmem>>) semaphore(%arg16 : memref<!tpu.dma_semaphore, #tpu.memory_space<semaphore_mem>>)
      %dma_wait3A_1383 = arith.constant 5 : i32
      %dma_wait3A_1384 = arith.constant 0 : i32
      %dma_wait3A_1385 = arith.constant 1 : i32
      %dma_wait3A_1386 = arith.constant 0 : i32
      %dma_wait3A_1387 = arith.constant 0 : i32
      %dma_wait3A_1388 = arith.constant 0 : i32
      %dma_wait3A_1389 = arith.constant 0 : i32
      %dma_wait3A_1390 = tpu.memref_slice %arg6[%dma_wait3A_1385, %dma_wait3A_1387, %dma_wait3A_1388, %dma_wait3A_1389] : memref<2x4x50x64xf32, #tpu.memory_space<vmem>> -> memref<1x4x50x64xf32, #tpu.memory_space<vmem>>
      %dma_wait3A_1391 = tpu.memref_squeeze %dma_wait3A_1390 : memref<1x4x50x64xf32, #tpu.memory_space<vmem>> -> memref<4x50x64xf32, #tpu.memory_space<vmem>>
      %dma_wait3A_1392 = arith.constant 0 : i32
      %dma_wait3A_1393 = arith.constant 0 : i32
      %dma_wait3A_1394 = tpu.memref_slice %dma_wait3A_1391[%dma_wait3A_1386, %dma_wait3A_1392, %dma_wait3A_1393] : memref<4x50x64xf32, #tpu.memory_space<vmem>> -> memref<1x50x64xf32, #tpu.memory_space<vmem>>
      %dma_wait3A_1395 = tpu.memref_squeeze %dma_wait3A_1394 : memref<1x50x64xf32, #tpu.memory_space<vmem>> -> memref<50x64xf32, #tpu.memory_space<vmem>>
      %dma_wait3A_1396 = arith.constant 0 : i32
      %dma_wait3A_1397 = arith.constant 0 : i32
      %dma_wait3A_1398 = tpu.memref_slice %arg5[%dma_wait3A_1383, %dma_wait3A_1396, %dma_wait3A_1397] : memref<8x4x50xi32, #tpu.memory_space<vmem>> -> memref<1x4x50xi32, #tpu.memory_space<vmem>>
      %dma_wait3A_1399 = tpu.memref_squeeze %dma_wait3A_1398 : memref<1x4x50xi32, #tpu.memory_space<vmem>> -> memref<4x50xi32, #tpu.memory_space<vmem>>
      %dma_wait3A_1400 = arith.constant 0 : i32
      %dma_wait3A_1401 = tpu.memref_slice %dma_wait3A_1399[%dma_wait3A_1384, %dma_wait3A_1400] : memref<4x50xi32, #tpu.memory_space<vmem>> -> memref<1x50xi32, #tpu.memory_space<vmem>>
      %dma_wait3A_1402 = tpu.memref_squeeze %dma_wait3A_1401 : memref<1x50xi32, #tpu.memory_space<vmem>> -> memref<50xi32, #tpu.memory_space<vmem>>
      %dma_wait3A_1403 = arith.constant 0 : i32
      %dma_wait3A_1404 = arith.constant 0 : i32
      %dma_wait3A_1405 = tpu.memref_slice %arg3[%dma_wait3A_1403, %dma_wait3A_1404] : memref<8000x64xf32, #tpu.memory_space<hbm>> -> memref<8000x64xf32, #tpu.memory_space<hbm>>
      tpu.wait_indirect_dma semaphore(%arg16 : memref<!tpu.dma_semaphore, #tpu.memory_space<semaphore_mem>>) src(%dma_wait3A_1405 : memref<8000x64xf32, #tpu.memory_space<hbm>>) dst(%dma_wait3A_1395 : memref<50x64xf32, #tpu.memory_space<vmem>>)
      %dma_wait3A_1406 = arith.constant 5 : i32
      %dma_wait3A_1407 = arith.constant 1 : i32
      %dma_wait3A_1408 = arith.constant 1 : i32
      %dma_wait3A_1409 = arith.constant 1 : i32
      %dma_wait3A_1410 = arith.constant 0 : i32
      %dma_wait3A_1411 = arith.constant 0 : i32
      %dma_wait3A_1412 = arith.constant 0 : i32
      %dma_wait3A_1413 = tpu.memref_slice %arg6[%dma_wait3A_1408, %dma_wait3A_1410, %dma_wait3A_1411, %dma_wait3A_1412] : memref<2x4x50x64xf32, #tpu.memory_space<vmem>> -> memref<1x4x50x64xf32, #tpu.memory_space<vmem>>
      %dma_wait3A_1414 = tpu.memref_squeeze %dma_wait3A_1413 : memref<1x4x50x64xf32, #tpu.memory_space<vmem>> -> memref<4x50x64xf32, #tpu.memory_space<vmem>>
      %dma_wait3A_1415 = arith.constant 0 : i32
      %dma_wait3A_1416 = arith.constant 0 : i32
      %dma_wait3A_1417 = tpu.memref_slice %dma_wait3A_1414[%dma_wait3A_1409, %dma_wait3A_1415, %dma_wait3A_1416] : memref<4x50x64xf32, #tpu.memory_space<vmem>> -> memref<1x50x64xf32, #tpu.memory_space<vmem>>
      %dma_wait3A_1418 = tpu.memref_squeeze %dma_wait3A_1417 : memref<1x50x64xf32, #tpu.memory_space<vmem>> -> memref<50x64xf32, #tpu.memory_space<vmem>>
      %dma_wait3A_1419 = arith.constant 0 : i32
      %dma_wait3A_1420 = arith.constant 0 : i32
      %dma_wait3A_1421 = tpu.memref_slice %arg5[%dma_wait3A_1406, %dma_wait3A_1419, %dma_wait3A_1420] : memref<8x4x50xi32, #tpu.memory_space<vmem>> -> memref<1x4x50xi32, #tpu.memory_space<vmem>>
      %dma_wait3A_1422 = tpu.memref_squeeze %dma_wait3A_1421 : memref<1x4x50xi32, #tpu.memory_space<vmem>> -> memref<4x50xi32, #tpu.memory_space<vmem>>
      %dma_wait3A_1423 = arith.constant 0 : i32
      %dma_wait3A_1424 = tpu.memref_slice %dma_wait3A_1422[%dma_wait3A_1407, %dma_wait3A_1423] : memref<4x50xi32, #tpu.memory_space<vmem>> -> memref<1x50xi32, #tpu.memory_space<vmem>>
      %dma_wait3A_1425 = tpu.memref_squeeze %dma_wait3A_1424 : memref<1x50xi32, #tpu.memory_space<vmem>> -> memref<50xi32, #tpu.memory_space<vmem>>
      %dma_wait3A_1426 = arith.constant 0 : i32
      %dma_wait3A_1427 = arith.constant 0 : i32
      %dma_wait3A_1428 = tpu.memref_slice %arg3[%dma_wait3A_1426, %dma_wait3A_1427] : memref<8000x64xf32, #tpu.memory_space<hbm>> -> memref<8000x64xf32, #tpu.memory_space<hbm>>
      tpu.wait_indirect_dma semaphore(%arg16 : memref<!tpu.dma_semaphore, #tpu.memory_space<semaphore_mem>>) src(%dma_wait3A_1428 : memref<8000x64xf32, #tpu.memory_space<hbm>>) dst(%dma_wait3A_1418 : memref<50x64xf32, #tpu.memory_space<vmem>>)
      %dma_wait3A_1429 = arith.constant 5 : i32
      %dma_wait3A_1430 = arith.constant 2 : i32
      %dma_wait3A_1431 = arith.constant 1 : i32
      %dma_wait3A_1432 = arith.constant 2 : i32
      %dma_wait3A_1433 = arith.constant 0 : i32
      %dma_wait3A_1434 = arith.constant 0 : i32
      %dma_wait3A_1435 = arith.constant 0 : i32
      %dma_wait3A_1436 = tpu.memref_slice %arg6[%dma_wait3A_1431, %dma_wait3A_1433, %dma_wait3A_1434, %dma_wait3A_1435] : memref<2x4x50x64xf32, #tpu.memory_space<vmem>> -> memref<1x4x50x64xf32, #tpu.memory_space<vmem>>
      %dma_wait3A_1437 = tpu.memref_squeeze %dma_wait3A_1436 : memref<1x4x50x64xf32, #tpu.memory_space<vmem>> -> memref<4x50x64xf32, #tpu.memory_space<vmem>>
      %dma_wait3A_1438 = arith.constant 0 : i32
      %dma_wait3A_1439 = arith.constant 0 : i32
      %dma_wait3A_1440 = tpu.memref_slice %dma_wait3A_1437[%dma_wait3A_1432, %dma_wait3A_1438, %dma_wait3A_1439] : memref<4x50x64xf32, #tpu.memory_space<vmem>> -> memref<1x50x64xf32, #tpu.memory_space<vmem>>
      %dma_wait3A_1441 = tpu.memref_squeeze %dma_wait3A_1440 : memref<1x50x64xf32, #tpu.memory_space<vmem>> -> memref<50x64xf32, #tpu.memory_space<vmem>>
      %dma_wait3A_1442 = arith.constant 0 : i32
      %dma_wait3A_1443 = arith.constant 0 : i32
      %dma_wait3A_1444 = tpu.memref_slice %arg5[%dma_wait3A_1429, %dma_wait3A_1442, %dma_wait3A_1443] : memref<8x4x50xi32, #tpu.memory_space<vmem>> -> memref<1x4x50xi32, #tpu.memory_space<vmem>>
      %dma_wait3A_1445 = tpu.memref_squeeze %dma_wait3A_1444 : memref<1x4x50xi32, #tpu.memory_space<vmem>> -> memref<4x50xi32, #tpu.memory_space<vmem>>
      %dma_wait3A_1446 = arith.constant 0 : i32
      %dma_wait3A_1447 = tpu.memref_slice %dma_wait3A_1445[%dma_wait3A_1430, %dma_wait3A_1446] : memref<4x50xi32, #tpu.memory_space<vmem>> -> memref<1x50xi32, #tpu.memory_space<vmem>>
      %dma_wait3A_1448 = tpu.memref_squeeze %dma_wait3A_1447 : memref<1x50xi32, #tpu.memory_space<vmem>> -> memref<50xi32, #tpu.memory_space<vmem>>
      %dma_wait3A_1449 = arith.constant 0 : i32
      %dma_wait3A_1450 = arith.constant 0 : i32
      %dma_wait3A_1451 = tpu.memref_slice %arg3[%dma_wait3A_1449, %dma_wait3A_1450] : memref<8000x64xf32, #tpu.memory_space<hbm>> -> memref<8000x64xf32, #tpu.memory_space<hbm>>
      tpu.wait_indirect_dma semaphore(%arg16 : memref<!tpu.dma_semaphore, #tpu.memory_space<semaphore_mem>>) src(%dma_wait3A_1451 : memref<8000x64xf32, #tpu.memory_space<hbm>>) dst(%dma_wait3A_1441 : memref<50x64xf32, #tpu.memory_space<vmem>>)
      %dma_wait3A_1452 = arith.constant 5 : i32
      %dma_wait3A_1453 = arith.constant 3 : i32
      %dma_wait3A_1454 = arith.constant 1 : i32
      %dma_wait3A_1455 = arith.constant 3 : i32
      %dma_wait3A_1456 = arith.constant 0 : i32
      %dma_wait3A_1457 = arith.constant 0 : i32
      %dma_wait3A_1458 = arith.constant 0 : i32
      %dma_wait3A_1459 = tpu.memref_slice %arg6[%dma_wait3A_1454, %dma_wait3A_1456, %dma_wait3A_1457, %dma_wait3A_1458] : memref<2x4x50x64xf32, #tpu.memory_space<vmem>> -> memref<1x4x50x64xf32, #tpu.memory_space<vmem>>
      %dma_wait3A_1460 = tpu.memref_squeeze %dma_wait3A_1459 : memref<1x4x50x64xf32, #tpu.memory_space<vmem>> -> memref<4x50x64xf32, #tpu.memory_space<vmem>>
      %dma_wait3A_1461 = arith.constant 0 : i32
      %dma_wait3A_1462 = arith.constant 0 : i32
      %dma_wait3A_1463 = tpu.memref_slice %dma_wait3A_1460[%dma_wait3A_1455, %dma_wait3A_1461, %dma_wait3A_1462] : memref<4x50x64xf32, #tpu.memory_space<vmem>> -> memref<1x50x64xf32, #tpu.memory_space<vmem>>
      %dma_wait3A_1464 = tpu.memref_squeeze %dma_wait3A_1463 : memref<1x50x64xf32, #tpu.memory_space<vmem>> -> memref<50x64xf32, #tpu.memory_space<vmem>>
      %dma_wait3A_1465 = arith.constant 0 : i32
      %dma_wait3A_1466 = arith.constant 0 : i32
      %dma_wait3A_1467 = tpu.memref_slice %arg5[%dma_wait3A_1452, %dma_wait3A_1465, %dma_wait3A_1466] : memref<8x4x50xi32, #tpu.memory_space<vmem>> -> memref<1x4x50xi32, #tpu.memory_space<vmem>>
      %dma_wait3A_1468 = tpu.memref_squeeze %dma_wait3A_1467 : memref<1x4x50xi32, #tpu.memory_space<vmem>> -> memref<4x50xi32, #tpu.memory_space<vmem>>
      %dma_wait3A_1469 = arith.constant 0 : i32
      %dma_wait3A_1470 = tpu.memref_slice %dma_wait3A_1468[%dma_wait3A_1453, %dma_wait3A_1469] : memref<4x50xi32, #tpu.memory_space<vmem>> -> memref<1x50xi32, #tpu.memory_space<vmem>>
      %dma_wait3A_1471 = tpu.memref_squeeze %dma_wait3A_1470 : memref<1x50xi32, #tpu.memory_space<vmem>> -> memref<50xi32, #tpu.memory_space<vmem>>
      %dma_wait3A_1472 = arith.constant 0 : i32
      %dma_wait3A_1473 = arith.constant 0 : i32
      %dma_wait3A_1474 = tpu.memref_slice %arg3[%dma_wait3A_1472, %dma_wait3A_1473] : memref<8000x64xf32, #tpu.memory_space<hbm>> -> memref<8000x64xf32, #tpu.memory_space<hbm>>
      tpu.wait_indirect_dma semaphore(%arg16 : memref<!tpu.dma_semaphore, #tpu.memory_space<semaphore_mem>>) src(%dma_wait3A_1474 : memref<8000x64xf32, #tpu.memory_space<hbm>>) dst(%dma_wait3A_1464 : memref<50x64xf32, #tpu.memory_space<vmem>>)
      %add3A_1475 = arith.constant 20 : i32
      %add3A_1476 = arith.addi %add3A_11, %add3A_1475 : i32
      %dma_start3A_1477 = arith.constant 1 : i32
      %dma_start3A_1478 = arith.constant 0 : i32
      %dma_start3A_1479 = arith.constant 0 : i32
      %dma_start3A_1480 = arith.constant 0 : i32
      %dma_start3A_1481 = tpu.memref_slice %arg6[%dma_start3A_1477, %dma_start3A_1478, %dma_start3A_1479, %dma_start3A_1480] : memref<2x4x50x64xf32, #tpu.memory_space<vmem>> -> memref<1x4x50x64xf32, #tpu.memory_space<vmem>>
      %dma_start3A_1482 = tpu.memref_squeeze %dma_start3A_1481 : memref<1x4x50x64xf32, #tpu.memory_space<vmem>> -> memref<4x50x64xf32, #tpu.memory_space<vmem>>
      %dma_start3A_1483 = arith.constant 0 : i32
      %dma_start3A_1484 = arith.constant 0 : i32
      %dma_start3A_1485 = tpu.memref_slice %arg4[%add3A_1476, %dma_start3A_1483, %dma_start3A_1484] : memref<16384x50x64xf32, #tpu.memory_space<hbm>> -> memref<4x50x64xf32, #tpu.memory_space<hbm>>
      %dma_start3A_1486 = arith.constant 0 : i32
      %dma_start3A_1487 = arith.constant 0 : i32
      %dma_start3A_1488 = tpu.memref_slice %arg4[%add3A_1476, %dma_start3A_1486, %dma_start3A_1487] : memref<16384x50x64xf32, #tpu.memory_space<hbm>> -> memref<4x50x64xf32, #tpu.memory_space<hbm>>
      %dma_start3A_1489 = arith.constant 0 : i32
      %dma_start3A_1490 = arith.constant 0 : i32
      %dma_start3A_1491 = arith.constant 0 : i32
      %dma_start3A_1492 = tpu.memref_slice %arg6[%dma_start3A_1477, %dma_start3A_1489, %dma_start3A_1490, %dma_start3A_1491] : memref<2x4x50x64xf32, #tpu.memory_space<vmem>> -> memref<1x4x50x64xf32, #tpu.memory_space<vmem>>
      %dma_start3A_1493 = tpu.memref_squeeze %dma_start3A_1492 : memref<1x4x50x64xf32, #tpu.memory_space<vmem>> -> memref<4x50x64xf32, #tpu.memory_space<vmem>>
      tpu.enqueue_dma source(%dma_start3A_1493 : memref<4x50x64xf32, #tpu.memory_space<vmem>>) target(%dma_start3A_1488 : memref<4x50x64xf32, #tpu.memory_space<hbm>>) target_semaphore(%arg18 : memref<!tpu.dma_semaphore, #tpu.memory_space<semaphore_mem>>)
      %dma_wait3A_1494 = arith.constant 6 : i32
      %dma_wait3A_1495 = arith.constant 0 : i32
      %dma_wait3A_1496 = arith.constant 0 : i32
      %dma_wait3A_1497 = tpu.memref_slice %arg5[%dma_wait3A_1494, %dma_wait3A_1495, %dma_wait3A_1496] : memref<8x4x50xi32, #tpu.memory_space<vmem>> -> memref<1x4x50xi32, #tpu.memory_space<vmem>>
      %dma_wait3A_1498 = tpu.memref_squeeze %dma_wait3A_1497 : memref<1x4x50xi32, #tpu.memory_space<vmem>> -> memref<4x50xi32, #tpu.memory_space<vmem>>
      %dma_wait3A_1499 = arith.constant 0 : i32
      %dma_wait3A_1500 = tpu.memref_slice %arg2[%add3A_102, %dma_wait3A_1499] : memref<16384x50xi32, #tpu.memory_space<hbm>> -> memref<4x50xi32, #tpu.memory_space<hbm>>
      %dma_wait3A_1501 = arith.constant 0 : i32
      %dma_wait3A_1502 = arith.constant 0 : i32
      %dma_wait3A_1503 = tpu.memref_slice %arg5[%dma_wait3A_1494, %dma_wait3A_1501, %dma_wait3A_1502] : memref<8x4x50xi32, #tpu.memory_space<vmem>> -> memref<1x4x50xi32, #tpu.memory_space<vmem>>
      %dma_wait3A_1504 = tpu.memref_squeeze %dma_wait3A_1503 : memref<1x4x50xi32, #tpu.memory_space<vmem>> -> memref<4x50xi32, #tpu.memory_space<vmem>>
      %dma_wait3A_1505 = arith.constant 0 : i32
      %dma_wait3A_1506 = tpu.memref_slice %arg2[%add3A_102, %dma_wait3A_1505] : memref<16384x50xi32, #tpu.memory_space<hbm>> -> memref<4x50xi32, #tpu.memory_space<hbm>>
      tpu.wait_dma2 semaphore(%arg13 : memref<!tpu.dma_semaphore, #tpu.memory_space<semaphore_mem>>) src(%dma_wait3A_1506 : memref<4x50xi32, #tpu.memory_space<hbm>>) dst(%dma_wait3A_1504 : memref<4x50xi32, #tpu.memory_space<vmem>>)
      %dma_wait3A_1507 = arith.constant 0 : i32
      %dma_wait3A_1508 = arith.constant 0 : i32
      %dma_wait3A_1509 = arith.constant 0 : i32
      %dma_wait3A_1510 = arith.constant 0 : i32
      %dma_wait3A_1511 = tpu.memref_slice %arg6[%dma_wait3A_1507, %dma_wait3A_1508, %dma_wait3A_1509, %dma_wait3A_1510] : memref<2x4x50x64xf32, #tpu.memory_space<vmem>> -> memref<1x4x50x64xf32, #tpu.memory_space<vmem>>
      %dma_wait3A_1512 = tpu.memref_squeeze %dma_wait3A_1511 : memref<1x4x50x64xf32, #tpu.memory_space<vmem>> -> memref<4x50x64xf32, #tpu.memory_space<vmem>>
      %dma_wait3A_1513 = arith.constant 0 : i32
      %dma_wait3A_1514 = arith.constant 0 : i32
      %dma_wait3A_1515 = tpu.memref_slice %arg4[%add3A_1243, %dma_wait3A_1513, %dma_wait3A_1514] : memref<16384x50x64xf32, #tpu.memory_space<hbm>> -> memref<4x50x64xf32, #tpu.memory_space<hbm>>
      %dma_wait3A_1516 = arith.constant 0 : i32
      %dma_wait3A_1517 = arith.constant 0 : i32
      %dma_wait3A_1518 = tpu.memref_slice %arg4[%add3A_1243, %dma_wait3A_1516, %dma_wait3A_1517] : memref<16384x50x64xf32, #tpu.memory_space<hbm>> -> memref<4x50x64xf32, #tpu.memory_space<hbm>>
      %dma_wait3A_1519 = arith.constant 0 : i32
      %dma_wait3A_1520 = arith.constant 0 : i32
      %dma_wait3A_1521 = arith.constant 0 : i32
      %dma_wait3A_1522 = tpu.memref_slice %arg6[%dma_wait3A_1507, %dma_wait3A_1519, %dma_wait3A_1520, %dma_wait3A_1521] : memref<2x4x50x64xf32, #tpu.memory_space<vmem>> -> memref<1x4x50x64xf32, #tpu.memory_space<vmem>>
      %dma_wait3A_1523 = tpu.memref_squeeze %dma_wait3A_1522 : memref<1x4x50x64xf32, #tpu.memory_space<vmem>> -> memref<4x50x64xf32, #tpu.memory_space<vmem>>
      tpu.wait_dma2 semaphore(%arg17 : memref<!tpu.dma_semaphore, #tpu.memory_space<semaphore_mem>>) src(%dma_wait3A_1523 : memref<4x50x64xf32, #tpu.memory_space<vmem>>) dst(%dma_wait3A_1518 : memref<4x50x64xf32, #tpu.memory_space<hbm>>)
      %dma_start3A_1524 = arith.constant 6 : i32
      %dma_start3A_1525 = arith.constant 0 : i32
      %dma_start3A_1526 = arith.constant 0 : i32
      %dma_start3A_1527 = arith.constant 0 : i32
      %dma_start3A_1528 = arith.constant 0 : i32
      %dma_start3A_1529 = arith.constant 0 : i32
      %dma_start3A_1530 = arith.constant 0 : i32
      %dma_start3A_1531 = tpu.memref_slice %arg6[%dma_start3A_1526, %dma_start3A_1528, %dma_start3A_1529, %dma_start3A_1530] : memref<2x4x50x64xf32, #tpu.memory_space<vmem>> -> memref<1x4x50x64xf32, #tpu.memory_space<vmem>>
      %dma_start3A_1532 = tpu.memref_squeeze %dma_start3A_1531 : memref<1x4x50x64xf32, #tpu.memory_space<vmem>> -> memref<4x50x64xf32, #tpu.memory_space<vmem>>
      %dma_start3A_1533 = arith.constant 0 : i32
      %dma_start3A_1534 = arith.constant 0 : i32
      %dma_start3A_1535 = tpu.memref_slice %dma_start3A_1532[%dma_start3A_1527, %dma_start3A_1533, %dma_start3A_1534] : memref<4x50x64xf32, #tpu.memory_space<vmem>> -> memref<1x50x64xf32, #tpu.memory_space<vmem>>
      %dma_start3A_1536 = tpu.memref_squeeze %dma_start3A_1535 : memref<1x50x64xf32, #tpu.memory_space<vmem>> -> memref<50x64xf32, #tpu.memory_space<vmem>>
      %dma_start3A_1537 = arith.constant 0 : i32
      %dma_start3A_1538 = arith.constant 0 : i32
      %dma_start3A_1539 = tpu.memref_slice %arg5[%dma_start3A_1524, %dma_start3A_1537, %dma_start3A_1538] : memref<8x4x50xi32, #tpu.memory_space<vmem>> -> memref<1x4x50xi32, #tpu.memory_space<vmem>>
      %dma_start3A_1540 = tpu.memref_squeeze %dma_start3A_1539 : memref<1x4x50xi32, #tpu.memory_space<vmem>> -> memref<4x50xi32, #tpu.memory_space<vmem>>
      %dma_start3A_1541 = arith.constant 0 : i32
      %dma_start3A_1542 = tpu.memref_slice %dma_start3A_1540[%dma_start3A_1525, %dma_start3A_1541] : memref<4x50xi32, #tpu.memory_space<vmem>> -> memref<1x50xi32, #tpu.memory_space<vmem>>
      %dma_start3A_1543 = tpu.memref_squeeze %dma_start3A_1542 : memref<1x50xi32, #tpu.memory_space<vmem>> -> memref<50xi32, #tpu.memory_space<vmem>>
      %dma_start3A_1544 = arith.constant 0 : i32
      %dma_start3A_1545 = arith.constant 0 : i32
      %dma_start3A_1546 = tpu.memref_slice %arg3[%dma_start3A_1544, %dma_start3A_1545] : memref<8000x64xf32, #tpu.memory_space<hbm>> -> memref<8000x64xf32, #tpu.memory_space<hbm>>
      tpu.enqueue_indirect_dma source(%dma_start3A_1546 : memref<8000x64xf32, #tpu.memory_space<hbm>>) target(%dma_start3A_1536 : memref<50x64xf32, #tpu.memory_space<vmem>>) offsets(%dma_start3A_1543 : memref<50xi32, #tpu.memory_space<vmem>>) semaphore(%arg15 : memref<!tpu.dma_semaphore, #tpu.memory_space<semaphore_mem>>)
      %dma_start3A_1547 = arith.constant 6 : i32
      %dma_start3A_1548 = arith.constant 1 : i32
      %dma_start3A_1549 = arith.constant 0 : i32
      %dma_start3A_1550 = arith.constant 1 : i32
      %dma_start3A_1551 = arith.constant 0 : i32
      %dma_start3A_1552 = arith.constant 0 : i32
      %dma_start3A_1553 = arith.constant 0 : i32
      %dma_start3A_1554 = tpu.memref_slice %arg6[%dma_start3A_1549, %dma_start3A_1551, %dma_start3A_1552, %dma_start3A_1553] : memref<2x4x50x64xf32, #tpu.memory_space<vmem>> -> memref<1x4x50x64xf32, #tpu.memory_space<vmem>>
      %dma_start3A_1555 = tpu.memref_squeeze %dma_start3A_1554 : memref<1x4x50x64xf32, #tpu.memory_space<vmem>> -> memref<4x50x64xf32, #tpu.memory_space<vmem>>
      %dma_start3A_1556 = arith.constant 0 : i32
      %dma_start3A_1557 = arith.constant 0 : i32
      %dma_start3A_1558 = tpu.memref_slice %dma_start3A_1555[%dma_start3A_1550, %dma_start3A_1556, %dma_start3A_1557] : memref<4x50x64xf32, #tpu.memory_space<vmem>> -> memref<1x50x64xf32, #tpu.memory_space<vmem>>
      %dma_start3A_1559 = tpu.memref_squeeze %dma_start3A_1558 : memref<1x50x64xf32, #tpu.memory_space<vmem>> -> memref<50x64xf32, #tpu.memory_space<vmem>>
      %dma_start3A_1560 = arith.constant 0 : i32
      %dma_start3A_1561 = arith.constant 0 : i32
      %dma_start3A_1562 = tpu.memref_slice %arg5[%dma_start3A_1547, %dma_start3A_1560, %dma_start3A_1561] : memref<8x4x50xi32, #tpu.memory_space<vmem>> -> memref<1x4x50xi32, #tpu.memory_space<vmem>>
      %dma_start3A_1563 = tpu.memref_squeeze %dma_start3A_1562 : memref<1x4x50xi32, #tpu.memory_space<vmem>> -> memref<4x50xi32, #tpu.memory_space<vmem>>
      %dma_start3A_1564 = arith.constant 0 : i32
      %dma_start3A_1565 = tpu.memref_slice %dma_start3A_1563[%dma_start3A_1548, %dma_start3A_1564] : memref<4x50xi32, #tpu.memory_space<vmem>> -> memref<1x50xi32, #tpu.memory_space<vmem>>
      %dma_start3A_1566 = tpu.memref_squeeze %dma_start3A_1565 : memref<1x50xi32, #tpu.memory_space<vmem>> -> memref<50xi32, #tpu.memory_space<vmem>>
      %dma_start3A_1567 = arith.constant 0 : i32
      %dma_start3A_1568 = arith.constant 0 : i32
      %dma_start3A_1569 = tpu.memref_slice %arg3[%dma_start3A_1567, %dma_start3A_1568] : memref<8000x64xf32, #tpu.memory_space<hbm>> -> memref<8000x64xf32, #tpu.memory_space<hbm>>
      tpu.enqueue_indirect_dma source(%dma_start3A_1569 : memref<8000x64xf32, #tpu.memory_space<hbm>>) target(%dma_start3A_1559 : memref<50x64xf32, #tpu.memory_space<vmem>>) offsets(%dma_start3A_1566 : memref<50xi32, #tpu.memory_space<vmem>>) semaphore(%arg15 : memref<!tpu.dma_semaphore, #tpu.memory_space<semaphore_mem>>)
      %dma_start3A_1570 = arith.constant 6 : i32
      %dma_start3A_1571 = arith.constant 2 : i32
      %dma_start3A_1572 = arith.constant 0 : i32
      %dma_start3A_1573 = arith.constant 2 : i32
      %dma_start3A_1574 = arith.constant 0 : i32
      %dma_start3A_1575 = arith.constant 0 : i32
      %dma_start3A_1576 = arith.constant 0 : i32
      %dma_start3A_1577 = tpu.memref_slice %arg6[%dma_start3A_1572, %dma_start3A_1574, %dma_start3A_1575, %dma_start3A_1576] : memref<2x4x50x64xf32, #tpu.memory_space<vmem>> -> memref<1x4x50x64xf32, #tpu.memory_space<vmem>>
      %dma_start3A_1578 = tpu.memref_squeeze %dma_start3A_1577 : memref<1x4x50x64xf32, #tpu.memory_space<vmem>> -> memref<4x50x64xf32, #tpu.memory_space<vmem>>
      %dma_start3A_1579 = arith.constant 0 : i32
      %dma_start3A_1580 = arith.constant 0 : i32
      %dma_start3A_1581 = tpu.memref_slice %dma_start3A_1578[%dma_start3A_1573, %dma_start3A_1579, %dma_start3A_1580] : memref<4x50x64xf32, #tpu.memory_space<vmem>> -> memref<1x50x64xf32, #tpu.memory_space<vmem>>
      %dma_start3A_1582 = tpu.memref_squeeze %dma_start3A_1581 : memref<1x50x64xf32, #tpu.memory_space<vmem>> -> memref<50x64xf32, #tpu.memory_space<vmem>>
      %dma_start3A_1583 = arith.constant 0 : i32
      %dma_start3A_1584 = arith.constant 0 : i32
      %dma_start3A_1585 = tpu.memref_slice %arg5[%dma_start3A_1570, %dma_start3A_1583, %dma_start3A_1584] : memref<8x4x50xi32, #tpu.memory_space<vmem>> -> memref<1x4x50xi32, #tpu.memory_space<vmem>>
      %dma_start3A_1586 = tpu.memref_squeeze %dma_start3A_1585 : memref<1x4x50xi32, #tpu.memory_space<vmem>> -> memref<4x50xi32, #tpu.memory_space<vmem>>
      %dma_start3A_1587 = arith.constant 0 : i32
      %dma_start3A_1588 = tpu.memref_slice %dma_start3A_1586[%dma_start3A_1571, %dma_start3A_1587] : memref<4x50xi32, #tpu.memory_space<vmem>> -> memref<1x50xi32, #tpu.memory_space<vmem>>
      %dma_start3A_1589 = tpu.memref_squeeze %dma_start3A_1588 : memref<1x50xi32, #tpu.memory_space<vmem>> -> memref<50xi32, #tpu.memory_space<vmem>>
      %dma_start3A_1590 = arith.constant 0 : i32
      %dma_start3A_1591 = arith.constant 0 : i32
      %dma_start3A_1592 = tpu.memref_slice %arg3[%dma_start3A_1590, %dma_start3A_1591] : memref<8000x64xf32, #tpu.memory_space<hbm>> -> memref<8000x64xf32, #tpu.memory_space<hbm>>
      tpu.enqueue_indirect_dma source(%dma_start3A_1592 : memref<8000x64xf32, #tpu.memory_space<hbm>>) target(%dma_start3A_1582 : memref<50x64xf32, #tpu.memory_space<vmem>>) offsets(%dma_start3A_1589 : memref<50xi32, #tpu.memory_space<vmem>>) semaphore(%arg15 : memref<!tpu.dma_semaphore, #tpu.memory_space<semaphore_mem>>)
      %dma_start3A_1593 = arith.constant 6 : i32
      %dma_start3A_1594 = arith.constant 3 : i32
      %dma_start3A_1595 = arith.constant 0 : i32
      %dma_start3A_1596 = arith.constant 3 : i32
      %dma_start3A_1597 = arith.constant 0 : i32
      %dma_start3A_1598 = arith.constant 0 : i32
      %dma_start3A_1599 = arith.constant 0 : i32
      %dma_start3A_1600 = tpu.memref_slice %arg6[%dma_start3A_1595, %dma_start3A_1597, %dma_start3A_1598, %dma_start3A_1599] : memref<2x4x50x64xf32, #tpu.memory_space<vmem>> -> memref<1x4x50x64xf32, #tpu.memory_space<vmem>>
      %dma_start3A_1601 = tpu.memref_squeeze %dma_start3A_1600 : memref<1x4x50x64xf32, #tpu.memory_space<vmem>> -> memref<4x50x64xf32, #tpu.memory_space<vmem>>
      %dma_start3A_1602 = arith.constant 0 : i32
      %dma_start3A_1603 = arith.constant 0 : i32
      %dma_start3A_1604 = tpu.memref_slice %dma_start3A_1601[%dma_start3A_1596, %dma_start3A_1602, %dma_start3A_1603] : memref<4x50x64xf32, #tpu.memory_space<vmem>> -> memref<1x50x64xf32, #tpu.memory_space<vmem>>
      %dma_start3A_1605 = tpu.memref_squeeze %dma_start3A_1604 : memref<1x50x64xf32, #tpu.memory_space<vmem>> -> memref<50x64xf32, #tpu.memory_space<vmem>>
      %dma_start3A_1606 = arith.constant 0 : i32
      %dma_start3A_1607 = arith.constant 0 : i32
      %dma_start3A_1608 = tpu.memref_slice %arg5[%dma_start3A_1593, %dma_start3A_1606, %dma_start3A_1607] : memref<8x4x50xi32, #tpu.memory_space<vmem>> -> memref<1x4x50xi32, #tpu.memory_space<vmem>>
      %dma_start3A_1609 = tpu.memref_squeeze %dma_start3A_1608 : memref<1x4x50xi32, #tpu.memory_space<vmem>> -> memref<4x50xi32, #tpu.memory_space<vmem>>
      %dma_start3A_1610 = arith.constant 0 : i32
      %dma_start3A_1611 = tpu.memref_slice %dma_start3A_1609[%dma_start3A_1594, %dma_start3A_1610] : memref<4x50xi32, #tpu.memory_space<vmem>> -> memref<1x50xi32, #tpu.memory_space<vmem>>
      %dma_start3A_1612 = tpu.memref_squeeze %dma_start3A_1611 : memref<1x50xi32, #tpu.memory_space<vmem>> -> memref<50xi32, #tpu.memory_space<vmem>>
      %dma_start3A_1613 = arith.constant 0 : i32
      %dma_start3A_1614 = arith.constant 0 : i32
      %dma_start3A_1615 = tpu.memref_slice %arg3[%dma_start3A_1613, %dma_start3A_1614] : memref<8000x64xf32, #tpu.memory_space<hbm>> -> memref<8000x64xf32, #tpu.memory_space<hbm>>
      tpu.enqueue_indirect_dma source(%dma_start3A_1615 : memref<8000x64xf32, #tpu.memory_space<hbm>>) target(%dma_start3A_1605 : memref<50x64xf32, #tpu.memory_space<vmem>>) offsets(%dma_start3A_1612 : memref<50xi32, #tpu.memory_space<vmem>>) semaphore(%arg15 : memref<!tpu.dma_semaphore, #tpu.memory_space<semaphore_mem>>)
      %dma_wait3A_1616 = arith.constant 6 : i32
      %dma_wait3A_1617 = arith.constant 0 : i32
      %dma_wait3A_1618 = arith.constant 0 : i32
      %dma_wait3A_1619 = arith.constant 0 : i32
      %dma_wait3A_1620 = arith.constant 0 : i32
      %dma_wait3A_1621 = arith.constant 0 : i32
      %dma_wait3A_1622 = arith.constant 0 : i32
      %dma_wait3A_1623 = tpu.memref_slice %arg6[%dma_wait3A_1618, %dma_wait3A_1620, %dma_wait3A_1621, %dma_wait3A_1622] : memref<2x4x50x64xf32, #tpu.memory_space<vmem>> -> memref<1x4x50x64xf32, #tpu.memory_space<vmem>>
      %dma_wait3A_1624 = tpu.memref_squeeze %dma_wait3A_1623 : memref<1x4x50x64xf32, #tpu.memory_space<vmem>> -> memref<4x50x64xf32, #tpu.memory_space<vmem>>
      %dma_wait3A_1625 = arith.constant 0 : i32
      %dma_wait3A_1626 = arith.constant 0 : i32
      %dma_wait3A_1627 = tpu.memref_slice %dma_wait3A_1624[%dma_wait3A_1619, %dma_wait3A_1625, %dma_wait3A_1626] : memref<4x50x64xf32, #tpu.memory_space<vmem>> -> memref<1x50x64xf32, #tpu.memory_space<vmem>>
      %dma_wait3A_1628 = tpu.memref_squeeze %dma_wait3A_1627 : memref<1x50x64xf32, #tpu.memory_space<vmem>> -> memref<50x64xf32, #tpu.memory_space<vmem>>
      %dma_wait3A_1629 = arith.constant 0 : i32
      %dma_wait3A_1630 = arith.constant 0 : i32
      %dma_wait3A_1631 = tpu.memref_slice %arg5[%dma_wait3A_1616, %dma_wait3A_1629, %dma_wait3A_1630] : memref<8x4x50xi32, #tpu.memory_space<vmem>> -> memref<1x4x50xi32, #tpu.memory_space<vmem>>
      %dma_wait3A_1632 = tpu.memref_squeeze %dma_wait3A_1631 : memref<1x4x50xi32, #tpu.memory_space<vmem>> -> memref<4x50xi32, #tpu.memory_space<vmem>>
      %dma_wait3A_1633 = arith.constant 0 : i32
      %dma_wait3A_1634 = tpu.memref_slice %dma_wait3A_1632[%dma_wait3A_1617, %dma_wait3A_1633] : memref<4x50xi32, #tpu.memory_space<vmem>> -> memref<1x50xi32, #tpu.memory_space<vmem>>
      %dma_wait3A_1635 = tpu.memref_squeeze %dma_wait3A_1634 : memref<1x50xi32, #tpu.memory_space<vmem>> -> memref<50xi32, #tpu.memory_space<vmem>>
      %dma_wait3A_1636 = arith.constant 0 : i32
      %dma_wait3A_1637 = arith.constant 0 : i32
      %dma_wait3A_1638 = tpu.memref_slice %arg3[%dma_wait3A_1636, %dma_wait3A_1637] : memref<8000x64xf32, #tpu.memory_space<hbm>> -> memref<8000x64xf32, #tpu.memory_space<hbm>>
      tpu.wait_indirect_dma semaphore(%arg15 : memref<!tpu.dma_semaphore, #tpu.memory_space<semaphore_mem>>) src(%dma_wait3A_1638 : memref<8000x64xf32, #tpu.memory_space<hbm>>) dst(%dma_wait3A_1628 : memref<50x64xf32, #tpu.memory_space<vmem>>)
      %dma_wait3A_1639 = arith.constant 6 : i32
      %dma_wait3A_1640 = arith.constant 1 : i32
      %dma_wait3A_1641 = arith.constant 0 : i32
      %dma_wait3A_1642 = arith.constant 1 : i32
      %dma_wait3A_1643 = arith.constant 0 : i32
      %dma_wait3A_1644 = arith.constant 0 : i32
      %dma_wait3A_1645 = arith.constant 0 : i32
      %dma_wait3A_1646 = tpu.memref_slice %arg6[%dma_wait3A_1641, %dma_wait3A_1643, %dma_wait3A_1644, %dma_wait3A_1645] : memref<2x4x50x64xf32, #tpu.memory_space<vmem>> -> memref<1x4x50x64xf32, #tpu.memory_space<vmem>>
      %dma_wait3A_1647 = tpu.memref_squeeze %dma_wait3A_1646 : memref<1x4x50x64xf32, #tpu.memory_space<vmem>> -> memref<4x50x64xf32, #tpu.memory_space<vmem>>
      %dma_wait3A_1648 = arith.constant 0 : i32
      %dma_wait3A_1649 = arith.constant 0 : i32
      %dma_wait3A_1650 = tpu.memref_slice %dma_wait3A_1647[%dma_wait3A_1642, %dma_wait3A_1648, %dma_wait3A_1649] : memref<4x50x64xf32, #tpu.memory_space<vmem>> -> memref<1x50x64xf32, #tpu.memory_space<vmem>>
      %dma_wait3A_1651 = tpu.memref_squeeze %dma_wait3A_1650 : memref<1x50x64xf32, #tpu.memory_space<vmem>> -> memref<50x64xf32, #tpu.memory_space<vmem>>
      %dma_wait3A_1652 = arith.constant 0 : i32
      %dma_wait3A_1653 = arith.constant 0 : i32
      %dma_wait3A_1654 = tpu.memref_slice %arg5[%dma_wait3A_1639, %dma_wait3A_1652, %dma_wait3A_1653] : memref<8x4x50xi32, #tpu.memory_space<vmem>> -> memref<1x4x50xi32, #tpu.memory_space<vmem>>
      %dma_wait3A_1655 = tpu.memref_squeeze %dma_wait3A_1654 : memref<1x4x50xi32, #tpu.memory_space<vmem>> -> memref<4x50xi32, #tpu.memory_space<vmem>>
      %dma_wait3A_1656 = arith.constant 0 : i32
      %dma_wait3A_1657 = tpu.memref_slice %dma_wait3A_1655[%dma_wait3A_1640, %dma_wait3A_1656] : memref<4x50xi32, #tpu.memory_space<vmem>> -> memref<1x50xi32, #tpu.memory_space<vmem>>
      %dma_wait3A_1658 = tpu.memref_squeeze %dma_wait3A_1657 : memref<1x50xi32, #tpu.memory_space<vmem>> -> memref<50xi32, #tpu.memory_space<vmem>>
      %dma_wait3A_1659 = arith.constant 0 : i32
      %dma_wait3A_1660 = arith.constant 0 : i32
      %dma_wait3A_1661 = tpu.memref_slice %arg3[%dma_wait3A_1659, %dma_wait3A_1660] : memref<8000x64xf32, #tpu.memory_space<hbm>> -> memref<8000x64xf32, #tpu.memory_space<hbm>>
      tpu.wait_indirect_dma semaphore(%arg15 : memref<!tpu.dma_semaphore, #tpu.memory_space<semaphore_mem>>) src(%dma_wait3A_1661 : memref<8000x64xf32, #tpu.memory_space<hbm>>) dst(%dma_wait3A_1651 : memref<50x64xf32, #tpu.memory_space<vmem>>)
      %dma_wait3A_1662 = arith.constant 6 : i32
      %dma_wait3A_1663 = arith.constant 2 : i32
      %dma_wait3A_1664 = arith.constant 0 : i32
      %dma_wait3A_1665 = arith.constant 2 : i32
      %dma_wait3A_1666 = arith.constant 0 : i32
      %dma_wait3A_1667 = arith.constant 0 : i32
      %dma_wait3A_1668 = arith.constant 0 : i32
      %dma_wait3A_1669 = tpu.memref_slice %arg6[%dma_wait3A_1664, %dma_wait3A_1666, %dma_wait3A_1667, %dma_wait3A_1668] : memref<2x4x50x64xf32, #tpu.memory_space<vmem>> -> memref<1x4x50x64xf32, #tpu.memory_space<vmem>>
      %dma_wait3A_1670 = tpu.memref_squeeze %dma_wait3A_1669 : memref<1x4x50x64xf32, #tpu.memory_space<vmem>> -> memref<4x50x64xf32, #tpu.memory_space<vmem>>
      %dma_wait3A_1671 = arith.constant 0 : i32
      %dma_wait3A_1672 = arith.constant 0 : i32
      %dma_wait3A_1673 = tpu.memref_slice %dma_wait3A_1670[%dma_wait3A_1665, %dma_wait3A_1671, %dma_wait3A_1672] : memref<4x50x64xf32, #tpu.memory_space<vmem>> -> memref<1x50x64xf32, #tpu.memory_space<vmem>>
      %dma_wait3A_1674 = tpu.memref_squeeze %dma_wait3A_1673 : memref<1x50x64xf32, #tpu.memory_space<vmem>> -> memref<50x64xf32, #tpu.memory_space<vmem>>
      %dma_wait3A_1675 = arith.constant 0 : i32
      %dma_wait3A_1676 = arith.constant 0 : i32
      %dma_wait3A_1677 = tpu.memref_slice %arg5[%dma_wait3A_1662, %dma_wait3A_1675, %dma_wait3A_1676] : memref<8x4x50xi32, #tpu.memory_space<vmem>> -> memref<1x4x50xi32, #tpu.memory_space<vmem>>
      %dma_wait3A_1678 = tpu.memref_squeeze %dma_wait3A_1677 : memref<1x4x50xi32, #tpu.memory_space<vmem>> -> memref<4x50xi32, #tpu.memory_space<vmem>>
      %dma_wait3A_1679 = arith.constant 0 : i32
      %dma_wait3A_1680 = tpu.memref_slice %dma_wait3A_1678[%dma_wait3A_1663, %dma_wait3A_1679] : memref<4x50xi32, #tpu.memory_space<vmem>> -> memref<1x50xi32, #tpu.memory_space<vmem>>
      %dma_wait3A_1681 = tpu.memref_squeeze %dma_wait3A_1680 : memref<1x50xi32, #tpu.memory_space<vmem>> -> memref<50xi32, #tpu.memory_space<vmem>>
      %dma_wait3A_1682 = arith.constant 0 : i32
      %dma_wait3A_1683 = arith.constant 0 : i32
      %dma_wait3A_1684 = tpu.memref_slice %arg3[%dma_wait3A_1682, %dma_wait3A_1683] : memref<8000x64xf32, #tpu.memory_space<hbm>> -> memref<8000x64xf32, #tpu.memory_space<hbm>>
      tpu.wait_indirect_dma semaphore(%arg15 : memref<!tpu.dma_semaphore, #tpu.memory_space<semaphore_mem>>) src(%dma_wait3A_1684 : memref<8000x64xf32, #tpu.memory_space<hbm>>) dst(%dma_wait3A_1674 : memref<50x64xf32, #tpu.memory_space<vmem>>)
      %dma_wait3A_1685 = arith.constant 6 : i32
      %dma_wait3A_1686 = arith.constant 3 : i32
      %dma_wait3A_1687 = arith.constant 0 : i32
      %dma_wait3A_1688 = arith.constant 3 : i32
      %dma_wait3A_1689 = arith.constant 0 : i32
      %dma_wait3A_1690 = arith.constant 0 : i32
      %dma_wait3A_1691 = arith.constant 0 : i32
      %dma_wait3A_1692 = tpu.memref_slice %arg6[%dma_wait3A_1687, %dma_wait3A_1689, %dma_wait3A_1690, %dma_wait3A_1691] : memref<2x4x50x64xf32, #tpu.memory_space<vmem>> -> memref<1x4x50x64xf32, #tpu.memory_space<vmem>>
      %dma_wait3A_1693 = tpu.memref_squeeze %dma_wait3A_1692 : memref<1x4x50x64xf32, #tpu.memory_space<vmem>> -> memref<4x50x64xf32, #tpu.memory_space<vmem>>
      %dma_wait3A_1694 = arith.constant 0 : i32
      %dma_wait3A_1695 = arith.constant 0 : i32
      %dma_wait3A_1696 = tpu.memref_slice %dma_wait3A_1693[%dma_wait3A_1688, %dma_wait3A_1694, %dma_wait3A_1695] : memref<4x50x64xf32, #tpu.memory_space<vmem>> -> memref<1x50x64xf32, #tpu.memory_space<vmem>>
      %dma_wait3A_1697 = tpu.memref_squeeze %dma_wait3A_1696 : memref<1x50x64xf32, #tpu.memory_space<vmem>> -> memref<50x64xf32, #tpu.memory_space<vmem>>
      %dma_wait3A_1698 = arith.constant 0 : i32
      %dma_wait3A_1699 = arith.constant 0 : i32
      %dma_wait3A_1700 = tpu.memref_slice %arg5[%dma_wait3A_1685, %dma_wait3A_1698, %dma_wait3A_1699] : memref<8x4x50xi32, #tpu.memory_space<vmem>> -> memref<1x4x50xi32, #tpu.memory_space<vmem>>
      %dma_wait3A_1701 = tpu.memref_squeeze %dma_wait3A_1700 : memref<1x4x50xi32, #tpu.memory_space<vmem>> -> memref<4x50xi32, #tpu.memory_space<vmem>>
      %dma_wait3A_1702 = arith.constant 0 : i32
      %dma_wait3A_1703 = tpu.memref_slice %dma_wait3A_1701[%dma_wait3A_1686, %dma_wait3A_1702] : memref<4x50xi32, #tpu.memory_space<vmem>> -> memref<1x50xi32, #tpu.memory_space<vmem>>
      %dma_wait3A_1704 = tpu.memref_squeeze %dma_wait3A_1703 : memref<1x50xi32, #tpu.memory_space<vmem>> -> memref<50xi32, #tpu.memory_space<vmem>>
      %dma_wait3A_1705 = arith.constant 0 : i32
      %dma_wait3A_1706 = arith.constant 0 : i32
      %dma_wait3A_1707 = tpu.memref_slice %arg3[%dma_wait3A_1705, %dma_wait3A_1706] : memref<8000x64xf32, #tpu.memory_space<hbm>> -> memref<8000x64xf32, #tpu.memory_space<hbm>>
      tpu.wait_indirect_dma semaphore(%arg15 : memref<!tpu.dma_semaphore, #tpu.memory_space<semaphore_mem>>) src(%dma_wait3A_1707 : memref<8000x64xf32, #tpu.memory_space<hbm>>) dst(%dma_wait3A_1697 : memref<50x64xf32, #tpu.memory_space<vmem>>)
      %add3A_1708 = arith.constant 24 : i32
      %add3A_1709 = arith.addi %add3A_11, %add3A_1708 : i32
      %dma_start3A_1710 = arith.constant 0 : i32
      %dma_start3A_1711 = arith.constant 0 : i32
      %dma_start3A_1712 = arith.constant 0 : i32
      %dma_start3A_1713 = arith.constant 0 : i32
      %dma_start3A_1714 = tpu.memref_slice %arg6[%dma_start3A_1710, %dma_start3A_1711, %dma_start3A_1712, %dma_start3A_1713] : memref<2x4x50x64xf32, #tpu.memory_space<vmem>> -> memref<1x4x50x64xf32, #tpu.memory_space<vmem>>
      %dma_start3A_1715 = tpu.memref_squeeze %dma_start3A_1714 : memref<1x4x50x64xf32, #tpu.memory_space<vmem>> -> memref<4x50x64xf32, #tpu.memory_space<vmem>>
      %dma_start3A_1716 = arith.constant 0 : i32
      %dma_start3A_1717 = arith.constant 0 : i32
      %dma_start3A_1718 = tpu.memref_slice %arg4[%add3A_1709, %dma_start3A_1716, %dma_start3A_1717] : memref<16384x50x64xf32, #tpu.memory_space<hbm>> -> memref<4x50x64xf32, #tpu.memory_space<hbm>>
      %dma_start3A_1719 = arith.constant 0 : i32
      %dma_start3A_1720 = arith.constant 0 : i32
      %dma_start3A_1721 = tpu.memref_slice %arg4[%add3A_1709, %dma_start3A_1719, %dma_start3A_1720] : memref<16384x50x64xf32, #tpu.memory_space<hbm>> -> memref<4x50x64xf32, #tpu.memory_space<hbm>>
      %dma_start3A_1722 = arith.constant 0 : i32
      %dma_start3A_1723 = arith.constant 0 : i32
      %dma_start3A_1724 = arith.constant 0 : i32
      %dma_start3A_1725 = tpu.memref_slice %arg6[%dma_start3A_1710, %dma_start3A_1722, %dma_start3A_1723, %dma_start3A_1724] : memref<2x4x50x64xf32, #tpu.memory_space<vmem>> -> memref<1x4x50x64xf32, #tpu.memory_space<vmem>>
      %dma_start3A_1726 = tpu.memref_squeeze %dma_start3A_1725 : memref<1x4x50x64xf32, #tpu.memory_space<vmem>> -> memref<4x50x64xf32, #tpu.memory_space<vmem>>
      tpu.enqueue_dma source(%dma_start3A_1726 : memref<4x50x64xf32, #tpu.memory_space<vmem>>) target(%dma_start3A_1721 : memref<4x50x64xf32, #tpu.memory_space<hbm>>) target_semaphore(%arg17 : memref<!tpu.dma_semaphore, #tpu.memory_space<semaphore_mem>>)
      %dma_wait3A_1727 = arith.constant 7 : i32
      %dma_wait3A_1728 = arith.constant 0 : i32
      %dma_wait3A_1729 = arith.constant 0 : i32
      %dma_wait3A_1730 = tpu.memref_slice %arg5[%dma_wait3A_1727, %dma_wait3A_1728, %dma_wait3A_1729] : memref<8x4x50xi32, #tpu.memory_space<vmem>> -> memref<1x4x50xi32, #tpu.memory_space<vmem>>
      %dma_wait3A_1731 = tpu.memref_squeeze %dma_wait3A_1730 : memref<1x4x50xi32, #tpu.memory_space<vmem>> -> memref<4x50xi32, #tpu.memory_space<vmem>>
      %dma_wait3A_1732 = arith.constant 0 : i32
      %dma_wait3A_1733 = tpu.memref_slice %arg2[%add3A_117, %dma_wait3A_1732] : memref<16384x50xi32, #tpu.memory_space<hbm>> -> memref<4x50xi32, #tpu.memory_space<hbm>>
      %dma_wait3A_1734 = arith.constant 0 : i32
      %dma_wait3A_1735 = arith.constant 0 : i32
      %dma_wait3A_1736 = tpu.memref_slice %arg5[%dma_wait3A_1727, %dma_wait3A_1734, %dma_wait3A_1735] : memref<8x4x50xi32, #tpu.memory_space<vmem>> -> memref<1x4x50xi32, #tpu.memory_space<vmem>>
      %dma_wait3A_1737 = tpu.memref_squeeze %dma_wait3A_1736 : memref<1x4x50xi32, #tpu.memory_space<vmem>> -> memref<4x50xi32, #tpu.memory_space<vmem>>
      %dma_wait3A_1738 = arith.constant 0 : i32
      %dma_wait3A_1739 = tpu.memref_slice %arg2[%add3A_117, %dma_wait3A_1738] : memref<16384x50xi32, #tpu.memory_space<hbm>> -> memref<4x50xi32, #tpu.memory_space<hbm>>
      tpu.wait_dma2 semaphore(%arg14 : memref<!tpu.dma_semaphore, #tpu.memory_space<semaphore_mem>>) src(%dma_wait3A_1739 : memref<4x50xi32, #tpu.memory_space<hbm>>) dst(%dma_wait3A_1737 : memref<4x50xi32, #tpu.memory_space<vmem>>)
      %dma_wait3A_1740 = arith.constant 1 : i32
      %dma_wait3A_1741 = arith.constant 0 : i32
      %dma_wait3A_1742 = arith.constant 0 : i32
      %dma_wait3A_1743 = arith.constant 0 : i32
      %dma_wait3A_1744 = tpu.memref_slice %arg6[%dma_wait3A_1740, %dma_wait3A_1741, %dma_wait3A_1742, %dma_wait3A_1743] : memref<2x4x50x64xf32, #tpu.memory_space<vmem>> -> memref<1x4x50x64xf32, #tpu.memory_space<vmem>>
      %dma_wait3A_1745 = tpu.memref_squeeze %dma_wait3A_1744 : memref<1x4x50x64xf32, #tpu.memory_space<vmem>> -> memref<4x50x64xf32, #tpu.memory_space<vmem>>
      %dma_wait3A_1746 = arith.constant 0 : i32
      %dma_wait3A_1747 = arith.constant 0 : i32
      %dma_wait3A_1748 = tpu.memref_slice %arg4[%add3A_1476, %dma_wait3A_1746, %dma_wait3A_1747] : memref<16384x50x64xf32, #tpu.memory_space<hbm>> -> memref<4x50x64xf32, #tpu.memory_space<hbm>>
      %dma_wait3A_1749 = arith.constant 0 : i32
      %dma_wait3A_1750 = arith.constant 0 : i32
      %dma_wait3A_1751 = tpu.memref_slice %arg4[%add3A_1476, %dma_wait3A_1749, %dma_wait3A_1750] : memref<16384x50x64xf32, #tpu.memory_space<hbm>> -> memref<4x50x64xf32, #tpu.memory_space<hbm>>
      %dma_wait3A_1752 = arith.constant 0 : i32
      %dma_wait3A_1753 = arith.constant 0 : i32
      %dma_wait3A_1754 = arith.constant 0 : i32
      %dma_wait3A_1755 = tpu.memref_slice %arg6[%dma_wait3A_1740, %dma_wait3A_1752, %dma_wait3A_1753, %dma_wait3A_1754] : memref<2x4x50x64xf32, #tpu.memory_space<vmem>> -> memref<1x4x50x64xf32, #tpu.memory_space<vmem>>
      %dma_wait3A_1756 = tpu.memref_squeeze %dma_wait3A_1755 : memref<1x4x50x64xf32, #tpu.memory_space<vmem>> -> memref<4x50x64xf32, #tpu.memory_space<vmem>>
      tpu.wait_dma2 semaphore(%arg18 : memref<!tpu.dma_semaphore, #tpu.memory_space<semaphore_mem>>) src(%dma_wait3A_1756 : memref<4x50x64xf32, #tpu.memory_space<vmem>>) dst(%dma_wait3A_1751 : memref<4x50x64xf32, #tpu.memory_space<hbm>>)
      %dma_start3A_1757 = arith.constant 7 : i32
      %dma_start3A_1758 = arith.constant 0 : i32
      %dma_start3A_1759 = arith.constant 1 : i32
      %dma_start3A_1760 = arith.constant 0 : i32
      %dma_start3A_1761 = arith.constant 0 : i32
      %dma_start3A_1762 = arith.constant 0 : i32
      %dma_start3A_1763 = arith.constant 0 : i32
      %dma_start3A_1764 = tpu.memref_slice %arg6[%dma_start3A_1759, %dma_start3A_1761, %dma_start3A_1762, %dma_start3A_1763] : memref<2x4x50x64xf32, #tpu.memory_space<vmem>> -> memref<1x4x50x64xf32, #tpu.memory_space<vmem>>
      %dma_start3A_1765 = tpu.memref_squeeze %dma_start3A_1764 : memref<1x4x50x64xf32, #tpu.memory_space<vmem>> -> memref<4x50x64xf32, #tpu.memory_space<vmem>>
      %dma_start3A_1766 = arith.constant 0 : i32
      %dma_start3A_1767 = arith.constant 0 : i32
      %dma_start3A_1768 = tpu.memref_slice %dma_start3A_1765[%dma_start3A_1760, %dma_start3A_1766, %dma_start3A_1767] : memref<4x50x64xf32, #tpu.memory_space<vmem>> -> memref<1x50x64xf32, #tpu.memory_space<vmem>>
      %dma_start3A_1769 = tpu.memref_squeeze %dma_start3A_1768 : memref<1x50x64xf32, #tpu.memory_space<vmem>> -> memref<50x64xf32, #tpu.memory_space<vmem>>
      %dma_start3A_1770 = arith.constant 0 : i32
      %dma_start3A_1771 = arith.constant 0 : i32
      %dma_start3A_1772 = tpu.memref_slice %arg5[%dma_start3A_1757, %dma_start3A_1770, %dma_start3A_1771] : memref<8x4x50xi32, #tpu.memory_space<vmem>> -> memref<1x4x50xi32, #tpu.memory_space<vmem>>
      %dma_start3A_1773 = tpu.memref_squeeze %dma_start3A_1772 : memref<1x4x50xi32, #tpu.memory_space<vmem>> -> memref<4x50xi32, #tpu.memory_space<vmem>>
      %dma_start3A_1774 = arith.constant 0 : i32
      %dma_start3A_1775 = tpu.memref_slice %dma_start3A_1773[%dma_start3A_1758, %dma_start3A_1774] : memref<4x50xi32, #tpu.memory_space<vmem>> -> memref<1x50xi32, #tpu.memory_space<vmem>>
      %dma_start3A_1776 = tpu.memref_squeeze %dma_start3A_1775 : memref<1x50xi32, #tpu.memory_space<vmem>> -> memref<50xi32, #tpu.memory_space<vmem>>
      %dma_start3A_1777 = arith.constant 0 : i32
      %dma_start3A_1778 = arith.constant 0 : i32
      %dma_start3A_1779 = tpu.memref_slice %arg3[%dma_start3A_1777, %dma_start3A_1778] : memref<8000x64xf32, #tpu.memory_space<hbm>> -> memref<8000x64xf32, #tpu.memory_space<hbm>>
      tpu.enqueue_indirect_dma source(%dma_start3A_1779 : memref<8000x64xf32, #tpu.memory_space<hbm>>) target(%dma_start3A_1769 : memref<50x64xf32, #tpu.memory_space<vmem>>) offsets(%dma_start3A_1776 : memref<50xi32, #tpu.memory_space<vmem>>) semaphore(%arg16 : memref<!tpu.dma_semaphore, #tpu.memory_space<semaphore_mem>>)
      %dma_start3A_1780 = arith.constant 7 : i32
      %dma_start3A_1781 = arith.constant 1 : i32
      %dma_start3A_1782 = arith.constant 1 : i32
      %dma_start3A_1783 = arith.constant 1 : i32
      %dma_start3A_1784 = arith.constant 0 : i32
      %dma_start3A_1785 = arith.constant 0 : i32
      %dma_start3A_1786 = arith.constant 0 : i32
      %dma_start3A_1787 = tpu.memref_slice %arg6[%dma_start3A_1782, %dma_start3A_1784, %dma_start3A_1785, %dma_start3A_1786] : memref<2x4x50x64xf32, #tpu.memory_space<vmem>> -> memref<1x4x50x64xf32, #tpu.memory_space<vmem>>
      %dma_start3A_1788 = tpu.memref_squeeze %dma_start3A_1787 : memref<1x4x50x64xf32, #tpu.memory_space<vmem>> -> memref<4x50x64xf32, #tpu.memory_space<vmem>>
      %dma_start3A_1789 = arith.constant 0 : i32
      %dma_start3A_1790 = arith.constant 0 : i32
      %dma_start3A_1791 = tpu.memref_slice %dma_start3A_1788[%dma_start3A_1783, %dma_start3A_1789, %dma_start3A_1790] : memref<4x50x64xf32, #tpu.memory_space<vmem>> -> memref<1x50x64xf32, #tpu.memory_space<vmem>>
      %dma_start3A_1792 = tpu.memref_squeeze %dma_start3A_1791 : memref<1x50x64xf32, #tpu.memory_space<vmem>> -> memref<50x64xf32, #tpu.memory_space<vmem>>
      %dma_start3A_1793 = arith.constant 0 : i32
      %dma_start3A_1794 = arith.constant 0 : i32
      %dma_start3A_1795 = tpu.memref_slice %arg5[%dma_start3A_1780, %dma_start3A_1793, %dma_start3A_1794] : memref<8x4x50xi32, #tpu.memory_space<vmem>> -> memref<1x4x50xi32, #tpu.memory_space<vmem>>
      %dma_start3A_1796 = tpu.memref_squeeze %dma_start3A_1795 : memref<1x4x50xi32, #tpu.memory_space<vmem>> -> memref<4x50xi32, #tpu.memory_space<vmem>>
      %dma_start3A_1797 = arith.constant 0 : i32
      %dma_start3A_1798 = tpu.memref_slice %dma_start3A_1796[%dma_start3A_1781, %dma_start3A_1797] : memref<4x50xi32, #tpu.memory_space<vmem>> -> memref<1x50xi32, #tpu.memory_space<vmem>>
      %dma_start3A_1799 = tpu.memref_squeeze %dma_start3A_1798 : memref<1x50xi32, #tpu.memory_space<vmem>> -> memref<50xi32, #tpu.memory_space<vmem>>
      %dma_start3A_1800 = arith.constant 0 : i32
      %dma_start3A_1801 = arith.constant 0 : i32
      %dma_start3A_1802 = tpu.memref_slice %arg3[%dma_start3A_1800, %dma_start3A_1801] : memref<8000x64xf32, #tpu.memory_space<hbm>> -> memref<8000x64xf32, #tpu.memory_space<hbm>>
      tpu.enqueue_indirect_dma source(%dma_start3A_1802 : memref<8000x64xf32, #tpu.memory_space<hbm>>) target(%dma_start3A_1792 : memref<50x64xf32, #tpu.memory_space<vmem>>) offsets(%dma_start3A_1799 : memref<50xi32, #tpu.memory_space<vmem>>) semaphore(%arg16 : memref<!tpu.dma_semaphore, #tpu.memory_space<semaphore_mem>>)
      %dma_start3A_1803 = arith.constant 7 : i32
      %dma_start3A_1804 = arith.constant 2 : i32
      %dma_start3A_1805 = arith.constant 1 : i32
      %dma_start3A_1806 = arith.constant 2 : i32
      %dma_start3A_1807 = arith.constant 0 : i32
      %dma_start3A_1808 = arith.constant 0 : i32
      %dma_start3A_1809 = arith.constant 0 : i32
      %dma_start3A_1810 = tpu.memref_slice %arg6[%dma_start3A_1805, %dma_start3A_1807, %dma_start3A_1808, %dma_start3A_1809] : memref<2x4x50x64xf32, #tpu.memory_space<vmem>> -> memref<1x4x50x64xf32, #tpu.memory_space<vmem>>
      %dma_start3A_1811 = tpu.memref_squeeze %dma_start3A_1810 : memref<1x4x50x64xf32, #tpu.memory_space<vmem>> -> memref<4x50x64xf32, #tpu.memory_space<vmem>>
      %dma_start3A_1812 = arith.constant 0 : i32
      %dma_start3A_1813 = arith.constant 0 : i32
      %dma_start3A_1814 = tpu.memref_slice %dma_start3A_1811[%dma_start3A_1806, %dma_start3A_1812, %dma_start3A_1813] : memref<4x50x64xf32, #tpu.memory_space<vmem>> -> memref<1x50x64xf32, #tpu.memory_space<vmem>>
      %dma_start3A_1815 = tpu.memref_squeeze %dma_start3A_1814 : memref<1x50x64xf32, #tpu.memory_space<vmem>> -> memref<50x64xf32, #tpu.memory_space<vmem>>
      %dma_start3A_1816 = arith.constant 0 : i32
      %dma_start3A_1817 = arith.constant 0 : i32
      %dma_start3A_1818 = tpu.memref_slice %arg5[%dma_start3A_1803, %dma_start3A_1816, %dma_start3A_1817] : memref<8x4x50xi32, #tpu.memory_space<vmem>> -> memref<1x4x50xi32, #tpu.memory_space<vmem>>
      %dma_start3A_1819 = tpu.memref_squeeze %dma_start3A_1818 : memref<1x4x50xi32, #tpu.memory_space<vmem>> -> memref<4x50xi32, #tpu.memory_space<vmem>>
      %dma_start3A_1820 = arith.constant 0 : i32
      %dma_start3A_1821 = tpu.memref_slice %dma_start3A_1819[%dma_start3A_1804, %dma_start3A_1820] : memref<4x50xi32, #tpu.memory_space<vmem>> -> memref<1x50xi32, #tpu.memory_space<vmem>>
      %dma_start3A_1822 = tpu.memref_squeeze %dma_start3A_1821 : memref<1x50xi32, #tpu.memory_space<vmem>> -> memref<50xi32, #tpu.memory_space<vmem>>
      %dma_start3A_1823 = arith.constant 0 : i32
      %dma_start3A_1824 = arith.constant 0 : i32
      %dma_start3A_1825 = tpu.memref_slice %arg3[%dma_start3A_1823, %dma_start3A_1824] : memref<8000x64xf32, #tpu.memory_space<hbm>> -> memref<8000x64xf32, #tpu.memory_space<hbm>>
      tpu.enqueue_indirect_dma source(%dma_start3A_1825 : memref<8000x64xf32, #tpu.memory_space<hbm>>) target(%dma_start3A_1815 : memref<50x64xf32, #tpu.memory_space<vmem>>) offsets(%dma_start3A_1822 : memref<50xi32, #tpu.memory_space<vmem>>) semaphore(%arg16 : memref<!tpu.dma_semaphore, #tpu.memory_space<semaphore_mem>>)
      %dma_start3A_1826 = arith.constant 7 : i32
      %dma_start3A_1827 = arith.constant 3 : i32
      %dma_start3A_1828 = arith.constant 1 : i32
      %dma_start3A_1829 = arith.constant 3 : i32
      %dma_start3A_1830 = arith.constant 0 : i32
      %dma_start3A_1831 = arith.constant 0 : i32
      %dma_start3A_1832 = arith.constant 0 : i32
      %dma_start3A_1833 = tpu.memref_slice %arg6[%dma_start3A_1828, %dma_start3A_1830, %dma_start3A_1831, %dma_start3A_1832] : memref<2x4x50x64xf32, #tpu.memory_space<vmem>> -> memref<1x4x50x64xf32, #tpu.memory_space<vmem>>
      %dma_start3A_1834 = tpu.memref_squeeze %dma_start3A_1833 : memref<1x4x50x64xf32, #tpu.memory_space<vmem>> -> memref<4x50x64xf32, #tpu.memory_space<vmem>>
      %dma_start3A_1835 = arith.constant 0 : i32
      %dma_start3A_1836 = arith.constant 0 : i32
      %dma_start3A_1837 = tpu.memref_slice %dma_start3A_1834[%dma_start3A_1829, %dma_start3A_1835, %dma_start3A_1836] : memref<4x50x64xf32, #tpu.memory_space<vmem>> -> memref<1x50x64xf32, #tpu.memory_space<vmem>>
      %dma_start3A_1838 = tpu.memref_squeeze %dma_start3A_1837 : memref<1x50x64xf32, #tpu.memory_space<vmem>> -> memref<50x64xf32, #tpu.memory_space<vmem>>
      %dma_start3A_1839 = arith.constant 0 : i32
      %dma_start3A_1840 = arith.constant 0 : i32
      %dma_start3A_1841 = tpu.memref_slice %arg5[%dma_start3A_1826, %dma_start3A_1839, %dma_start3A_1840] : memref<8x4x50xi32, #tpu.memory_space<vmem>> -> memref<1x4x50xi32, #tpu.memory_space<vmem>>
      %dma_start3A_1842 = tpu.memref_squeeze %dma_start3A_1841 : memref<1x4x50xi32, #tpu.memory_space<vmem>> -> memref<4x50xi32, #tpu.memory_space<vmem>>
      %dma_start3A_1843 = arith.constant 0 : i32
      %dma_start3A_1844 = tpu.memref_slice %dma_start3A_1842[%dma_start3A_1827, %dma_start3A_1843] : memref<4x50xi32, #tpu.memory_space<vmem>> -> memref<1x50xi32, #tpu.memory_space<vmem>>
      %dma_start3A_1845 = tpu.memref_squeeze %dma_start3A_1844 : memref<1x50xi32, #tpu.memory_space<vmem>> -> memref<50xi32, #tpu.memory_space<vmem>>
      %dma_start3A_1846 = arith.constant 0 : i32
      %dma_start3A_1847 = arith.constant 0 : i32
      %dma_start3A_1848 = tpu.memref_slice %arg3[%dma_start3A_1846, %dma_start3A_1847] : memref<8000x64xf32, #tpu.memory_space<hbm>> -> memref<8000x64xf32, #tpu.memory_space<hbm>>
      tpu.enqueue_indirect_dma source(%dma_start3A_1848 : memref<8000x64xf32, #tpu.memory_space<hbm>>) target(%dma_start3A_1838 : memref<50x64xf32, #tpu.memory_space<vmem>>) offsets(%dma_start3A_1845 : memref<50xi32, #tpu.memory_space<vmem>>) semaphore(%arg16 : memref<!tpu.dma_semaphore, #tpu.memory_space<semaphore_mem>>)
      %dma_wait3A_1849 = arith.constant 7 : i32
      %dma_wait3A_1850 = arith.constant 0 : i32
      %dma_wait3A_1851 = arith.constant 1 : i32
      %dma_wait3A_1852 = arith.constant 0 : i32
      %dma_wait3A_1853 = arith.constant 0 : i32
      %dma_wait3A_1854 = arith.constant 0 : i32
      %dma_wait3A_1855 = arith.constant 0 : i32
      %dma_wait3A_1856 = tpu.memref_slice %arg6[%dma_wait3A_1851, %dma_wait3A_1853, %dma_wait3A_1854, %dma_wait3A_1855] : memref<2x4x50x64xf32, #tpu.memory_space<vmem>> -> memref<1x4x50x64xf32, #tpu.memory_space<vmem>>
      %dma_wait3A_1857 = tpu.memref_squeeze %dma_wait3A_1856 : memref<1x4x50x64xf32, #tpu.memory_space<vmem>> -> memref<4x50x64xf32, #tpu.memory_space<vmem>>
      %dma_wait3A_1858 = arith.constant 0 : i32
      %dma_wait3A_1859 = arith.constant 0 : i32
      %dma_wait3A_1860 = tpu.memref_slice %dma_wait3A_1857[%dma_wait3A_1852, %dma_wait3A_1858, %dma_wait3A_1859] : memref<4x50x64xf32, #tpu.memory_space<vmem>> -> memref<1x50x64xf32, #tpu.memory_space<vmem>>
      %dma_wait3A_1861 = tpu.memref_squeeze %dma_wait3A_1860 : memref<1x50x64xf32, #tpu.memory_space<vmem>> -> memref<50x64xf32, #tpu.memory_space<vmem>>
      %dma_wait3A_1862 = arith.constant 0 : i32
      %dma_wait3A_1863 = arith.constant 0 : i32
      %dma_wait3A_1864 = tpu.memref_slice %arg5[%dma_wait3A_1849, %dma_wait3A_1862, %dma_wait3A_1863] : memref<8x4x50xi32, #tpu.memory_space<vmem>> -> memref<1x4x50xi32, #tpu.memory_space<vmem>>
      %dma_wait3A_1865 = tpu.memref_squeeze %dma_wait3A_1864 : memref<1x4x50xi32, #tpu.memory_space<vmem>> -> memref<4x50xi32, #tpu.memory_space<vmem>>
      %dma_wait3A_1866 = arith.constant 0 : i32
      %dma_wait3A_1867 = tpu.memref_slice %dma_wait3A_1865[%dma_wait3A_1850, %dma_wait3A_1866] : memref<4x50xi32, #tpu.memory_space<vmem>> -> memref<1x50xi32, #tpu.memory_space<vmem>>
      %dma_wait3A_1868 = tpu.memref_squeeze %dma_wait3A_1867 : memref<1x50xi32, #tpu.memory_space<vmem>> -> memref<50xi32, #tpu.memory_space<vmem>>
      %dma_wait3A_1869 = arith.constant 0 : i32
      %dma_wait3A_1870 = arith.constant 0 : i32
      %dma_wait3A_1871 = tpu.memref_slice %arg3[%dma_wait3A_1869, %dma_wait3A_1870] : memref<8000x64xf32, #tpu.memory_space<hbm>> -> memref<8000x64xf32, #tpu.memory_space<hbm>>
      tpu.wait_indirect_dma semaphore(%arg16 : memref<!tpu.dma_semaphore, #tpu.memory_space<semaphore_mem>>) src(%dma_wait3A_1871 : memref<8000x64xf32, #tpu.memory_space<hbm>>) dst(%dma_wait3A_1861 : memref<50x64xf32, #tpu.memory_space<vmem>>)
      %dma_wait3A_1872 = arith.constant 7 : i32
      %dma_wait3A_1873 = arith.constant 1 : i32
      %dma_wait3A_1874 = arith.constant 1 : i32
      %dma_wait3A_1875 = arith.constant 1 : i32
      %dma_wait3A_1876 = arith.constant 0 : i32
      %dma_wait3A_1877 = arith.constant 0 : i32
      %dma_wait3A_1878 = arith.constant 0 : i32
      %dma_wait3A_1879 = tpu.memref_slice %arg6[%dma_wait3A_1874, %dma_wait3A_1876, %dma_wait3A_1877, %dma_wait3A_1878] : memref<2x4x50x64xf32, #tpu.memory_space<vmem>> -> memref<1x4x50x64xf32, #tpu.memory_space<vmem>>
      %dma_wait3A_1880 = tpu.memref_squeeze %dma_wait3A_1879 : memref<1x4x50x64xf32, #tpu.memory_space<vmem>> -> memref<4x50x64xf32, #tpu.memory_space<vmem>>
      %dma_wait3A_1881 = arith.constant 0 : i32
      %dma_wait3A_1882 = arith.constant 0 : i32
      %dma_wait3A_1883 = tpu.memref_slice %dma_wait3A_1880[%dma_wait3A_1875, %dma_wait3A_1881, %dma_wait3A_1882] : memref<4x50x64xf32, #tpu.memory_space<vmem>> -> memref<1x50x64xf32, #tpu.memory_space<vmem>>
      %dma_wait3A_1884 = tpu.memref_squeeze %dma_wait3A_1883 : memref<1x50x64xf32, #tpu.memory_space<vmem>> -> memref<50x64xf32, #tpu.memory_space<vmem>>
      %dma_wait3A_1885 = arith.constant 0 : i32
      %dma_wait3A_1886 = arith.constant 0 : i32
      %dma_wait3A_1887 = tpu.memref_slice %arg5[%dma_wait3A_1872, %dma_wait3A_1885, %dma_wait3A_1886] : memref<8x4x50xi32, #tpu.memory_space<vmem>> -> memref<1x4x50xi32, #tpu.memory_space<vmem>>
      %dma_wait3A_1888 = tpu.memref_squeeze %dma_wait3A_1887 : memref<1x4x50xi32, #tpu.memory_space<vmem>> -> memref<4x50xi32, #tpu.memory_space<vmem>>
      %dma_wait3A_1889 = arith.constant 0 : i32
      %dma_wait3A_1890 = tpu.memref_slice %dma_wait3A_1888[%dma_wait3A_1873, %dma_wait3A_1889] : memref<4x50xi32, #tpu.memory_space<vmem>> -> memref<1x50xi32, #tpu.memory_space<vmem>>
      %dma_wait3A_1891 = tpu.memref_squeeze %dma_wait3A_1890 : memref<1x50xi32, #tpu.memory_space<vmem>> -> memref<50xi32, #tpu.memory_space<vmem>>
      %dma_wait3A_1892 = arith.constant 0 : i32
      %dma_wait3A_1893 = arith.constant 0 : i32
      %dma_wait3A_1894 = tpu.memref_slice %arg3[%dma_wait3A_1892, %dma_wait3A_1893] : memref<8000x64xf32, #tpu.memory_space<hbm>> -> memref<8000x64xf32, #tpu.memory_space<hbm>>
      tpu.wait_indirect_dma semaphore(%arg16 : memref<!tpu.dma_semaphore, #tpu.memory_space<semaphore_mem>>) src(%dma_wait3A_1894 : memref<8000x64xf32, #tpu.memory_space<hbm>>) dst(%dma_wait3A_1884 : memref<50x64xf32, #tpu.memory_space<vmem>>)
      %dma_wait3A_1895 = arith.constant 7 : i32
      %dma_wait3A_1896 = arith.constant 2 : i32
      %dma_wait3A_1897 = arith.constant 1 : i32
      %dma_wait3A_1898 = arith.constant 2 : i32
      %dma_wait3A_1899 = arith.constant 0 : i32
      %dma_wait3A_1900 = arith.constant 0 : i32
      %dma_wait3A_1901 = arith.constant 0 : i32
      %dma_wait3A_1902 = tpu.memref_slice %arg6[%dma_wait3A_1897, %dma_wait3A_1899, %dma_wait3A_1900, %dma_wait3A_1901] : memref<2x4x50x64xf32, #tpu.memory_space<vmem>> -> memref<1x4x50x64xf32, #tpu.memory_space<vmem>>
      %dma_wait3A_1903 = tpu.memref_squeeze %dma_wait3A_1902 : memref<1x4x50x64xf32, #tpu.memory_space<vmem>> -> memref<4x50x64xf32, #tpu.memory_space<vmem>>
      %dma_wait3A_1904 = arith.constant 0 : i32
      %dma_wait3A_1905 = arith.constant 0 : i32
      %dma_wait3A_1906 = tpu.memref_slice %dma_wait3A_1903[%dma_wait3A_1898, %dma_wait3A_1904, %dma_wait3A_1905] : memref<4x50x64xf32, #tpu.memory_space<vmem>> -> memref<1x50x64xf32, #tpu.memory_space<vmem>>
      %dma_wait3A_1907 = tpu.memref_squeeze %dma_wait3A_1906 : memref<1x50x64xf32, #tpu.memory_space<vmem>> -> memref<50x64xf32, #tpu.memory_space<vmem>>
      %dma_wait3A_1908 = arith.constant 0 : i32
      %dma_wait3A_1909 = arith.constant 0 : i32
      %dma_wait3A_1910 = tpu.memref_slice %arg5[%dma_wait3A_1895, %dma_wait3A_1908, %dma_wait3A_1909] : memref<8x4x50xi32, #tpu.memory_space<vmem>> -> memref<1x4x50xi32, #tpu.memory_space<vmem>>
      %dma_wait3A_1911 = tpu.memref_squeeze %dma_wait3A_1910 : memref<1x4x50xi32, #tpu.memory_space<vmem>> -> memref<4x50xi32, #tpu.memory_space<vmem>>
      %dma_wait3A_1912 = arith.constant 0 : i32
      %dma_wait3A_1913 = tpu.memref_slice %dma_wait3A_1911[%dma_wait3A_1896, %dma_wait3A_1912] : memref<4x50xi32, #tpu.memory_space<vmem>> -> memref<1x50xi32, #tpu.memory_space<vmem>>
      %dma_wait3A_1914 = tpu.memref_squeeze %dma_wait3A_1913 : memref<1x50xi32, #tpu.memory_space<vmem>> -> memref<50xi32, #tpu.memory_space<vmem>>
      %dma_wait3A_1915 = arith.constant 0 : i32
      %dma_wait3A_1916 = arith.constant 0 : i32
      %dma_wait3A_1917 = tpu.memref_slice %arg3[%dma_wait3A_1915, %dma_wait3A_1916] : memref<8000x64xf32, #tpu.memory_space<hbm>> -> memref<8000x64xf32, #tpu.memory_space<hbm>>
      tpu.wait_indirect_dma semaphore(%arg16 : memref<!tpu.dma_semaphore, #tpu.memory_space<semaphore_mem>>) src(%dma_wait3A_1917 : memref<8000x64xf32, #tpu.memory_space<hbm>>) dst(%dma_wait3A_1907 : memref<50x64xf32, #tpu.memory_space<vmem>>)
      %dma_wait3A_1918 = arith.constant 7 : i32
      %dma_wait3A_1919 = arith.constant 3 : i32
      %dma_wait3A_1920 = arith.constant 1 : i32
      %dma_wait3A_1921 = arith.constant 3 : i32
      %dma_wait3A_1922 = arith.constant 0 : i32
      %dma_wait3A_1923 = arith.constant 0 : i32
      %dma_wait3A_1924 = arith.constant 0 : i32
      %dma_wait3A_1925 = tpu.memref_slice %arg6[%dma_wait3A_1920, %dma_wait3A_1922, %dma_wait3A_1923, %dma_wait3A_1924] : memref<2x4x50x64xf32, #tpu.memory_space<vmem>> -> memref<1x4x50x64xf32, #tpu.memory_space<vmem>>
      %dma_wait3A_1926 = tpu.memref_squeeze %dma_wait3A_1925 : memref<1x4x50x64xf32, #tpu.memory_space<vmem>> -> memref<4x50x64xf32, #tpu.memory_space<vmem>>
      %dma_wait3A_1927 = arith.constant 0 : i32
      %dma_wait3A_1928 = arith.constant 0 : i32
      %dma_wait3A_1929 = tpu.memref_slice %dma_wait3A_1926[%dma_wait3A_1921, %dma_wait3A_1927, %dma_wait3A_1928] : memref<4x50x64xf32, #tpu.memory_space<vmem>> -> memref<1x50x64xf32, #tpu.memory_space<vmem>>
      %dma_wait3A_1930 = tpu.memref_squeeze %dma_wait3A_1929 : memref<1x50x64xf32, #tpu.memory_space<vmem>> -> memref<50x64xf32, #tpu.memory_space<vmem>>
      %dma_wait3A_1931 = arith.constant 0 : i32
      %dma_wait3A_1932 = arith.constant 0 : i32
      %dma_wait3A_1933 = tpu.memref_slice %arg5[%dma_wait3A_1918, %dma_wait3A_1931, %dma_wait3A_1932] : memref<8x4x50xi32, #tpu.memory_space<vmem>> -> memref<1x4x50xi32, #tpu.memory_space<vmem>>
      %dma_wait3A_1934 = tpu.memref_squeeze %dma_wait3A_1933 : memref<1x4x50xi32, #tpu.memory_space<vmem>> -> memref<4x50xi32, #tpu.memory_space<vmem>>
      %dma_wait3A_1935 = arith.constant 0 : i32
      %dma_wait3A_1936 = tpu.memref_slice %dma_wait3A_1934[%dma_wait3A_1919, %dma_wait3A_1935] : memref<4x50xi32, #tpu.memory_space<vmem>> -> memref<1x50xi32, #tpu.memory_space<vmem>>
      %dma_wait3A_1937 = tpu.memref_squeeze %dma_wait3A_1936 : memref<1x50xi32, #tpu.memory_space<vmem>> -> memref<50xi32, #tpu.memory_space<vmem>>
      %dma_wait3A_1938 = arith.constant 0 : i32
      %dma_wait3A_1939 = arith.constant 0 : i32
      %dma_wait3A_1940 = tpu.memref_slice %arg3[%dma_wait3A_1938, %dma_wait3A_1939] : memref<8000x64xf32, #tpu.memory_space<hbm>> -> memref<8000x64xf32, #tpu.memory_space<hbm>>
      tpu.wait_indirect_dma semaphore(%arg16 : memref<!tpu.dma_semaphore, #tpu.memory_space<semaphore_mem>>) src(%dma_wait3A_1940 : memref<8000x64xf32, #tpu.memory_space<hbm>>) dst(%dma_wait3A_1930 : memref<50x64xf32, #tpu.memory_space<vmem>>)
      %add3A_1941 = arith.constant 28 : i32
      %add3A_1942 = arith.addi %add3A_11, %add3A_1941 : i32
      %dma_start3A_1943 = arith.constant 1 : i32
      %dma_start3A_1944 = arith.constant 0 : i32
      %dma_start3A_1945 = arith.constant 0 : i32
      %dma_start3A_1946 = arith.constant 0 : i32
      %dma_start3A_1947 = tpu.memref_slice %arg6[%dma_start3A_1943, %dma_start3A_1944, %dma_start3A_1945, %dma_start3A_1946] : memref<2x4x50x64xf32, #tpu.memory_space<vmem>> -> memref<1x4x50x64xf32, #tpu.memory_space<vmem>>
      %dma_start3A_1948 = tpu.memref_squeeze %dma_start3A_1947 : memref<1x4x50x64xf32, #tpu.memory_space<vmem>> -> memref<4x50x64xf32, #tpu.memory_space<vmem>>
      %dma_start3A_1949 = arith.constant 0 : i32
      %dma_start3A_1950 = arith.constant 0 : i32
      %dma_start3A_1951 = tpu.memref_slice %arg4[%add3A_1942, %dma_start3A_1949, %dma_start3A_1950] : memref<16384x50x64xf32, #tpu.memory_space<hbm>> -> memref<4x50x64xf32, #tpu.memory_space<hbm>>
      %dma_start3A_1952 = arith.constant 0 : i32
      %dma_start3A_1953 = arith.constant 0 : i32
      %dma_start3A_1954 = tpu.memref_slice %arg4[%add3A_1942, %dma_start3A_1952, %dma_start3A_1953] : memref<16384x50x64xf32, #tpu.memory_space<hbm>> -> memref<4x50x64xf32, #tpu.memory_space<hbm>>
      %dma_start3A_1955 = arith.constant 0 : i32
      %dma_start3A_1956 = arith.constant 0 : i32
      %dma_start3A_1957 = arith.constant 0 : i32
      %dma_start3A_1958 = tpu.memref_slice %arg6[%dma_start3A_1943, %dma_start3A_1955, %dma_start3A_1956, %dma_start3A_1957] : memref<2x4x50x64xf32, #tpu.memory_space<vmem>> -> memref<1x4x50x64xf32, #tpu.memory_space<vmem>>
      %dma_start3A_1959 = tpu.memref_squeeze %dma_start3A_1958 : memref<1x4x50x64xf32, #tpu.memory_space<vmem>> -> memref<4x50x64xf32, #tpu.memory_space<vmem>>
      tpu.enqueue_dma source(%dma_start3A_1959 : memref<4x50x64xf32, #tpu.memory_space<vmem>>) target(%dma_start3A_1954 : memref<4x50x64xf32, #tpu.memory_space<hbm>>) target_semaphore(%arg18 : memref<!tpu.dma_semaphore, #tpu.memory_space<semaphore_mem>>)
      %dma_wait3A_1960 = arith.constant 0 : i32
      %dma_wait3A_1961 = arith.constant 0 : i32
      %dma_wait3A_1962 = arith.constant 0 : i32
      %dma_wait3A_1963 = arith.constant 0 : i32
      %dma_wait3A_1964 = tpu.memref_slice %arg6[%dma_wait3A_1960, %dma_wait3A_1961, %dma_wait3A_1962, %dma_wait3A_1963] : memref<2x4x50x64xf32, #tpu.memory_space<vmem>> -> memref<1x4x50x64xf32, #tpu.memory_space<vmem>>
      %dma_wait3A_1965 = tpu.memref_squeeze %dma_wait3A_1964 : memref<1x4x50x64xf32, #tpu.memory_space<vmem>> -> memref<4x50x64xf32, #tpu.memory_space<vmem>>
      %dma_wait3A_1966 = arith.constant 0 : i32
      %dma_wait3A_1967 = arith.constant 0 : i32
      %dma_wait3A_1968 = tpu.memref_slice %arg4[%add3A_1709, %dma_wait3A_1966, %dma_wait3A_1967] : memref<16384x50x64xf32, #tpu.memory_space<hbm>> -> memref<4x50x64xf32, #tpu.memory_space<hbm>>
      %dma_wait3A_1969 = arith.constant 0 : i32
      %dma_wait3A_1970 = arith.constant 0 : i32
      %dma_wait3A_1971 = tpu.memref_slice %arg4[%add3A_1709, %dma_wait3A_1969, %dma_wait3A_1970] : memref<16384x50x64xf32, #tpu.memory_space<hbm>> -> memref<4x50x64xf32, #tpu.memory_space<hbm>>
      %dma_wait3A_1972 = arith.constant 0 : i32
      %dma_wait3A_1973 = arith.constant 0 : i32
      %dma_wait3A_1974 = arith.constant 0 : i32
      %dma_wait3A_1975 = tpu.memref_slice %arg6[%dma_wait3A_1960, %dma_wait3A_1972, %dma_wait3A_1973, %dma_wait3A_1974] : memref<2x4x50x64xf32, #tpu.memory_space<vmem>> -> memref<1x4x50x64xf32, #tpu.memory_space<vmem>>
      %dma_wait3A_1976 = tpu.memref_squeeze %dma_wait3A_1975 : memref<1x4x50x64xf32, #tpu.memory_space<vmem>> -> memref<4x50x64xf32, #tpu.memory_space<vmem>>
      tpu.wait_dma2 semaphore(%arg17 : memref<!tpu.dma_semaphore, #tpu.memory_space<semaphore_mem>>) src(%dma_wait3A_1976 : memref<4x50x64xf32, #tpu.memory_space<vmem>>) dst(%dma_wait3A_1971 : memref<4x50x64xf32, #tpu.memory_space<hbm>>)
      %dma_wait3A_1977 = arith.constant 1 : i32
      %dma_wait3A_1978 = arith.constant 0 : i32
      %dma_wait3A_1979 = arith.constant 0 : i32
      %dma_wait3A_1980 = arith.constant 0 : i32
      %dma_wait3A_1981 = tpu.memref_slice %arg6[%dma_wait3A_1977, %dma_wait3A_1978, %dma_wait3A_1979, %dma_wait3A_1980] : memref<2x4x50x64xf32, #tpu.memory_space<vmem>> -> memref<1x4x50x64xf32, #tpu.memory_space<vmem>>
      %dma_wait3A_1982 = tpu.memref_squeeze %dma_wait3A_1981 : memref<1x4x50x64xf32, #tpu.memory_space<vmem>> -> memref<4x50x64xf32, #tpu.memory_space<vmem>>
      %dma_wait3A_1983 = arith.constant 0 : i32
      %dma_wait3A_1984 = arith.constant 0 : i32
      %dma_wait3A_1985 = tpu.memref_slice %arg4[%add3A_1942, %dma_wait3A_1983, %dma_wait3A_1984] : memref<16384x50x64xf32, #tpu.memory_space<hbm>> -> memref<4x50x64xf32, #tpu.memory_space<hbm>>
      %dma_wait3A_1986 = arith.constant 0 : i32
      %dma_wait3A_1987 = arith.constant 0 : i32
      %dma_wait3A_1988 = tpu.memref_slice %arg4[%add3A_1942, %dma_wait3A_1986, %dma_wait3A_1987] : memref<16384x50x64xf32, #tpu.memory_space<hbm>> -> memref<4x50x64xf32, #tpu.memory_space<hbm>>
      %dma_wait3A_1989 = arith.constant 0 : i32
      %dma_wait3A_1990 = arith.constant 0 : i32
      %dma_wait3A_1991 = arith.constant 0 : i32
      %dma_wait3A_1992 = tpu.memref_slice %arg6[%dma_wait3A_1977, %dma_wait3A_1989, %dma_wait3A_1990, %dma_wait3A_1991] : memref<2x4x50x64xf32, #tpu.memory_space<vmem>> -> memref<1x4x50x64xf32, #tpu.memory_space<vmem>>
      %dma_wait3A_1993 = tpu.memref_squeeze %dma_wait3A_1992 : memref<1x4x50x64xf32, #tpu.memory_space<vmem>> -> memref<4x50x64xf32, #tpu.memory_space<vmem>>
      tpu.wait_dma2 semaphore(%arg18 : memref<!tpu.dma_semaphore, #tpu.memory_space<semaphore_mem>>) src(%dma_wait3A_1993 : memref<4x50x64xf32, #tpu.memory_space<vmem>>) dst(%dma_wait3A_1988 : memref<4x50x64xf32, #tpu.memory_space<hbm>>)
    }
    %scan3A_7 = arith.constant 16 : i32
    return
  }
}

</mosaic_0001>

<sc_bundles>
// kernel: kernel.3.cloned.1.call-start
scs
__scs_entry_jumppad:
0x0: {  	(pc) =	sbr.rel $0x88, $3  }
0x1: {  	(tag) =	ssettag $0x0;
	lr =	simm.s32 $0x1  }
0x2: {  	[smem:$0x3F9F] =	sst lr;
	_ =	strace $0xD0000000  }
0x3: {  	_ = 	snop  }
0x4: {  	_ = 	snop  }
0x5: {  	_ = 	snop  }
0x6: {  	_ = 	snop  }
0x7: {  	_ = 	snop  }
__scs_overlays_trampoline_lowered:
0x8: {  	[smem:$0x3FAE] =	sst s0  }
0x9: {  	[smem:$0x3FAF] =	sst s1  }
0xa: {  	[smem:$0x3FB0] =	sst s2  }
0xb: {  	[smem:$0x3FB1] =	sst s3  }
0xc: {  	[smem:$0x3FB2] =	sst s4  }
0xd: {  	[smem:$0x3FB3] =	sst s5  }
0xe: {  	[smem:$0x3FB4] =	sst s6  }
0xf: {  	[smem:$0x3FB5] =	sst s7  }
0x10: {  	[smem:$0x3FB6] =	sst s8  }
0x11: {  	[smem:$0x3FB7] =	sst s9;
	s0 =	simm.s32 @!p0 $0x0  }
0x12: {  	s1 =	sld [smem:$0x3F9D];
	s0 =	simm.s32 @p0 $0x1  }
0x13: {  	[smem:$0x3FB8] =	sst s0;
	s0 =	simm.s32 @!p1 $0x0  }
0x14: {  	s2 =	sld [smem:$0x3F9C];
	s0 =	simm.s32 @p1 $0x1  }
0x15: {  	[smem:$0x3FB9] =	sst s0;
	s0 =	simm.s32 @!p2 $0x0  }
0x16: {  	s3 =	sld [smem:$0x3FDB];
	s0 =	simm.s32 @p2 $0x1  }
0x17: {  	s4 =	simm.s32 $0x1BF5;
	[smem:$0x3FBB] =	sst s0  }
0x18: {  	s0 =	sld [smem:$0x3F9E];
	_ =	swait.ge [sflag:s4], $0x0  }
0x19: {  	s7 =	sld [smem:$0x3F9F]  }
0x1a: {  	s8 =	sadd.s32 $0xFFFFE003, lr  }
0x1b: {  	s9 =	sadd.s32 $0xFFFFFEF7, lr;
	s5 =	simm.s32 $0xFFFFFFFF;
	p2 =	slt.u32 s8, $0xFFFFF086  }
0x1c: {  	p1 =	slt.u32 s9, $0xF7A;
	s5 =	simm.s32 @!p2 $0x0  }
0x1d: {  	s5 =	simm.s32 @p1 $0x1;
	p0 =	seq.s32 s7, s2  }
0x1e: {  	s7 =	smul.u32 @!p0 $0xF7A, s2;
	p2 =	seq.s32 @!p0 s5, $0x0  }
0x1f: {  	s9 =	smul.u32 $0xF7A, s1;
	s8 =	simm.s32 @!p0 $0x1BF5;
	p2 =	por !p2, p0  }
0x20: {  	[sflag:s8] =	ssyncset.s32 @!p0 $0xFFFFF086;
	s6 =	sadd.s32 @!p0 s3, s7;
	s7 =	simm.s32 @!p0 $0x108  }
0x21: {  	s3 =	sadd.s32 s3, s9;
	s6 =	sadd.s32 @!p0 $0x88, s6;
	s7 =	simm.s32 @p2 $0x1082  }
0x22: {  	[simem:s7], [sflag:s8] =	dma.local @!p0 [hbm:s6], $0xF7A  }
0x23: {  	s9 =	sor.u32 $0xD0000000, s2;
	s6 =	simm.s32 $0x108;
	_ =	swait.ge @!p0 [sflag:s8], $0x0  }
0x24: {  	s3 =	sadd.s32 $0x88, s3;
	s6 =	simm.s32 @!p1 $0x1082;
	[sflag:s4] =	ssyncset.s32 $0xFFFFF086  }
0x25: {  	[simem:s6], [sflag:s4] =	dma.local [hbm:s3], $0xF7A  }
0x26: {  	[smem:$0x3F9F] =	sst s1;
	(tag) =	ssettag s2;
	_ =	strace s9  }
0x27: {  	s1 =	sld [smem:$0x3FAF]  }
0x28: {  	s2 =	sld [smem:$0x3FB0]  }
0x29: {  	s4 =	sld [smem:$0x3FB2]  }
0x2a: {  	p0 =	seq.s32 s5, $0x0;
	s5 =	sld [smem:$0x3FB3]  }
0x2b: {  	s6 =	sld [smem:$0x3FB4]  }
0x2c: {  	s7 =	sld [smem:$0x3FB5]  }
0x2d: {  	s3 =	simm.s32 $0x108;
	s8 =	sld [smem:$0x3FB6]  }
0x2e: {  	s3 =	simm.s32 @!p0 $0x1082;
	s9 =	sld [smem:$0x3FB7]  }
0x2f: {  	lr =	sadd.s32 s0, s3;
	s0 =	sld [smem:$0x3FAE]  }
0x30: {  	s3 =	sld [smem:$0x3FB1]  }
0x31: {  	[smem:$0x3FBA] =	sst s10  }
0x32: {  	s10 =	sld [smem:$0x3FB8];
	_ =	sdelay $0x3  }
0x33: {  	p0 =	seq.s32 s10, $0x1;
	s10 =	sld [smem:$0x3FBA];
	_ =	sdelay $0x3  }
0x34: {  	[smem:$0x3FBA] =	sst s10  }
0x35: {  	s10 =	sld [smem:$0x3FB9];
	_ =	sdelay $0x3  }
0x36: {  	p1 =	seq.s32 s10, $0x1;
	s10 =	sld [smem:$0x3FBA];
	_ =	sdelay $0x3  }
0x37: {  	[smem:$0x3FBA] =	sst s10  }
0x38: {  	s10 =	sld [smem:$0x3FBB]  }
0x39: {  	_ = 	snop;
	(pc) =	sbr.ind lr, $3  }
0x3a: {  	_ = 	snop  }
0x3b: {  	_ = 	snop  }
0x3c: {  	p2 =	seq.s32 s10, $0x1;
	s10 =	sld [smem:$0x3FBA]  }
0x3d: {  	_ =	shalt  }
0x3e: {  	_ =	shalt  }
0x3f: {  	_ =	shalt  }
0x40: {  	_ =	shalt  }
0x41: {  	_ =	shalt  }
0x42: {  	_ =	shalt  }
0x43: {  	_ =	shalt  }
0x44: {  	_ =	shalt  }
0x45: {  	_ =	shalt  }
0x46: {  	_ =	shalt  }
0x47: {  	_ =	shalt  }
0x48: {  	_ =	shalt  }
0x49: {  	_ =	shalt  }
0x4a: {  	_ =	shalt  }
0x4b: {  	_ =	shalt  }
0x4c: {  	_ =	shalt  }
0x4d: {  	_ =	shalt  }
0x4e: {  	_ =	shalt  }
0x4f: {  	_ =	shalt  }
0x50: {  	_ =	shalt  }
0x51: {  	_ =	shalt  }
0x52: {  	_ =	shalt  }
0x53: {  	_ =	shalt  }
0x54: {  	_ =	shalt  }
0x55: {  	_ =	shalt  }
0x56: {  	_ =	shalt  }
0x57: {  	_ =	shalt  }
0x58: {  	_ =	shalt  }
0x59: {  	_ =	shalt  }
0x5a: {  	_ =	shalt  }
0x5b: {  	_ =	shalt  }
0x5c: {  	_ =	shalt  }
0x5d: {  	_ =	shalt  }
0x5e: {  	_ =	shalt  }
0x5f: {  	_ =	shalt  }
0x60: {  	_ =	shalt  }
0x61: {  	_ =	shalt  }
0x62: {  	_ =	shalt  }
0x63: {  	_ =	shalt  }
0x64: {  	_ =	shalt  }
0x65: {  	_ =	shalt  }
0x66: {  	_ =	shalt  }
0x67: {  	_ =	shalt  }
0x68: {  	_ =	shalt  }
0x69: {  	_ =	shalt  }
0x6a: {  	_ =	shalt  }
0x6b: {  	_ =	shalt  }
0x6c: {  	_ =	shalt  }
0x6d: {  	_ =	shalt  }
0x6e: {  	_ =	shalt  }
0x6f: {  	_ =	shalt  }
0x70: {  	_ =	shalt  }
0x71: {  	_ =	shalt  }
0x72: {  	_ =	shalt  }
0x73: {  	_ =	shalt  }
0x74: {  	_ =	shalt  }
0x75: {  	_ =	shalt  }
0x76: {  	_ =	shalt  }
0x77: {  	_ =	shalt  }
0x78: {  	_ =	shalt  }
0x79: {  	_ =	shalt  }
0x7a: {  	_ =	shalt  }
0x7b: {  	_ =	shalt  }
0x7c: {  	_ =	shalt  }
0x7d: {  	_ =	shalt  }
0x7e: {  	_ =	shalt  }
0x7f: {  	_ =	shalt  }
0x80: {  	_ =	shalt  }
0x81: {  	_ =	shalt  }
0x82: {  	_ =	shalt  }
0x83: {  	_ =	shalt  }
0x84: {  	_ =	shalt  }
0x85: {  	_ =	shalt  }
0x86: {  	_ =	shalt  }
0x87: {  	_ =	shalt  }
.Lfunc_end0:
.L_simem_size_0:
called_computation.1_lowered:
.L_overlay_start_0:
0x88: {  	s2 =	sld [smem:$0x3FD9]  }
0x89: {  	s3 =	sld [smem:$0x3FFE];
	_ =	sdelay $0x1  }
0x8a: {  	s1 =	srdreg.scid  }
0x8b: {  	s0 =	sand.u32 $0x1, s1  }
0x8c: {  	s17 =	sshll.u32 s0, $0xA;
	s2 =	sadd.s32 s3, s2  }
0x8d: {  	s2 =	sadd.s32 s2, s17  }
0x8e: {  	[smem:$0x3FC6] =	sst s2  }
0x8f: {  	_ = 	snop  }
0x90: {  	s2 =	sld [smem:$0x3FD0];
	(tm) =	ssettm $0x1  }
0x91: {  	s18 =	sld [smem:$0x3FFB];
	_ =	sdelay $0x3  }
0x92: {  	_ =	strace s18  }
0x93: {  	s3 =	sld [smem:$0x3FFC];
	_ =	sdelay $0x3  }
0x94: {  	_ =	strace s3  }
0x95: {  	s3 =	sld [smem:$0x3FFD];
	_ =	sdelay $0x3  }
0x96: {  	_ =	strace s3  }
0x97: {  	_ =	strace $0x8FFFFFFF  }
0x98: {  	s19 =	sld [smem:$0x3FDB];
	_ =	sdelay $0x1  }
0x99: {  	s4 =	simm.s32 $_scs_section_size  }
0x9a: {  	s5 =	simm.s32 $_size__tile_overlayer_lowered;
	s6 =	simm.s32 $_tile_overlayer_lowered  }
0x9b: {  	s22 =	simm.s32 $0x1BFF;
	s21 =	sshll.u32 s6, $0x1;
	s3 =	sadd.s32 s4, s19  }
0x9c: {  	s7 =	simm.s32 $0x0;
	s20 =	sshll.u32 s5, $0x1;
	s5 =	sadd.s32 s21, s3  }
0x9d: {  	[timem:s7], [sflag:s22] =	dma.local [hbm:s5], s20  }
0x9e: {  	_ =	swait.ge [sflag:s22], s20  }
0x9f: {  	s4 =	ssub.s32 $0x0, s20;
	[sflag:s22] =	ssyncset.done $0x0  }
0xa0: {  	[sflag:s22] =	ssyncadd.s32 s4;
	_ =	sdelay $0x1  }
0xa1: {  	s23 =	simm.s32 $0x1B8B  }
0xa2: {  	_ =	swait.ge [sflag:s23], $0x1  }
0xa3: {  	[sflag:s23] =	ssyncset.done $0x0  }
0xa4: {  	s25 =	simm.s32 $0x1B8E;
	s24 =	sld [smem:$0x3FFE];
	[sflag:s23] =	ssyncadd.s32 $0xFFFFFFFF  }
0xa5: {  	s26 =	simm.s32 $execute0_lowered;
	[smem:$0x3FD2] =	sst s25  }
0xa6: {  	s5 =	sshll.u32 s26, $0x1;
	_ =	strace $0x80000046;
	[dreg:$0x1] =	wrdreg $0xFFFFFFFF  }
0xa7: {  	s28 =	simm.s32 $_size_execute0_lowered;
	s3 =	sadd.s32 s3, s5;
	[dreg:$0x0] =	wrdreg $0x0  }
0xa8: {  	s5 =	sshll.u32 s28, $0x1;
	[dreg:$0x2] =	wrdreg s3  }
0xa9: {  	[dreg:$0x3] =	wrdreg s5  }
0xaa: {  	[dreg:$0x4] =	wrdreg $0xC0  }
0xab: {  	_ =	task [dreg:s7], $0x5FFFF  }
0xac: {  	[dreg:$0x1] =	wrdreg $0xFFFFFFFF  }
0xad: {  	[dreg:$0x0] =	wrdreg $0x60  }
0xae: {  	[dreg:$0x2] =	wrdreg s24  }
0xaf: {  	[dreg:$0x3] =	wrdreg s2  }
0xb0: {  	[dreg:$0x4] =	wrdreg $0x9  }
0xb1: {  	_ =	task.clear_ibuf [dreg:s7], $0x5FFFF;
	_ =	strace $0x90000046  }
0xb2: {  	s29 =	simm.s32 $0x9;
	_ =	strace $0x80000048  }
0xb3: {  	_ =	swait.ge [sflag:s29], $0x1  }
0xb4: {  	[sflag:s29] =	ssyncadd.s32 $0xFFFFFFFF  }
0xb5: {  	_ =	strace $0x90000048  }
0xb6: {  	_ =	sfence  }
0xb7: {  	s30 =	sld [smem:$0x0];
	_ =	sdelay $0x2  }
0xb8: {  	s31 =	sshll.u32 s1, $0xD;
	s1 =	sshrl.u32 s1, $0x2  }
0xb9: {  	s3 =	sand.u32 $0x4000, s31;
	s1 =	sadd.s32 s1, s30  }
0xba: {  	s0 =	sor.u32 s3, s0;
	s1 =	sshll.u32 s1, $0x11  }
0xbb: {  	s0 =	sor.u32 s1, s0  }
0xbc: {  	s0 =	sadd.s32 $0x8F2B, s0  }
0xbd: {  	[sflag:s0] =	ssyncadd.remote.s32 $0x1  }
0xbe: {  	_ =	sfence.sel $0xFFFF  }
0xbf: {  	[dreg:$0x0] =	wrdreg $0xFFFFFFFF;
	(pc) =	sbr.abs _section_cstart, $3  }
0xc0: {  	[dreg:$0x1] =	wrdreg $0xFFFFFFFF  }
0xc1: {  	_ =	task.clear_ibuf [dreg:s7], $0x2FFFF;
	_ =	strace $0x9FFFFFFF  }
0xc2: {  	(tm) =	ssettm $0x7FFFFFFF  }
0xc3: {  	_ =	shalt  }
tec
execute0_lowered:
.L_overlay_start_1:
0x0: {  	(tag) =	ssettag $0x1  }
0x1: {  	s0 =	rddreg [dreg:$0x0]  }
0x2: {  	s1 =	rddreg [dreg:$0x1];
	s2 =	simm.s32 $0x0  }
0x3: {  	s5 =	stileid.u32;
	s24 =	simm.s32 $0x38;
	[smem:$0x7FF] =	sst s2  }
0x4: {  	s25 =	simm.s32 $0x70;
	_ =	strace $0x80000047;
	[dreg:$0x4] =	wrdreg s24  }
0x5: {  	s4 =	srdreg.scid;
	s26 =	simm.s32 $0xA8;
	[dreg:$0x5] =	wrdreg s25  }
0x6: {  	s8 =	simm.s32 $0x188;
	s9 =	simm.s32 $0x1F8;
	[dreg:$0x6] =	wrdreg s26  }
0x7: {  	s10 =	simm.s32 $0x230;
	s11 =	simm.s32 $0x268;
	[dreg:$0x9] =	wrdreg s8  }
0x8: {  	s12 =	simm.s32 $0x2D8;
	s13 =	simm.s32 $0x310;
	[dreg:$0xa] =	wrdreg s9  }
0x9: {  	s14 =	simm.s32 $0x348;
	s15 =	simm.s32 $0x3B8;
	[dreg:$0xb] =	wrdreg s10  }
0xa: {  	s16 =	simm.s32 $0x3F0;
	s17 =	simm.s32 $0x428;
	[dreg:$0xc] =	wrdreg s11  }
0xb: {  	s18 =	simm.s32 $0x498;
	s19 =	simm.s32 $0x4D0;
	[dreg:$0xd] =	wrdreg s12  }
0xc: {  	s20 =	simm.s32 $0x508;
	s21 =	simm.s32 $0x578;
	[dreg:$0xe] =	wrdreg s13  }
0xd: {  	s28 =	simm.s32 $0xB;
	s30 =	simm.s32 $0xC;
	[dreg:$0xf] =	wrdreg s14  }
0xe: {  	s29 =	simm.s32 $0x540;
	s3 =	smul.u32 $0x1C00, s5;
	[dreg:$0x10] =	wrdreg s15  }
0xf: {  	s4 =	sand.u32 $0x1, s4;
	s5 =	smul.u32 $0x64000, s5;
	[dreg:$0x11] =	wrdreg s16  }
0x10: {  	s31 =	simm.s32 $0x620;
	s6 =	smul.u32 $0x32000, s4;
	[dreg:$0x12] =	wrdreg s17  }
0x11: {  	s22 =	ssub.s32 $0x2, s4;
	s4 =	smul.u32 $0xE00, s4;
	[dreg:$0x13] =	wrdreg s18  }
0x12: {  	s14 =	simm.s32 $0x32;
	s15 =	simm.s32 $0x700;
	[dreg:$0x14] =	wrdreg s19  }
0x13: {  	s16 =	simm.s32 $0x1380;
	s17 =	simm.s32 $0x2000;
	[dreg:$0x15] =	wrdreg s20  }
0x14: {  	s18 =	simm.s32 $0x2C80;
	s19 =	simm.s32 $0x9;
	[dreg:$0x16] =	wrdreg s21  }
0x15: {  	s21 =	simm.s32 $0x3900;
	s24 =	simm.s32 $0x658;
	s25 =	simm.s32 $0x690  }
0x16: {  	s26 =	simm.s32 $0x6C8;
	s7 =	sadd.s32 s3, s0;
	s1 =	sadd.s32 s5, s1  }
0x17: {  	s3 =	sadd.s32 $0xA00, s0;
	s23 =	sshrl.u32 s22, $0x1;
	[dreg:$0x19] =	wrdreg s24  }
0x18: {  	s5 =	simm.s32 $0x118;
	[dreg:$0x1a] =	wrdreg s25;
	s24 =	simm.s32 $0x5E80  }
0x19: {  	[dreg:$0x1b] =	wrdreg s26;
	s25 =	simm.s32 $0xA;
	s26 =	simm.s32 $0x460  }
0x1a: {  	s1 =	sadd.s32 s6, s1;
	s0 =	ssub.s32 s22, s23;
	[dreg:$0x7] =	wrdreg s5  }
0x1b: {  	s6 =	sadd.s32 s4, s7;
	s7 =	simm.s32 $0x150;
	[dreg:$0x3] =	wrdreg s1  }
0x1c: {  	s22 =	simm.s32 $0x5B0;
	s23 =	simm.s32 $0x5E8;
	[dreg:$0x8] =	wrdreg s7  }
0x1d: {  	s4 =	simm.s32 $0x8;
	s0 =	smax.u32 s0, $0x1;
	[dreg:$0x17] =	wrdreg s22  }
0x1e: {  	s1 =	sadd.s32 $0x104C4, s6;
	[dreg:$0x18] =	wrdreg s23;
	s22 =	simm.s32 $0x4580  }
0x1f: {  	s23 =	simm.s32 $0x5200;
	s6 =	simm.s32 $0x0;
	[dreg:$0x1c] =	wrdreg s0  }
0x20: {  	[dreg:$0x1d] =	wrdreg s1;
	s0 =	simm.s32 $0x6;
	s1 =	simm.s32 $0x7  }
.LBB2_1:
0x21: {  	s8 =	rddreg [dreg:$0x1d]  }
0x22: {  	s5 =	sadd.s32 $0xFFFFFF3C, s8  }
0x23: {  	[tilespmem:s2], [sflag:$0x1] =	stream.linear.gather [hbm4b:s5+s2], $0xE0, $0x38;
	[tilespmem:$0x6B00] =	vst v63  }
0x24: {  	s7 =	simm.s32 $0xE0;
	s9 =	sadd.s32 $0xFFFFFF58, s8  }
0x25: {  	[tilespmem:s7], [sflag:$0x2] =	stream.linear.gather [hbm4b:s9+s2], $0xE0, $0x38;
	[tilespmem:$0x6B00] =	vst v63  }
0x26: {  	s10 =	sadd.s32 $0xFFFFFF74, s8;
	s9 =	simm.s32 $0x1C0  }
0x27: {  	[tilespmem:s9], [sflag:$0x3] =	stream.linear.gather [hbm4b:s10+s2], $0xE0, $0x38;
	[tilespmem:$0x6B00] =	vst v63  }
0x28: {  	s11 =	sadd.s32 $0xFFFFFF90, s8;
	s10 =	simm.s32 $0x2A0  }
0x29: {  	[tilespmem:s10], [sflag:$0x4] =	stream.linear.gather [hbm4b:s11+s2], $0xE0, $0x38;
	[tilespmem:$0x6B00] =	vst v63  }
0x2a: {  	s12 =	sadd.s32 $0xFFFFFFAC, s8;
	s11 =	simm.s32 $0x380  }
0x2b: {  	[tilespmem:s11], [sflag:$0x5] =	stream.linear.gather [hbm4b:s12+s2], $0xE0, $0x38;
	[tilespmem:$0x6B00] =	vst v63  }
0x2c: {  	s13 =	sadd.s32 $0xFFFFFFC8, s8;
	s12 =	simm.s32 $0x460  }
0x2d: {  	[tilespmem:s12], [sflag:$0x6] =	stream.linear.gather [hbm4b:s13+s2], $0xE0, $0x38;
	[tilespmem:$0x6B00] =	vst v63  }
0x2e: {  	s20 =	sadd.s32 $0xFFFFFFE4, s8;
	s13 =	simm.s32 $0x540  }
0x2f: {  	[tilespmem:s13], [sflag:$0x7] =	stream.linear.gather [hbm4b:s20+s2], $0xE0, $0x38;
	[tilespmem:$0x6B00] =	vst v63  }
0x30: {  	[dreg:$0x1e] =	wrdreg s6;
	s6 =	simm.s32 $0x1;
	s20 =	simm.s32 $0x620  }
0x31: {  	[tilespmem:s20], [sflag:$0x8] =	stream.linear.gather [hbm4b:s8+s2], $0xE0, $0x38;
	[tilespmem:$0x6B00] =	vst v63  }
0x32: {  	_ =	swait.ge [sflag:s6], $0xE0  }
0x33: {  	[sflag:s6] =	ssyncset.done $0x0  }
0x34: {  	[sflag:s6] =	ssyncadd.s32 $0xFFFFFF20  }
0x35: {  	[tilespmem:s15], [sflag:$0x9] =	stream.indirect.gather [hbm4b:s3+s14], $0x40, s2, s14, $0xb8;
	[tilespmem:$0x6B00] =	vst v63  }
0x36: {  	s5 =	rddreg [dreg:$0x4]  }
0x37: {  	[tilespmem:s16], [sflag:$0x9] =	stream.indirect.gather [hbm4b:s3+s14], $0x40, s5, s14, $0xb8;
	[tilespmem:$0x6B00] =	vst v63  }
0x38: {  	s6 =	rddreg [dreg:$0x5]  }
0x39: {  	[tilespmem:s17], [sflag:$0x9] =	stream.indirect.gather [hbm4b:s3+s14], $0x40, s6, s14, $0xb8;
	[tilespmem:$0x6B00] =	vst v63  }
0x3a: {  	s5 =	rddreg [dreg:$0x6]  }
0x3b: {  	[tilespmem:s18], [sflag:$0x9] =	stream.indirect.gather [hbm4b:s3+s14], $0x40, s5, s14, $0xb8;
	[tilespmem:$0x6B00] =	vst v63  }
0x3c: {  	_ =	swait.ge [sflag:s19], $0xC80  }
0x3d: {  	[sflag:s19] =	ssyncset.done $0x0  }
0x3e: {  	[sflag:s19] =	ssyncadd.s32 $0xFFFFF380  }
0x3f: {  	_ =	swait.ge [sflag:s19], $0xC80  }
0x40: {  	[sflag:s19] =	ssyncset.done $0x0  }
0x41: {  	[sflag:s19] =	ssyncadd.s32 $0xFFFFF380  }
0x42: {  	_ =	swait.ge [sflag:s19], $0xC80  }
0x43: {  	[sflag:s19] =	ssyncset.done $0x0  }
0x44: {  	[sflag:s19] =	ssyncadd.s32 $0xFFFFF380  }
0x45: {  	_ =	swait.ge [sflag:s19], $0xC80  }
0x46: {  	s6 =	rddreg [dreg:$0x3];
	[sflag:s19] =	ssyncset.done $0x0  }
0x47: {  	[sflag:s19] =	ssyncadd.s32 $0xFFFFF380;
	s5 =	sadd.s32 $0x0, s6;
	s6 =	simm.s32 $0x2  }
0x48: {  	[hbm4b:s5+s2] =	stream.linear.scatter [tilespmem:s15], [sflag:$0xB], $0x3200, $0x38;
	[tilespmem:$0x6B00] =	vst v63  }
0x49: {  	_ =	swait.ge [sflag:s6], $0xE0  }
0x4a: {  	[sflag:s6] =	ssyncset.done $0x0  }
0x4b: {  	[sflag:s6] =	ssyncadd.s32 $0xFFFFFF20  }
0x4c: {  	[tilespmem:s21], [sflag:$0xA] =	stream.indirect.gather [hbm4b:s3+s14], $0x40, s7, s14, $0xb8;
	[tilespmem:$0x6B00] =	vst v63  }
0x4d: {  	s6 =	rddreg [dreg:$0x7]  }
0x4e: {  	[tilespmem:s22], [sflag:$0xA] =	stream.indirect.gather [hbm4b:s3+s14], $0x40, s6, s14, $0xb8;
	[tilespmem:$0x6B00] =	vst v63  }
0x4f: {  	s7 =	rddreg [dreg:$0x8]  }
0x50: {  	[tilespmem:s23], [sflag:$0xA] =	stream.indirect.gather [hbm4b:s3+s14], $0x40, s7, s14, $0xb8;
	[tilespmem:$0x6B00] =	vst v63  }
0x51: {  	s6 =	rddreg [dreg:$0x9]  }
0x52: {  	[tilespmem:s24], [sflag:$0xA] =	stream.indirect.gather [hbm4b:s3+s14], $0x40, s6, s14, $0xb8;
	[tilespmem:$0x6B00] =	vst v63  }
0x53: {  	_ =	swait.ge [sflag:s25], $0xC80  }
0x54: {  	[sflag:s25] =	ssyncset.done $0x0  }
0x55: {  	[sflag:s25] =	ssyncadd.s32 $0xFFFFF380  }
0x56: {  	_ =	swait.ge [sflag:s25], $0xC80  }
0x57: {  	[sflag:s25] =	ssyncset.done $0x0  }
0x58: {  	[sflag:s25] =	ssyncadd.s32 $0xFFFFF380  }
0x59: {  	_ =	swait.ge [sflag:s25], $0xC80  }
0x5a: {  	[sflag:s25] =	ssyncset.done $0x0  }
0x5b: {  	[sflag:s25] =	ssyncadd.s32 $0xFFFFF380  }
0x5c: {  	_ =	swait.ge [sflag:s25], $0xC80  }
0x5d: {  	[sflag:s25] =	ssyncset.done $0x0  }
0x5e: {  	s7 =	sadd.s32 $0x640, s5;
	[sflag:s25] =	ssyncadd.s32 $0xFFFFF380  }
0x5f: {  	[hbm4b:s7+s2] =	stream.linear.scatter [tilespmem:s21], [sflag:$0xC], $0x3200, $0x38;
	[tilespmem:$0x6B00] =	vst v63  }
0x60: {  	s7 =	simm.s32 $0x3  }
0x61: {  	_ =	swait.ge [sflag:s7], $0xE0  }
0x62: {  	[sflag:s7] =	ssyncset.done $0x0  }
0x63: {  	[sflag:s7] =	ssyncadd.s32 $0xFFFFFF20  }
0x64: {  	_ =	swait.ge [sflag:s28], $0x3200  }
0x65: {  	[sflag:s28] =	ssyncset.done $0x0  }
0x66: {  	[sflag:s28] =	ssyncadd.s32 $0xFFFFCE00  }
0x67: {  	[tilespmem:s15], [sflag:$0x9] =	stream.indirect.gather [hbm4b:s3+s14], $0x40, s9, s14, $0xb8;
	[tilespmem:$0x6B00] =	vst v63  }
0x68: {  	s6 =	rddreg [dreg:$0xa]  }
0x69: {  	[tilespmem:s16], [sflag:$0x9] =	stream.indirect.gather [hbm4b:s3+s14], $0x40, s6, s14, $0xb8;
	[tilespmem:$0x6B00] =	vst v63  }
0x6a: {  	s7 =	rddreg [dreg:$0xb]  }
0x6b: {  	[tilespmem:s17], [sflag:$0x9] =	stream.indirect.gather [hbm4b:s3+s14], $0x40, s7, s14, $0xb8;
	[tilespmem:$0x6B00] =	vst v63  }
0x6c: {  	s9 =	rddreg [dreg:$0xc]  }
0x6d: {  	[tilespmem:s18], [sflag:$0x9] =	stream.indirect.gather [hbm4b:s3+s14], $0x40, s9, s14, $0xb8;
	[tilespmem:$0x6B00] =	vst v63  }
0x6e: {  	_ =	swait.ge [sflag:s19], $0xC80  }
0x6f: {  	[sflag:s19] =	ssyncset.done $0x0  }
0x70: {  	[sflag:s19] =	ssyncadd.s32 $0xFFFFF380  }
0x71: {  	_ =	swait.ge [sflag:s19], $0xC80  }
0x72: {  	[sflag:s19] =	ssyncset.done $0x0  }
0x73: {  	[sflag:s19] =	ssyncadd.s32 $0xFFFFF380  }
0x74: {  	_ =	swait.ge [sflag:s19], $0xC80  }
0x75: {  	[sflag:s19] =	ssyncset.done $0x0  }
0x76: {  	[sflag:s19] =	ssyncadd.s32 $0xFFFFF380  }
0x77: {  	_ =	swait.ge [sflag:s19], $0xC80  }
0x78: {  	[sflag:s19] =	ssyncset.done $0x0  }
0x79: {  	s7 =	simm.s32 $0x4;
	s9 =	sadd.s32 $0xC80, s5;
	[sflag:s19] =	ssyncadd.s32 $0xFFFFF380  }
0x7a: {  	[hbm4b:s9+s2] =	stream.linear.scatter [tilespmem:s15], [sflag:$0xB], $0x3200, $0x38;
	[tilespmem:$0x6B00] =	vst v63  }
0x7b: {  	_ =	swait.ge [sflag:s7], $0xE0  }
0x7c: {  	[sflag:s7] =	ssyncset.done $0x0  }
0x7d: {  	[sflag:s7] =	ssyncadd.s32 $0xFFFFFF20  }
0x7e: {  	_ =	swait.ge [sflag:s30], $0x3200  }
0x7f: {  	[sflag:s30] =	ssyncset.done $0x0  }
0x80: {  	[sflag:s30] =	ssyncadd.s32 $0xFFFFCE00  }
0x81: {  	[tilespmem:s21], [sflag:$0xA] =	stream.indirect.gather [hbm4b:s3+s14], $0x40, s10, s14, $0xb8;
	[tilespmem:$0x6B00] =	vst v63  }
0x82: {  	s9 =	rddreg [dreg:$0xd]  }
0x83: {  	[tilespmem:s22], [sflag:$0xA] =	stream.indirect.gather [hbm4b:s3+s14], $0x40, s9, s14, $0xb8;
	[tilespmem:$0x6B00] =	vst v63  }
0x84: {  	s10 =	rddreg [dreg:$0xe]  }
0x85: {  	[tilespmem:s23], [sflag:$0xA] =	stream.indirect.gather [hbm4b:s3+s14], $0x40, s10, s14, $0xb8;
	[tilespmem:$0x6B00] =	vst v63  }
0x86: {  	s9 =	rddreg [dreg:$0xf]  }
0x87: {  	[tilespmem:s24], [sflag:$0xA] =	stream.indirect.gather [hbm4b:s3+s14], $0x40, s9, s14, $0xb8;
	[tilespmem:$0x6B00] =	vst v63  }
0x88: {  	_ =	swait.ge [sflag:s25], $0xC80  }
0x89: {  	[sflag:s25] =	ssyncset.done $0x0  }
0x8a: {  	[sflag:s25] =	ssyncadd.s32 $0xFFFFF380  }
0x8b: {  	_ =	swait.ge [sflag:s25], $0xC80  }
0x8c: {  	[sflag:s25] =	ssyncset.done $0x0  }
0x8d: {  	[sflag:s25] =	ssyncadd.s32 $0xFFFFF380  }
0x8e: {  	_ =	swait.ge [sflag:s25], $0xC80  }
0x8f: {  	[sflag:s25] =	ssyncset.done $0x0  }
0x90: {  	[sflag:s25] =	ssyncadd.s32 $0xFFFFF380  }
0x91: {  	_ =	swait.ge [sflag:s25], $0xC80  }
0x92: {  	[sflag:s25] =	ssyncset.done $0x0  }
0x93: {  	s7 =	simm.s32 $0x5;
	s10 =	sadd.s32 $0x12C0, s5;
	[sflag:s25] =	ssyncadd.s32 $0xFFFFF380  }
0x94: {  	[hbm4b:s10+s2] =	stream.linear.scatter [tilespmem:s21], [sflag:$0xC], $0x3200, $0x38;
	[tilespmem:$0x6B00] =	vst v63  }
0x95: {  	_ =	swait.ge [sflag:s7], $0xE0  }
0x96: {  	[sflag:s7] =	ssyncset.done $0x0  }
0x97: {  	[sflag:s7] =	ssyncadd.s32 $0xFFFFFF20  }
0x98: {  	_ =	swait.ge [sflag:s28], $0x3200  }
0x99: {  	[sflag:s28] =	ssyncset.done $0x0  }
0x9a: {  	[sflag:s28] =	ssyncadd.s32 $0xFFFFCE00  }
0x9b: {  	[tilespmem:s15], [sflag:$0x9] =	stream.indirect.gather [hbm4b:s3+s14], $0x40, s11, s14, $0xb8;
	[tilespmem:$0x6B00] =	vst v63  }
0x9c: {  	s9 =	rddreg [dreg:$0x10]  }
0x9d: {  	[tilespmem:s16], [sflag:$0x9] =	stream.indirect.gather [hbm4b:s3+s14], $0x40, s9, s14, $0xb8;
	[tilespmem:$0x6B00] =	vst v63  }
0x9e: {  	s10 =	rddreg [dreg:$0x11]  }
0x9f: {  	[tilespmem:s17], [sflag:$0x9] =	stream.indirect.gather [hbm4b:s3+s14], $0x40, s10, s14, $0xb8;
	[tilespmem:$0x6B00] =	vst v63  }
0xa0: {  	s11 =	rddreg [dreg:$0x12]  }
0xa1: {  	[tilespmem:s18], [sflag:$0x9] =	stream.indirect.gather [hbm4b:s3+s14], $0x40, s11, s14, $0xb8;
	[tilespmem:$0x6B00] =	vst v63  }
0xa2: {  	_ =	swait.ge [sflag:s19], $0xC80  }
0xa3: {  	[sflag:s19] =	ssyncset.done $0x0  }
0xa4: {  	[sflag:s19] =	ssyncadd.s32 $0xFFFFF380  }
0xa5: {  	_ =	swait.ge [sflag:s19], $0xC80  }
0xa6: {  	[sflag:s19] =	ssyncset.done $0x0  }
0xa7: {  	[sflag:s19] =	ssyncadd.s32 $0xFFFFF380  }
0xa8: {  	_ =	swait.ge [sflag:s19], $0xC80  }
0xa9: {  	[sflag:s19] =	ssyncset.done $0x0  }
0xaa: {  	[sflag:s19] =	ssyncadd.s32 $0xFFFFF380  }
0xab: {  	_ =	swait.ge [sflag:s19], $0xC80  }
0xac: {  	[sflag:s19] =	ssyncset.done $0x0  }
0xad: {  	s7 =	sadd.s32 $0x1900, s5;
	[sflag:s19] =	ssyncadd.s32 $0xFFFFF380  }
0xae: {  	[hbm4b:s7+s2] =	stream.linear.scatter [tilespmem:s15], [sflag:$0xB], $0x3200, $0x38;
	[tilespmem:$0x6B00] =	vst v63  }
0xaf: {  	_ =	swait.ge [sflag:s0], $0xE0  }
0xb0: {  	[sflag:s0] =	ssyncset.done $0x0  }
0xb1: {  	[sflag:s0] =	ssyncadd.s32 $0xFFFFFF20  }
0xb2: {  	_ =	swait.ge [sflag:s30], $0x3200  }
0xb3: {  	[sflag:s30] =	ssyncset.done $0x0  }
0xb4: {  	[sflag:s30] =	ssyncadd.s32 $0xFFFFCE00  }
0xb5: {  	[tilespmem:s21], [sflag:$0xA] =	stream.indirect.gather [hbm4b:s3+s14], $0x40, s12, s14, $0xb8;
	[tilespmem:$0x6B00] =	vst v63  }
0xb6: {  	s9 =	rddreg [dreg:$0x13]  }
0xb7: {  	[tilespmem:s22], [sflag:$0xA] =	stream.indirect.gather [hbm4b:s3+s14], $0x40, s9, s14, $0xb8;
	[tilespmem:$0x6B00] =	vst v63  }
0xb8: {  	s10 =	rddreg [dreg:$0x14]  }
0xb9: {  	[tilespmem:s23], [sflag:$0xA] =	stream.indirect.gather [hbm4b:s3+s14], $0x40, s10, s14, $0xb8;
	[tilespmem:$0x6B00] =	vst v63  }
0xba: {  	s11 =	rddreg [dreg:$0x15]  }
0xbb: {  	[tilespmem:s24], [sflag:$0xA] =	stream.indirect.gather [hbm4b:s3+s14], $0x40, s11, s14, $0xb8;
	[tilespmem:$0x6B00] =	vst v63  }
0xbc: {  	_ =	swait.ge [sflag:s25], $0xC80  }
0xbd: {  	[sflag:s25] =	ssyncset.done $0x0  }
0xbe: {  	[sflag:s25] =	ssyncadd.s32 $0xFFFFF380  }
0xbf: {  	_ =	swait.ge [sflag:s25], $0xC80  }
0xc0: {  	[sflag:s25] =	ssyncset.done $0x0  }
0xc1: {  	[sflag:s25] =	ssyncadd.s32 $0xFFFFF380  }
0xc2: {  	_ =	swait.ge [sflag:s25], $0xC80  }
0xc3: {  	[sflag:s25] =	ssyncset.done $0x0  }
0xc4: {  	[sflag:s25] =	ssyncadd.s32 $0xFFFFF380  }
0xc5: {  	_ =	swait.ge [sflag:s25], $0xC80  }
0xc6: {  	[sflag:s25] =	ssyncset.done $0x0  }
0xc7: {  	s12 =	sadd.s32 $0x1F40, s5;
	[sflag:s25] =	ssyncadd.s32 $0xFFFFF380  }
0xc8: {  	[hbm4b:s12+s2] =	stream.linear.scatter [tilespmem:s21], [sflag:$0xC], $0x3200, $0x38;
	[tilespmem:$0x6B00] =	vst v63  }
0xc9: {  	_ =	swait.ge [sflag:s1], $0xE0  }
0xca: {  	[sflag:s1] =	ssyncset.done $0x0  }
0xcb: {  	[sflag:s1] =	ssyncadd.s32 $0xFFFFFF20  }
0xcc: {  	_ =	swait.ge [sflag:s28], $0x3200  }
0xcd: {  	[sflag:s28] =	ssyncset.done $0x0  }
0xce: {  	[sflag:s28] =	ssyncadd.s32 $0xFFFFCE00  }
0xcf: {  	[tilespmem:s15], [sflag:$0x9] =	stream.indirect.gather [hbm4b:s3+s14], $0x40, s13, s14, $0xb8;
	[tilespmem:$0x6B00] =	vst v63  }
0xd0: {  	s7 =	rddreg [dreg:$0x16]  }
0xd1: {  	[tilespmem:s16], [sflag:$0x9] =	stream.indirect.gather [hbm4b:s3+s14], $0x40, s7, s14, $0xb8;
	[tilespmem:$0x6B00] =	vst v63  }
0xd2: {  	s9 =	rddreg [dreg:$0x17]  }
0xd3: {  	[tilespmem:s17], [sflag:$0x9] =	stream.indirect.gather [hbm4b:s3+s14], $0x40, s9, s14, $0xb8;
	[tilespmem:$0x6B00] =	vst v63  }
0xd4: {  	s10 =	rddreg [dreg:$0x18]  }
0xd5: {  	[tilespmem:s18], [sflag:$0x9] =	stream.indirect.gather [hbm4b:s3+s14], $0x40, s10, s14, $0xb8;
	[tilespmem:$0x6B00] =	vst v63  }
0xd6: {  	_ =	swait.ge [sflag:s19], $0xC80  }
0xd7: {  	[sflag:s19] =	ssyncset.done $0x0  }
0xd8: {  	[sflag:s19] =	ssyncadd.s32 $0xFFFFF380  }
0xd9: {  	_ =	swait.ge [sflag:s19], $0xC80  }
0xda: {  	[sflag:s19] =	ssyncset.done $0x0  }
0xdb: {  	[sflag:s19] =	ssyncadd.s32 $0xFFFFF380  }
0xdc: {  	_ =	swait.ge [sflag:s19], $0xC80  }
0xdd: {  	[sflag:s19] =	ssyncset.done $0x0  }
0xde: {  	[sflag:s19] =	ssyncadd.s32 $0xFFFFF380  }
0xdf: {  	_ =	swait.ge [sflag:s19], $0xC80  }
0xe0: {  	[sflag:s19] =	ssyncset.done $0x0  }
0xe1: {  	s11 =	sadd.s32 $0x2580, s5;
	[sflag:s19] =	ssyncadd.s32 $0xFFFFF380  }
0xe2: {  	[hbm4b:s11+s2] =	stream.linear.scatter [tilespmem:s15], [sflag:$0xB], $0x3200, $0x38;
	[tilespmem:$0x6B00] =	vst v63  }
0xe3: {  	_ =	swait.ge [sflag:s4], $0xE0  }
0xe4: {  	[sflag:s4] =	ssyncset.done $0x0  }
0xe5: {  	[sflag:s4] =	ssyncadd.s32 $0xFFFFFF20  }
0xe6: {  	_ =	swait.ge [sflag:s30], $0x3200  }
0xe7: {  	[sflag:s30] =	ssyncset.done $0x0  }
0xe8: {  	[sflag:s30] =	ssyncadd.s32 $0xFFFFCE00  }
0xe9: {  	[tilespmem:s21], [sflag:$0xA] =	stream.indirect.gather [hbm4b:s3+s14], $0x40, s20, s14, $0xb8;
	[tilespmem:$0x6B00] =	vst v63  }
0xea: {  	s12 =	rddreg [dreg:$0x19]  }
0xeb: {  	[tilespmem:s22], [sflag:$0xA] =	stream.indirect.gather [hbm4b:s3+s14], $0x40, s12, s14, $0xb8;
	[tilespmem:$0x6B00] =	vst v63  }
0xec: {  	s13 =	rddreg [dreg:$0x1a]  }
0xed: {  	[tilespmem:s23], [sflag:$0xA] =	stream.indirect.gather [hbm4b:s3+s14], $0x40, s13, s14, $0xb8;
	[tilespmem:$0x6B00] =	vst v63  }
0xee: {  	s20 =	rddreg [dreg:$0x1b]  }
0xef: {  	[tilespmem:s24], [sflag:$0xA] =	stream.indirect.gather [hbm4b:s3+s14], $0x40, s20, s14, $0xb8;
	[tilespmem:$0x6B00] =	vst v63  }
0xf0: {  	_ =	swait.ge [sflag:s25], $0xC80  }
0xf1: {  	[sflag:s25] =	ssyncset.done $0x0  }
0xf2: {  	[sflag:s25] =	ssyncadd.s32 $0xFFFFF380  }
0xf3: {  	_ =	swait.ge [sflag:s25], $0xC80  }
0xf4: {  	[sflag:s25] =	ssyncset.done $0x0  }
0xf5: {  	[sflag:s25] =	ssyncadd.s32 $0xFFFFF380  }
0xf6: {  	_ =	swait.ge [sflag:s25], $0xC80  }
0xf7: {  	[sflag:s25] =	ssyncset.done $0x0  }
0xf8: {  	[sflag:s25] =	ssyncadd.s32 $0xFFFFF380  }
0xf9: {  	_ =	swait.ge [sflag:s25], $0xC80  }
0xfa: {  	[sflag:s25] =	ssyncset.done $0x0  }
0xfb: {  	s5 =	sadd.s32 $0x2BC0, s5;
	[sflag:s25] =	ssyncadd.s32 $0xFFFFF380  }
0xfc: {  	[hbm4b:s5+s2] =	stream.linear.scatter [tilespmem:s21], [sflag:$0xC], $0x3200, $0x38;
	[tilespmem:$0x6B00] =	vst v63  }
0xfd: {  	_ =	swait.ge [sflag:s28], $0x3200  }
0xfe: {  	[sflag:s28] =	ssyncset.done $0x0  }
0xff: {  	[sflag:s28] =	ssyncadd.s32 $0xFFFFCE00  }
0x100: {  	s6 =	sadd.s32 $0xE0, s8;
	_ =	swait.ge [sflag:s30], $0x3200  }
0x101: {  	s7 =	simm.s32 $0x6400;
	s5 =	simm.s32 $0x3200;
	[sflag:s30] =	ssyncset.done $0x0  }
.LBB2_2:
0x102: {  	s8 =	sadd.s32 $0xFFFFFF3C, s6;
	[sflag:s30] =	ssyncadd.s32 $0xFFFFCE00  }
0x103: {  	[tilespmem:s2], [sflag:$0x1] =	stream.linear.gather [hbm4b:s8+s2], $0xE0, $0x38;
	[tilespmem:$0x6B00] =	vst v63  }
0x104: {  	s12 =	sadd.s32 $0xFFFFFF58, s6;
	s11 =	simm.s32 $0xE0  }
0x105: {  	[tilespmem:s11], [sflag:$0x2] =	stream.linear.gather [hbm4b:s12+s2], $0xE0, $0x38;
	[tilespmem:$0x6B00] =	vst v63  }
0x106: {  	s13 =	sadd.s32 $0xFFFFFF74, s6;
	s12 =	simm.s32 $0x1C0  }
0x107: {  	[tilespmem:s12], [sflag:$0x3] =	stream.linear.gather [hbm4b:s13+s2], $0xE0, $0x38;
	[tilespmem:$0x6B00] =	vst v63  }
0x108: {  	s20 =	sadd.s32 $0xFFFFFF90, s6;
	s13 =	simm.s32 $0x2A0  }
0x109: {  	[tilespmem:s13], [sflag:$0x4] =	stream.linear.gather [hbm4b:s20+s2], $0xE0, $0x38;
	[tilespmem:$0x6B00] =	vst v63  }
0x10a: {  	s10 =	sadd.s32 $0xFFFFFFAC, s6;
	s20 =	simm.s32 $0x380  }
0x10b: {  	[tilespmem:s20], [sflag:$0x5] =	stream.linear.gather [hbm4b:s10+s2], $0xE0, $0x38;
	[tilespmem:$0x6B00] =	vst v63  }
0x10c: {  	s10 =	sadd.s32 $0xFFFFFFC8, s6  }
0x10d: {  	[tilespmem:s26], [sflag:$0x6] =	stream.linear.gather [hbm4b:s10+s2], $0xE0, $0x38;
	[tilespmem:$0x6B00] =	vst v63  }
0x10e: {  	s10 =	sadd.s32 $0xFFFFFFE4, s6  }
0x10f: {  	[tilespmem:s29], [sflag:$0x7] =	stream.linear.gather [hbm4b:s10+s2], $0xE0, $0x38;
	[tilespmem:$0x6B00] =	vst v63  }
0x110: {  	s10 =	simm.s32 $0x1  }
0x111: {  	[tilespmem:s31], [sflag:$0x8] =	stream.linear.gather [hbm4b:s6+s2], $0xE0, $0x38;
	[tilespmem:$0x6B00] =	vst v63  }
0x112: {  	_ =	swait.ge [sflag:s10], $0xE0  }
0x113: {  	[sflag:s10] =	ssyncset.done $0x0  }
0x114: {  	[sflag:s10] =	ssyncadd.s32 $0xFFFFFF20  }
0x115: {  	[tilespmem:s15], [sflag:$0x9] =	stream.indirect.gather [hbm4b:s3+s14], $0x40, s2, s14, $0xb8;
	[tilespmem:$0x6B00] =	vst v63  }
0x116: {  	s8 =	rddreg [dreg:$0x4]  }
0x117: {  	[tilespmem:s16], [sflag:$0x9] =	stream.indirect.gather [hbm4b:s3+s14], $0x40, s8, s14, $0xb8;
	[tilespmem:$0x6B00] =	vst v63  }
0x118: {  	s10 =	rddreg [dreg:$0x5]  }
0x119: {  	[tilespmem:s17], [sflag:$0x9] =	stream.indirect.gather [hbm4b:s3+s14], $0x40, s10, s14, $0xb8;
	[tilespmem:$0x6B00] =	vst v63  }
0x11a: {  	s8 =	rddreg [dreg:$0x6]  }
0x11b: {  	[tilespmem:s18], [sflag:$0x9] =	stream.indirect.gather [hbm4b:s3+s14], $0x40, s8, s14, $0xb8;
	[tilespmem:$0x6B00] =	vst v63  }
0x11c: {  	_ =	swait.ge [sflag:s19], $0xC80  }
0x11d: {  	[sflag:s19] =	ssyncset.done $0x0  }
0x11e: {  	[sflag:s19] =	ssyncadd.s32 $0xFFFFF380  }
0x11f: {  	_ =	swait.ge [sflag:s19], $0xC80  }
0x120: {  	[sflag:s19] =	ssyncset.done $0x0  }
0x121: {  	[sflag:s19] =	ssyncadd.s32 $0xFFFFF380  }
0x122: {  	_ =	swait.ge [sflag:s19], $0xC80  }
0x123: {  	[sflag:s19] =	ssyncset.done $0x0  }
0x124: {  	[sflag:s19] =	ssyncadd.s32 $0xFFFFF380  }
0x125: {  	_ =	swait.ge [sflag:s19], $0xC80  }
0x126: {  	s10 =	rddreg [dreg:$0x3];
	[sflag:s19] =	ssyncset.done $0x0  }
0x127: {  	[sflag:s19] =	ssyncadd.s32 $0xFFFFF380;
	s8 =	sadd.s32 s5, s10;
	s10 =	simm.s32 $0x2  }
0x128: {  	[hbm4b:s8+s2] =	stream.linear.scatter [tilespmem:s15], [sflag:$0xB], $0x3200, $0x38;
	[tilespmem:$0x6B00] =	vst v63  }
0x129: {  	_ =	swait.ge [sflag:s10], $0xE0  }
0x12a: {  	[sflag:s10] =	ssyncset.done $0x0  }
0x12b: {  	s9 =	smov.u32 s7;
	[sflag:s10] =	ssyncadd.s32 $0xFFFFFF20  }
0x12c: {  	[tilespmem:s21], [sflag:$0xA] =	stream.indirect.gather [hbm4b:s3+s14], $0x40, s11, s14, $0xb8;
	[tilespmem:$0x6B00] =	vst v63  }
0x12d: {  	s5 =	smov.u32 s9;
	s9 =	rddreg [dreg:$0x7]  }
0x12e: {  	[tilespmem:s22], [sflag:$0xA] =	stream.indirect.gather [hbm4b:s3+s14], $0x40, s9, s14, $0xb8;
	[tilespmem:$0x6B00] =	vst v63  }
0x12f: {  	s10 =	rddreg [dreg:$0x8]  }
0x130: {  	[tilespmem:s23], [sflag:$0xA] =	stream.indirect.gather [hbm4b:s3+s14], $0x40, s10, s14, $0xb8;
	[tilespmem:$0x6B00] =	vst v63  }
0x131: {  	s11 =	rddreg [dreg:$0x9]  }
0x132: {  	[tilespmem:s24], [sflag:$0xA] =	stream.indirect.gather [hbm4b:s3+s14], $0x40, s11, s14, $0xb8;
	[tilespmem:$0x6B00] =	vst v63  }
0x133: {  	_ =	swait.ge [sflag:s25], $0xC80  }
0x134: {  	[sflag:s25] =	ssyncset.done $0x0  }
0x135: {  	[sflag:s25] =	ssyncadd.s32 $0xFFFFF380  }
0x136: {  	_ =	swait.ge [sflag:s25], $0xC80  }
0x137: {  	[sflag:s25] =	ssyncset.done $0x0  }
0x138: {  	[sflag:s25] =	ssyncadd.s32 $0xFFFFF380  }
0x139: {  	_ =	swait.ge [sflag:s25], $0xC80  }
0x13a: {  	[sflag:s25] =	ssyncset.done $0x0  }
0x13b: {  	[sflag:s25] =	ssyncadd.s32 $0xFFFFF380  }
0x13c: {  	_ =	swait.ge [sflag:s25], $0xC80  }
0x13d: {  	[sflag:s25] =	ssyncset.done $0x0  }
0x13e: {  	s10 =	simm.s32 $0x3;
	s11 =	sadd.s32 $0x640, s8;
	[sflag:s25] =	ssyncadd.s32 $0xFFFFF380  }
0x13f: {  	[hbm4b:s11+s2] =	stream.linear.scatter [tilespmem:s21], [sflag:$0xC], $0x3200, $0x38;
	[tilespmem:$0x6B00] =	vst v63  }
0x140: {  	_ =	swait.ge [sflag:s10], $0xE0  }
0x141: {  	[sflag:s10] =	ssyncset.done $0x0  }
0x142: {  	[sflag:s10] =	ssyncadd.s32 $0xFFFFFF20  }
0x143: {  	_ =	swait.ge [sflag:s28], $0x3200  }
0x144: {  	[sflag:s28] =	ssyncset.done $0x0  }
0x145: {  	[sflag:s28] =	ssyncadd.s32 $0xFFFFCE00  }
0x146: {  	[tilespmem:s15], [sflag:$0x9] =	stream.indirect.gather [hbm4b:s3+s14], $0x40, s12, s14, $0xb8;
	[tilespmem:$0x6B00] =	vst v63  }
0x147: {  	s11 =	rddreg [dreg:$0xa]  }
0x148: {  	[tilespmem:s16], [sflag:$0x9] =	stream.indirect.gather [hbm4b:s3+s14], $0x40, s11, s14, $0xb8;
	[tilespmem:$0x6B00] =	vst v63  }
0x149: {  	s12 =	rddreg [dreg:$0xb]  }
0x14a: {  	[tilespmem:s17], [sflag:$0x9] =	stream.indirect.gather [hbm4b:s3+s14], $0x40, s12, s14, $0xb8;
	[tilespmem:$0x6B00] =	vst v63  }
0x14b: {  	s11 =	rddreg [dreg:$0xc]  }
0x14c: {  	[tilespmem:s18], [sflag:$0x9] =	stream.indirect.gather [hbm4b:s3+s14], $0x40, s11, s14, $0xb8;
	[tilespmem:$0x6B00] =	vst v63  }
0x14d: {  	_ =	swait.ge [sflag:s19], $0xC80  }
0x14e: {  	[sflag:s19] =	ssyncset.done $0x0  }
0x14f: {  	[sflag:s19] =	ssyncadd.s32 $0xFFFFF380  }
0x150: {  	_ =	swait.ge [sflag:s19], $0xC80  }
0x151: {  	[sflag:s19] =	ssyncset.done $0x0  }
0x152: {  	[sflag:s19] =	ssyncadd.s32 $0xFFFFF380  }
0x153: {  	_ =	swait.ge [sflag:s19], $0xC80  }
0x154: {  	[sflag:s19] =	ssyncset.done $0x0  }
0x155: {  	[sflag:s19] =	ssyncadd.s32 $0xFFFFF380  }
0x156: {  	_ =	swait.ge [sflag:s19], $0xC80  }
0x157: {  	[sflag:s19] =	ssyncset.done $0x0  }
0x158: {  	s10 =	simm.s32 $0x4;
	s12 =	sadd.s32 $0xC80, s8;
	[sflag:s19] =	ssyncadd.s32 $0xFFFFF380  }
0x159: {  	[hbm4b:s12+s2] =	stream.linear.scatter [tilespmem:s15], [sflag:$0xB], $0x3200, $0x38;
	[tilespmem:$0x6B00] =	vst v63  }
0x15a: {  	_ =	swait.ge [sflag:s10], $0xE0  }
0x15b: {  	[sflag:s10] =	ssyncset.done $0x0  }
0x15c: {  	[sflag:s10] =	ssyncadd.s32 $0xFFFFFF20  }
0x15d: {  	_ =	swait.ge [sflag:s30], $0x3200  }
0x15e: {  	[sflag:s30] =	ssyncset.done $0x0  }
0x15f: {  	[sflag:s30] =	ssyncadd.s32 $0xFFFFCE00  }
0x160: {  	[tilespmem:s21], [sflag:$0xA] =	stream.indirect.gather [hbm4b:s3+s14], $0x40, s13, s14, $0xb8;
	[tilespmem:$0x6B00] =	vst v63  }
0x161: {  	s11 =	rddreg [dreg:$0xd]  }
0x162: {  	[tilespmem:s22], [sflag:$0xA] =	stream.indirect.gather [hbm4b:s3+s14], $0x40, s11, s14, $0xb8;
	[tilespmem:$0x6B00] =	vst v63  }
0x163: {  	s12 =	rddreg [dreg:$0xe]  }
0x164: {  	[tilespmem:s23], [sflag:$0xA] =	stream.indirect.gather [hbm4b:s3+s14], $0x40, s12, s14, $0xb8;
	[tilespmem:$0x6B00] =	vst v63  }
0x165: {  	s13 =	rddreg [dreg:$0xf]  }
0x166: {  	[tilespmem:s24], [sflag:$0xA] =	stream.indirect.gather [hbm4b:s3+s14], $0x40, s13, s14, $0xb8;
	[tilespmem:$0x6B00] =	vst v63  }
0x167: {  	_ =	swait.ge [sflag:s25], $0xC80  }
0x168: {  	[sflag:s25] =	ssyncset.done $0x0  }
0x169: {  	[sflag:s25] =	ssyncadd.s32 $0xFFFFF380  }
0x16a: {  	_ =	swait.ge [sflag:s25], $0xC80  }
0x16b: {  	[sflag:s25] =	ssyncset.done $0x0  }
0x16c: {  	[sflag:s25] =	ssyncadd.s32 $0xFFFFF380  }
0x16d: {  	_ =	swait.ge [sflag:s25], $0xC80  }
0x16e: {  	[sflag:s25] =	ssyncset.done $0x0  }
0x16f: {  	[sflag:s25] =	ssyncadd.s32 $0xFFFFF380  }
0x170: {  	_ =	swait.ge [sflag:s25], $0xC80  }
0x171: {  	[sflag:s25] =	ssyncset.done $0x0  }
0x172: {  	s10 =	sadd.s32 $0x12C0, s8;
	s11 =	simm.s32 $0x5;
	[sflag:s25] =	ssyncadd.s32 $0xFFFFF380  }
0x173: {  	[hbm4b:s10+s2] =	stream.linear.scatter [tilespmem:s21], [sflag:$0xC], $0x3200, $0x38;
	[tilespmem:$0x6B00] =	vst v63  }
0x174: {  	_ =	swait.ge [sflag:s11], $0xE0  }
0x175: {  	[sflag:s11] =	ssyncset.done $0x0  }
0x176: {  	[sflag:s11] =	ssyncadd.s32 $0xFFFFFF20  }
0x177: {  	_ =	swait.ge [sflag:s28], $0x3200  }
0x178: {  	[sflag:s28] =	ssyncset.done $0x0  }
0x179: {  	[sflag:s28] =	ssyncadd.s32 $0xFFFFCE00  }
0x17a: {  	[tilespmem:s15], [sflag:$0x9] =	stream.indirect.gather [hbm4b:s3+s14], $0x40, s20, s14, $0xb8;
	[tilespmem:$0x6B00] =	vst v63  }
0x17b: {  	s12 =	rddreg [dreg:$0x10]  }
0x17c: {  	[tilespmem:s16], [sflag:$0x9] =	stream.indirect.gather [hbm4b:s3+s14], $0x40, s12, s14, $0xb8;
	[tilespmem:$0x6B00] =	vst v63  }
0x17d: {  	s13 =	rddreg [dreg:$0x11]  }
0x17e: {  	[tilespmem:s17], [sflag:$0x9] =	stream.indirect.gather [hbm4b:s3+s14], $0x40, s13, s14, $0xb8;
	[tilespmem:$0x6B00] =	vst v63  }
0x17f: {  	s20 =	rddreg [dreg:$0x12]  }
0x180: {  	[tilespmem:s18], [sflag:$0x9] =	stream.indirect.gather [hbm4b:s3+s14], $0x40, s20, s14, $0xb8;
	[tilespmem:$0x6B00] =	vst v63  }
0x181: {  	_ =	swait.ge [sflag:s19], $0xC80  }
0x182: {  	[sflag:s19] =	ssyncset.done $0x0  }
0x183: {  	[sflag:s19] =	ssyncadd.s32 $0xFFFFF380  }
0x184: {  	_ =	swait.ge [sflag:s19], $0xC80  }
0x185: {  	[sflag:s19] =	ssyncset.done $0x0  }
0x186: {  	[sflag:s19] =	ssyncadd.s32 $0xFFFFF380  }
0x187: {  	_ =	swait.ge [sflag:s19], $0xC80  }
0x188: {  	[sflag:s19] =	ssyncset.done $0x0  }
0x189: {  	[sflag:s19] =	ssyncadd.s32 $0xFFFFF380  }
0x18a: {  	_ =	swait.ge [sflag:s19], $0xC80  }
0x18b: {  	[sflag:s19] =	ssyncset.done $0x0  }
0x18c: {  	s11 =	sadd.s32 $0x1900, s8;
	[sflag:s19] =	ssyncadd.s32 $0xFFFFF380  }
0x18d: {  	[hbm4b:s11+s2] =	stream.linear.scatter [tilespmem:s15], [sflag:$0xB], $0x3200, $0x38;
	[tilespmem:$0x6B00] =	vst v63  }
0x18e: {  	_ =	swait.ge [sflag:s0], $0xE0  }
0x18f: {  	[sflag:s0] =	ssyncset.done $0x0  }
0x190: {  	[sflag:s0] =	ssyncadd.s32 $0xFFFFFF20  }
0x191: {  	_ =	swait.ge [sflag:s30], $0x3200  }
0x192: {  	[sflag:s30] =	ssyncset.done $0x0  }
0x193: {  	[sflag:s30] =	ssyncadd.s32 $0xFFFFCE00  }
0x194: {  	[tilespmem:s21], [sflag:$0xA] =	stream.indirect.gather [hbm4b:s3+s14], $0x40, s26, s14, $0xb8;
	[tilespmem:$0x6B00] =	vst v63  }
0x195: {  	s12 =	rddreg [dreg:$0x13]  }
0x196: {  	[tilespmem:s22], [sflag:$0xA] =	stream.indirect.gather [hbm4b:s3+s14], $0x40, s12, s14, $0xb8;
	[tilespmem:$0x6B00] =	vst v63  }
0x197: {  	s13 =	rddreg [dreg:$0x14]  }
0x198: {  	[tilespmem:s23], [sflag:$0xA] =	stream.indirect.gather [hbm4b:s3+s14], $0x40, s13, s14, $0xb8;
	[tilespmem:$0x6B00] =	vst v63  }
0x199: {  	s20 =	rddreg [dreg:$0x15]  }
0x19a: {  	[tilespmem:s24], [sflag:$0xA] =	stream.indirect.gather [hbm4b:s3+s14], $0x40, s20, s14, $0xb8;
	[tilespmem:$0x6B00] =	vst v63  }
0x19b: {  	_ =	swait.ge [sflag:s25], $0xC80  }
0x19c: {  	[sflag:s25] =	ssyncset.done $0x0  }
0x19d: {  	[sflag:s25] =	ssyncadd.s32 $0xFFFFF380  }
0x19e: {  	_ =	swait.ge [sflag:s25], $0xC80  }
0x19f: {  	[sflag:s25] =	ssyncset.done $0x0  }
0x1a0: {  	[sflag:s25] =	ssyncadd.s32 $0xFFFFF380  }
0x1a1: {  	_ =	swait.ge [sflag:s25], $0xC80  }
0x1a2: {  	[sflag:s25] =	ssyncset.done $0x0  }
0x1a3: {  	[sflag:s25] =	ssyncadd.s32 $0xFFFFF380  }
0x1a4: {  	_ =	swait.ge [sflag:s25], $0xC80  }
0x1a5: {  	[sflag:s25] =	ssyncset.done $0x0  }
0x1a6: {  	s11 =	sadd.s32 $0x1F40, s8;
	[sflag:s25] =	ssyncadd.s32 $0xFFFFF380  }
0x1a7: {  	[hbm4b:s11+s2] =	stream.linear.scatter [tilespmem:s21], [sflag:$0xC], $0x3200, $0x38;
	[tilespmem:$0x6B00] =	vst v63  }
0x1a8: {  	_ =	swait.ge [sflag:s1], $0xE0  }
0x1a9: {  	[sflag:s1] =	ssyncset.done $0x0  }
0x1aa: {  	[sflag:s1] =	ssyncadd.s32 $0xFFFFFF20  }
0x1ab: {  	_ =	swait.ge [sflag:s28], $0x3200  }
0x1ac: {  	[sflag:s28] =	ssyncset.done $0x0  }
0x1ad: {  	[sflag:s28] =	ssyncadd.s32 $0xFFFFCE00  }
0x1ae: {  	[tilespmem:s15], [sflag:$0x9] =	stream.indirect.gather [hbm4b:s3+s14], $0x40, s29, s14, $0xb8;
	[tilespmem:$0x6B00] =	vst v63  }
0x1af: {  	s12 =	rddreg [dreg:$0x16]  }
0x1b0: {  	[tilespmem:s16], [sflag:$0x9] =	stream.indirect.gather [hbm4b:s3+s14], $0x40, s12, s14, $0xb8;
	[tilespmem:$0x6B00] =	vst v63  }
0x1b1: {  	s13 =	rddreg [dreg:$0x17]  }
0x1b2: {  	[tilespmem:s17], [sflag:$0x9] =	stream.indirect.gather [hbm4b:s3+s14], $0x40, s13, s14, $0xb8;
	[tilespmem:$0x6B00] =	vst v63  }
0x1b3: {  	s20 =	rddreg [dreg:$0x18]  }
0x1b4: {  	[tilespmem:s18], [sflag:$0x9] =	stream.indirect.gather [hbm4b:s3+s14], $0x40, s20, s14, $0xb8;
	[tilespmem:$0x6B00] =	vst v63  }
0x1b5: {  	_ =	swait.ge [sflag:s19], $0xC80  }
0x1b6: {  	[sflag:s19] =	ssyncset.done $0x0  }
0x1b7: {  	[sflag:s19] =	ssyncadd.s32 $0xFFFFF380  }
0x1b8: {  	_ =	swait.ge [sflag:s19], $0xC80  }
0x1b9: {  	[sflag:s19] =	ssyncset.done $0x0  }
0x1ba: {  	[sflag:s19] =	ssyncadd.s32 $0xFFFFF380  }
0x1bb: {  	_ =	swait.ge [sflag:s19], $0xC80  }
0x1bc: {  	[sflag:s19] =	ssyncset.done $0x0  }
0x1bd: {  	[sflag:s19] =	ssyncadd.s32 $0xFFFFF380  }
0x1be: {  	_ =	swait.ge [sflag:s19], $0xC80  }
0x1bf: {  	[sflag:s19] =	ssyncset.done $0x0  }
0x1c0: {  	s11 =	sadd.s32 $0x2580, s8;
	[sflag:s19] =	ssyncadd.s32 $0xFFFFF380  }
0x1c1: {  	[hbm4b:s11+s2] =	stream.linear.scatter [tilespmem:s15], [sflag:$0xB], $0x3200, $0x38;
	[tilespmem:$0x6B00] =	vst v63  }
0x1c2: {  	_ =	swait.ge [sflag:s4], $0xE0  }
0x1c3: {  	[sflag:s4] =	ssyncset.done $0x0  }
0x1c4: {  	[sflag:s4] =	ssyncadd.s32 $0xFFFFFF20  }
0x1c5: {  	_ =	swait.ge [sflag:s30], $0x3200  }
0x1c6: {  	[sflag:s30] =	ssyncset.done $0x0  }
0x1c7: {  	[sflag:s30] =	ssyncadd.s32 $0xFFFFCE00  }
0x1c8: {  	[tilespmem:s21], [sflag:$0xA] =	stream.indirect.gather [hbm4b:s3+s14], $0x40, s31, s14, $0xb8;
	[tilespmem:$0x6B00] =	vst v63  }
0x1c9: {  	s12 =	rddreg [dreg:$0x19]  }
0x1ca: {  	[tilespmem:s22], [sflag:$0xA] =	stream.indirect.gather [hbm4b:s3+s14], $0x40, s12, s14, $0xb8;
	[tilespmem:$0x6B00] =	vst v63  }
0x1cb: {  	s13 =	rddreg [dreg:$0x1a]  }
0x1cc: {  	[tilespmem:s23], [sflag:$0xA] =	stream.indirect.gather [hbm4b:s3+s14], $0x40, s13, s14, $0xb8;
	[tilespmem:$0x6B00] =	vst v63  }
0x1cd: {  	s20 =	rddreg [dreg:$0x1b]  }
0x1ce: {  	[tilespmem:s24], [sflag:$0xA] =	stream.indirect.gather [hbm4b:s3+s14], $0x40, s20, s14, $0xb8;
	[tilespmem:$0x6B00] =	vst v63  }
0x1cf: {  	_ =	swait.ge [sflag:s25], $0xC80  }
0x1d0: {  	[sflag:s25] =	ssyncset.done $0x0  }
0x1d1: {  	[sflag:s25] =	ssyncadd.s32 $0xFFFFF380  }
0x1d2: {  	_ =	swait.ge [sflag:s25], $0xC80  }
0x1d3: {  	[sflag:s25] =	ssyncset.done $0x0  }
0x1d4: {  	[sflag:s25] =	ssyncadd.s32 $0xFFFFF380  }
0x1d5: {  	_ =	swait.ge [sflag:s25], $0xC80  }
0x1d6: {  	[sflag:s25] =	ssyncset.done $0x0  }
0x1d7: {  	[sflag:s25] =	ssyncadd.s32 $0xFFFFF380  }
0x1d8: {  	_ =	swait.ge [sflag:s25], $0xC80  }
0x1d9: {  	[sflag:s25] =	ssyncset.done $0x0  }
0x1da: {  	p0 =	sne.s32 s7, $0x2EE00;
	s8 =	sadd.s32 $0x2BC0, s8;
	[sflag:s25] =	ssyncadd.s32 $0xFFFFF380  }
0x1db: {  	[hbm4b:s8+s2] =	stream.linear.scatter [tilespmem:s21], [sflag:$0xC], $0x3200, $0x38;
	[tilespmem:$0x6B00] =	vst v63  }
.Ltmp0:
0x1dc: {  	_ =	swait.ge [sflag:s28], $0x3200;
	(pc) =	sbr.rel @p0 .LBB2_2-.Ltmp0, $4  }
0x1dd: {  	[sflag:s28] =	ssyncset.done $0x0  }
0x1de: {  	[sflag:s28] =	ssyncadd.s32 $0xFFFFCE00  }
0x1df: {  	_ =	swait.ge [sflag:s30], $0x3200  }
0x1e0: {  	s7 =	sadd.s32 $0x3200, s7;
	s6 =	sadd.s32 $0xE0, s6;
	[sflag:s30] =	ssyncset.done $0x0  }
0x1e1: {  	s7 =	sadd.s32 $0xFFFFFF3C, s6;
	[sflag:s30] =	ssyncadd.s32 $0xFFFFCE00  }
0x1e2: {  	[tilespmem:s2], [sflag:$0x1] =	stream.linear.gather [hbm4b:s7+s2], $0xE0, $0x38;
	[tilespmem:$0x6B00] =	vst v63  }
0x1e3: {  	s9 =	sadd.s32 $0xFFFFFF58, s6;
	s8 =	simm.s32 $0xE0  }
0x1e4: {  	[tilespmem:s8], [sflag:$0x2] =	stream.linear.gather [hbm4b:s9+s2], $0xE0, $0x38;
	[tilespmem:$0x6B00] =	vst v63  }
0x1e5: {  	s10 =	sadd.s32 $0xFFFFFF74, s6;
	s9 =	simm.s32 $0x1C0  }
0x1e6: {  	[tilespmem:s9], [sflag:$0x3] =	stream.linear.gather [hbm4b:s10+s2], $0xE0, $0x38;
	[tilespmem:$0x6B00] =	vst v63  }
0x1e7: {  	s11 =	sadd.s32 $0xFFFFFF90, s6;
	s10 =	simm.s32 $0x2A0  }
0x1e8: {  	[tilespmem:s10], [sflag:$0x4] =	stream.linear.gather [hbm4b:s11+s2], $0xE0, $0x38;
	[tilespmem:$0x6B00] =	vst v63  }
0x1e9: {  	s12 =	sadd.s32 $0xFFFFFFAC, s6;
	s11 =	simm.s32 $0x380  }
0x1ea: {  	[tilespmem:s11], [sflag:$0x5] =	stream.linear.gather [hbm4b:s12+s2], $0xE0, $0x38;
	[tilespmem:$0x6B00] =	vst v63  }
0x1eb: {  	s13 =	sadd.s32 $0xFFFFFFC8, s6;
	s12 =	simm.s32 $0x460  }
0x1ec: {  	[tilespmem:s12], [sflag:$0x6] =	stream.linear.gather [hbm4b:s13+s2], $0xE0, $0x38;
	[tilespmem:$0x6B00] =	vst v63  }
0x1ed: {  	s20 =	sadd.s32 $0xFFFFFFE4, s6;
	s13 =	simm.s32 $0x540  }
0x1ee: {  	[tilespmem:s13], [sflag:$0x7] =	stream.linear.gather [hbm4b:s20+s2], $0xE0, $0x38;
	[tilespmem:$0x6B00] =	vst v63  }
0x1ef: {  	s7 =	simm.s32 $0x1;
	s20 =	simm.s32 $0x620  }
0x1f0: {  	[tilespmem:s20], [sflag:$0x8] =	stream.linear.gather [hbm4b:s6+s2], $0xE0, $0x38;
	[tilespmem:$0x6B00] =	vst v63  }
0x1f1: {  	_ =	swait.ge [sflag:s7], $0xE0  }
0x1f2: {  	[sflag:s7] =	ssyncset.done $0x0  }
0x1f3: {  	[sflag:s7] =	ssyncadd.s32 $0xFFFFFF20  }
0x1f4: {  	[tilespmem:s15], [sflag:$0x9] =	stream.indirect.gather [hbm4b:s3+s14], $0x40, s2, s14, $0xb8;
	[tilespmem:$0x6B00] =	vst v63  }
0x1f5: {  	s6 =	rddreg [dreg:$0x4]  }
0x1f6: {  	[tilespmem:s16], [sflag:$0x9] =	stream.indirect.gather [hbm4b:s3+s14], $0x40, s6, s14, $0xb8;
	[tilespmem:$0x6B00] =	vst v63  }
0x1f7: {  	s7 =	rddreg [dreg:$0x5]  }
0x1f8: {  	[tilespmem:s17], [sflag:$0x9] =	stream.indirect.gather [hbm4b:s3+s14], $0x40, s7, s14, $0xb8;
	[tilespmem:$0x6B00] =	vst v63  }
0x1f9: {  	s6 =	rddreg [dreg:$0x6]  }
0x1fa: {  	[tilespmem:s18], [sflag:$0x9] =	stream.indirect.gather [hbm4b:s3+s14], $0x40, s6, s14, $0xb8;
	[tilespmem:$0x6B00] =	vst v63  }
0x1fb: {  	_ =	swait.ge [sflag:s19], $0xC80  }
0x1fc: {  	[sflag:s19] =	ssyncset.done $0x0  }
0x1fd: {  	[sflag:s19] =	ssyncadd.s32 $0xFFFFF380  }
0x1fe: {  	_ =	swait.ge [sflag:s19], $0xC80  }
0x1ff: {  	[sflag:s19] =	ssyncset.done $0x0  }
0x200: {  	[sflag:s19] =	ssyncadd.s32 $0xFFFFF380  }
0x201: {  	_ =	swait.ge [sflag:s19], $0xC80  }
0x202: {  	[sflag:s19] =	ssyncset.done $0x0  }
0x203: {  	[sflag:s19] =	ssyncadd.s32 $0xFFFFF380  }
0x204: {  	_ =	swait.ge [sflag:s19], $0xC80  }
0x205: {  	s7 =	rddreg [dreg:$0x3];
	[sflag:s19] =	ssyncset.done $0x0  }
0x206: {  	[sflag:s19] =	ssyncadd.s32 $0xFFFFF380;
	s5 =	sadd.s32 s5, s7;
	s7 =	simm.s32 $0x2  }
0x207: {  	[hbm4b:s5+s2] =	stream.linear.scatter [tilespmem:s15], [sflag:$0xB], $0x3200, $0x38;
	[tilespmem:$0x6B00] =	vst v63  }
0x208: {  	_ =	swait.ge [sflag:s7], $0xE0  }
0x209: {  	[sflag:s7] =	ssyncset.done $0x0  }
0x20a: {  	[sflag:s7] =	ssyncadd.s32 $0xFFFFFF20  }
0x20b: {  	[tilespmem:s21], [sflag:$0xA] =	stream.indirect.gather [hbm4b:s3+s14], $0x40, s8, s14, $0xb8;
	[tilespmem:$0x6B00] =	vst v63  }
0x20c: {  	s6 =	rddreg [dreg:$0x7]  }
0x20d: {  	[tilespmem:s22], [sflag:$0xA] =	stream.indirect.gather [hbm4b:s3+s14], $0x40, s6, s14, $0xb8;
	[tilespmem:$0x6B00] =	vst v63  }
0x20e: {  	s7 =	rddreg [dreg:$0x8]  }
0x20f: {  	[tilespmem:s23], [sflag:$0xA] =	stream.indirect.gather [hbm4b:s3+s14], $0x40, s7, s14, $0xb8;
	[tilespmem:$0x6B00] =	vst v63  }
0x210: {  	s8 =	rddreg [dreg:$0x9]  }
0x211: {  	[tilespmem:s24], [sflag:$0xA] =	stream.indirect.gather [hbm4b:s3+s14], $0x40, s8, s14, $0xb8;
	[tilespmem:$0x6B00] =	vst v63  }
0x212: {  	_ =	swait.ge [sflag:s25], $0xC80  }
0x213: {  	[sflag:s25] =	ssyncset.done $0x0  }
0x214: {  	[sflag:s25] =	ssyncadd.s32 $0xFFFFF380  }
0x215: {  	_ =	swait.ge [sflag:s25], $0xC80  }
0x216: {  	[sflag:s25] =	ssyncset.done $0x0  }
0x217: {  	[sflag:s25] =	ssyncadd.s32 $0xFFFFF380  }
0x218: {  	_ =	swait.ge [sflag:s25], $0xC80  }
0x219: {  	[sflag:s25] =	ssyncset.done $0x0  }
0x21a: {  	[sflag:s25] =	ssyncadd.s32 $0xFFFFF380  }
0x21b: {  	_ =	swait.ge [sflag:s25], $0xC80  }
0x21c: {  	[sflag:s25] =	ssyncset.done $0x0  }
0x21d: {  	s7 =	simm.s32 $0x3;
	s8 =	sadd.s32 $0x640, s5;
	[sflag:s25] =	ssyncadd.s32 $0xFFFFF380  }
0x21e: {  	[hbm4b:s8+s2] =	stream.linear.scatter [tilespmem:s21], [sflag:$0xC], $0x3200, $0x38;
	[tilespmem:$0x6B00] =	vst v63  }
0x21f: {  	_ =	swait.ge [sflag:s7], $0xE0  }
0x220: {  	[sflag:s7] =	ssyncset.done $0x0  }
0x221: {  	[sflag:s7] =	ssyncadd.s32 $0xFFFFFF20  }
0x222: {  	_ =	swait.ge [sflag:s28], $0x3200  }
0x223: {  	[sflag:s28] =	ssyncset.done $0x0  }
0x224: {  	[sflag:s28] =	ssyncadd.s32 $0xFFFFCE00  }
0x225: {  	[tilespmem:s15], [sflag:$0x9] =	stream.indirect.gather [hbm4b:s3+s14], $0x40, s9, s14, $0xb8;
	[tilespmem:$0x6B00] =	vst v63  }
0x226: {  	s8 =	rddreg [dreg:$0xa]  }
0x227: {  	[tilespmem:s16], [sflag:$0x9] =	stream.indirect.gather [hbm4b:s3+s14], $0x40, s8, s14, $0xb8;
	[tilespmem:$0x6B00] =	vst v63  }
0x228: {  	s9 =	rddreg [dreg:$0xb]  }
0x229: {  	[tilespmem:s17], [sflag:$0x9] =	stream.indirect.gather [hbm4b:s3+s14], $0x40, s9, s14, $0xb8;
	[tilespmem:$0x6B00] =	vst v63  }
0x22a: {  	s8 =	rddreg [dreg:$0xc]  }
0x22b: {  	[tilespmem:s18], [sflag:$0x9] =	stream.indirect.gather [hbm4b:s3+s14], $0x40, s8, s14, $0xb8;
	[tilespmem:$0x6B00] =	vst v63  }
0x22c: {  	_ =	swait.ge [sflag:s19], $0xC80  }
0x22d: {  	[sflag:s19] =	ssyncset.done $0x0  }
0x22e: {  	[sflag:s19] =	ssyncadd.s32 $0xFFFFF380  }
0x22f: {  	_ =	swait.ge [sflag:s19], $0xC80  }
0x230: {  	[sflag:s19] =	ssyncset.done $0x0  }
0x231: {  	[sflag:s19] =	ssyncadd.s32 $0xFFFFF380  }
0x232: {  	_ =	swait.ge [sflag:s19], $0xC80  }
0x233: {  	[sflag:s19] =	ssyncset.done $0x0  }
0x234: {  	[sflag:s19] =	ssyncadd.s32 $0xFFFFF380  }
0x235: {  	_ =	swait.ge [sflag:s19], $0xC80  }
0x236: {  	[sflag:s19] =	ssyncset.done $0x0  }
0x237: {  	s7 =	simm.s32 $0x4;
	s9 =	sadd.s32 $0xC80, s5;
	[sflag:s19] =	ssyncadd.s32 $0xFFFFF380  }
0x238: {  	[hbm4b:s9+s2] =	stream.linear.scatter [tilespmem:s15], [sflag:$0xB], $0x3200, $0x38;
	[tilespmem:$0x6B00] =	vst v63  }
0x239: {  	_ =	swait.ge [sflag:s7], $0xE0  }
0x23a: {  	[sflag:s7] =	ssyncset.done $0x0  }
0x23b: {  	[sflag:s7] =	ssyncadd.s32 $0xFFFFFF20  }
0x23c: {  	_ =	swait.ge [sflag:s30], $0x3200  }
0x23d: {  	[sflag:s30] =	ssyncset.done $0x0  }
0x23e: {  	[sflag:s30] =	ssyncadd.s32 $0xFFFFCE00  }
0x23f: {  	[tilespmem:s21], [sflag:$0xA] =	stream.indirect.gather [hbm4b:s3+s14], $0x40, s10, s14, $0xb8;
	[tilespmem:$0x6B00] =	vst v63  }
0x240: {  	s8 =	rddreg [dreg:$0xd]  }
0x241: {  	[tilespmem:s22], [sflag:$0xA] =	stream.indirect.gather [hbm4b:s3+s14], $0x40, s8, s14, $0xb8;
	[tilespmem:$0x6B00] =	vst v63  }
0x242: {  	s9 =	rddreg [dreg:$0xe]  }
0x243: {  	[tilespmem:s23], [sflag:$0xA] =	stream.indirect.gather [hbm4b:s3+s14], $0x40, s9, s14, $0xb8;
	[tilespmem:$0x6B00] =	vst v63  }
0x244: {  	s10 =	rddreg [dreg:$0xf]  }
0x245: {  	[tilespmem:s24], [sflag:$0xA] =	stream.indirect.gather [hbm4b:s3+s14], $0x40, s10, s14, $0xb8;
	[tilespmem:$0x6B00] =	vst v63  }
0x246: {  	_ =	swait.ge [sflag:s25], $0xC80  }
0x247: {  	[sflag:s25] =	ssyncset.done $0x0  }
0x248: {  	[sflag:s25] =	ssyncadd.s32 $0xFFFFF380  }
0x249: {  	_ =	swait.ge [sflag:s25], $0xC80  }
0x24a: {  	[sflag:s25] =	ssyncset.done $0x0  }
0x24b: {  	[sflag:s25] =	ssyncadd.s32 $0xFFFFF380  }
0x24c: {  	_ =	swait.ge [sflag:s25], $0xC80  }
0x24d: {  	[sflag:s25] =	ssyncset.done $0x0  }
0x24e: {  	[sflag:s25] =	ssyncadd.s32 $0xFFFFF380  }
0x24f: {  	_ =	swait.ge [sflag:s25], $0xC80  }
0x250: {  	[sflag:s25] =	ssyncset.done $0x0  }
0x251: {  	s7 =	sadd.s32 $0x12C0, s5;
	s8 =	simm.s32 $0x5;
	[sflag:s25] =	ssyncadd.s32 $0xFFFFF380  }
0x252: {  	[hbm4b:s7+s2] =	stream.linear.scatter [tilespmem:s21], [sflag:$0xC], $0x3200, $0x38;
	[tilespmem:$0x6B00] =	vst v63  }
0x253: {  	_ =	swait.ge [sflag:s8], $0xE0  }
0x254: {  	[sflag:s8] =	ssyncset.done $0x0  }
0x255: {  	[sflag:s8] =	ssyncadd.s32 $0xFFFFFF20  }
0x256: {  	_ =	swait.ge [sflag:s28], $0x3200  }
0x257: {  	[sflag:s28] =	ssyncset.done $0x0  }
0x258: {  	[sflag:s28] =	ssyncadd.s32 $0xFFFFCE00  }
0x259: {  	[tilespmem:s15], [sflag:$0x9] =	stream.indirect.gather [hbm4b:s3+s14], $0x40, s11, s14, $0xb8;
	[tilespmem:$0x6B00] =	vst v63  }
0x25a: {  	s9 =	rddreg [dreg:$0x10]  }
0x25b: {  	[tilespmem:s16], [sflag:$0x9] =	stream.indirect.gather [hbm4b:s3+s14], $0x40, s9, s14, $0xb8;
	[tilespmem:$0x6B00] =	vst v63  }
0x25c: {  	s10 =	rddreg [dreg:$0x11]  }
0x25d: {  	[tilespmem:s17], [sflag:$0x9] =	stream.indirect.gather [hbm4b:s3+s14], $0x40, s10, s14, $0xb8;
	[tilespmem:$0x6B00] =	vst v63  }
0x25e: {  	s11 =	rddreg [dreg:$0x12]  }
0x25f: {  	[tilespmem:s18], [sflag:$0x9] =	stream.indirect.gather [hbm4b:s3+s14], $0x40, s11, s14, $0xb8;
	[tilespmem:$0x6B00] =	vst v63  }
0x260: {  	_ =	swait.ge [sflag:s19], $0xC80  }
0x261: {  	[sflag:s19] =	ssyncset.done $0x0  }
0x262: {  	[sflag:s19] =	ssyncadd.s32 $0xFFFFF380  }
0x263: {  	_ =	swait.ge [sflag:s19], $0xC80  }
0x264: {  	[sflag:s19] =	ssyncset.done $0x0  }
0x265: {  	[sflag:s19] =	ssyncadd.s32 $0xFFFFF380  }
0x266: {  	_ =	swait.ge [sflag:s19], $0xC80  }
0x267: {  	[sflag:s19] =	ssyncset.done $0x0  }
0x268: {  	[sflag:s19] =	ssyncadd.s32 $0xFFFFF380  }
0x269: {  	_ =	swait.ge [sflag:s19], $0xC80  }
0x26a: {  	[sflag:s19] =	ssyncset.done $0x0  }
0x26b: {  	s7 =	sadd.s32 $0x1900, s5;
	[sflag:s19] =	ssyncadd.s32 $0xFFFFF380  }
0x26c: {  	[hbm4b:s7+s2] =	stream.linear.scatter [tilespmem:s15], [sflag:$0xB], $0x3200, $0x38;
	[tilespmem:$0x6B00] =	vst v63  }
0x26d: {  	_ =	swait.ge [sflag:s0], $0xE0  }
0x26e: {  	[sflag:s0] =	ssyncset.done $0x0  }
0x26f: {  	[sflag:s0] =	ssyncadd.s32 $0xFFFFFF20  }
0x270: {  	_ =	swait.ge [sflag:s30], $0x3200  }
0x271: {  	[sflag:s30] =	ssyncset.done $0x0  }
0x272: {  	[sflag:s30] =	ssyncadd.s32 $0xFFFFCE00  }
0x273: {  	[tilespmem:s21], [sflag:$0xA] =	stream.indirect.gather [hbm4b:s3+s14], $0x40, s12, s14, $0xb8;
	[tilespmem:$0x6B00] =	vst v63  }
0x274: {  	s8 =	rddreg [dreg:$0x13]  }
0x275: {  	[tilespmem:s22], [sflag:$0xA] =	stream.indirect.gather [hbm4b:s3+s14], $0x40, s8, s14, $0xb8;
	[tilespmem:$0x6B00] =	vst v63  }
0x276: {  	s9 =	rddreg [dreg:$0x14]  }
0x277: {  	[tilespmem:s23], [sflag:$0xA] =	stream.indirect.gather [hbm4b:s3+s14], $0x40, s9, s14, $0xb8;
	[tilespmem:$0x6B00] =	vst v63  }
0x278: {  	s10 =	rddreg [dreg:$0x15]  }
0x279: {  	[tilespmem:s24], [sflag:$0xA] =	stream.indirect.gather [hbm4b:s3+s14], $0x40, s10, s14, $0xb8;
	[tilespmem:$0x6B00] =	vst v63  }
0x27a: {  	_ =	swait.ge [sflag:s25], $0xC80  }
0x27b: {  	[sflag:s25] =	ssyncset.done $0x0  }
0x27c: {  	[sflag:s25] =	ssyncadd.s32 $0xFFFFF380  }
0x27d: {  	_ =	swait.ge [sflag:s25], $0xC80  }
0x27e: {  	[sflag:s25] =	ssyncset.done $0x0  }
0x27f: {  	[sflag:s25] =	ssyncadd.s32 $0xFFFFF380  }
0x280: {  	_ =	swait.ge [sflag:s25], $0xC80  }
0x281: {  	[sflag:s25] =	ssyncset.done $0x0  }
0x282: {  	[sflag:s25] =	ssyncadd.s32 $0xFFFFF380  }
0x283: {  	_ =	swait.ge [sflag:s25], $0xC80  }
0x284: {  	[sflag:s25] =	ssyncset.done $0x0  }
0x285: {  	s11 =	sadd.s32 $0x1F40, s5;
	[sflag:s25] =	ssyncadd.s32 $0xFFFFF380  }
0x286: {  	[hbm4b:s11+s2] =	stream.linear.scatter [tilespmem:s21], [sflag:$0xC], $0x3200, $0x38;
	[tilespmem:$0x6B00] =	vst v63  }
0x287: {  	_ =	swait.ge [sflag:s1], $0xE0  }
0x288: {  	[sflag:s1] =	ssyncset.done $0x0  }
0x289: {  	[sflag:s1] =	ssyncadd.s32 $0xFFFFFF20  }
0x28a: {  	_ =	swait.ge [sflag:s28], $0x3200  }
0x28b: {  	[sflag:s28] =	ssyncset.done $0x0  }
0x28c: {  	[sflag:s28] =	ssyncadd.s32 $0xFFFFCE00  }
0x28d: {  	[tilespmem:s15], [sflag:$0x9] =	stream.indirect.gather [hbm4b:s3+s14], $0x40, s13, s14, $0xb8;
	[tilespmem:$0x6B00] =	vst v63  }
0x28e: {  	s12 =	rddreg [dreg:$0x16]  }
0x28f: {  	[tilespmem:s16], [sflag:$0x9] =	stream.indirect.gather [hbm4b:s3+s14], $0x40, s12, s14, $0xb8;
	[tilespmem:$0x6B00] =	vst v63  }
0x290: {  	s13 =	rddreg [dreg:$0x17]  }
0x291: {  	[tilespmem:s17], [sflag:$0x9] =	stream.indirect.gather [hbm4b:s3+s14], $0x40, s13, s14, $0xb8;
	[tilespmem:$0x6B00] =	vst v63  }
0x292: {  	s8 =	rddreg [dreg:$0x18]  }
0x293: {  	[tilespmem:s18], [sflag:$0x9] =	stream.indirect.gather [hbm4b:s3+s14], $0x40, s8, s14, $0xb8;
	[tilespmem:$0x6B00] =	vst v63  }
0x294: {  	_ =	swait.ge [sflag:s19], $0xC80  }
0x295: {  	[sflag:s19] =	ssyncset.done $0x0  }
0x296: {  	[sflag:s19] =	ssyncadd.s32 $0xFFFFF380  }
0x297: {  	_ =	swait.ge [sflag:s19], $0xC80  }
0x298: {  	[sflag:s19] =	ssyncset.done $0x0  }
0x299: {  	[sflag:s19] =	ssyncadd.s32 $0xFFFFF380  }
0x29a: {  	_ =	swait.ge [sflag:s19], $0xC80  }
0x29b: {  	[sflag:s19] =	ssyncset.done $0x0  }
0x29c: {  	[sflag:s19] =	ssyncadd.s32 $0xFFFFF380  }
0x29d: {  	_ =	swait.ge [sflag:s19], $0xC80  }
0x29e: {  	[sflag:s19] =	ssyncset.done $0x0  }
0x29f: {  	s9 =	sadd.s32 $0x2580, s5;
	[sflag:s19] =	ssyncadd.s32 $0xFFFFF380  }
0x2a0: {  	[hbm4b:s9+s2] =	stream.linear.scatter [tilespmem:s15], [sflag:$0xB], $0x3200, $0x38;
	[tilespmem:$0x6B00] =	vst v63  }
0x2a1: {  	_ =	swait.ge [sflag:s4], $0xE0  }
0x2a2: {  	[sflag:s4] =	ssyncset.done $0x0  }
0x2a3: {  	[sflag:s4] =	ssyncadd.s32 $0xFFFFFF20  }
0x2a4: {  	_ =	swait.ge [sflag:s30], $0x3200  }
0x2a5: {  	[sflag:s30] =	ssyncset.done $0x0  }
0x2a6: {  	[sflag:s30] =	ssyncadd.s32 $0xFFFFCE00  }
0x2a7: {  	[tilespmem:s21], [sflag:$0xA] =	stream.indirect.gather [hbm4b:s3+s14], $0x40, s20, s14, $0xb8;
	[tilespmem:$0x6B00] =	vst v63  }
0x2a8: {  	s10 =	rddreg [dreg:$0x19]  }
0x2a9: {  	[tilespmem:s22], [sflag:$0xA] =	stream.indirect.gather [hbm4b:s3+s14], $0x40, s10, s14, $0xb8;
	[tilespmem:$0x6B00] =	vst v63  }
0x2aa: {  	s11 =	rddreg [dreg:$0x1a]  }
0x2ab: {  	[tilespmem:s23], [sflag:$0xA] =	stream.indirect.gather [hbm4b:s3+s14], $0x40, s11, s14, $0xb8;
	[tilespmem:$0x6B00] =	vst v63  }
0x2ac: {  	s12 =	rddreg [dreg:$0x1b]  }
0x2ad: {  	[tilespmem:s24], [sflag:$0xA] =	stream.indirect.gather [hbm4b:s3+s14], $0x40, s12, s14, $0xb8;
	[tilespmem:$0x6B00] =	vst v63  }
0x2ae: {  	_ =	swait.ge [sflag:s25], $0xC80  }
0x2af: {  	[sflag:s25] =	ssyncset.done $0x0  }
0x2b0: {  	[sflag:s25] =	ssyncadd.s32 $0xFFFFF380  }
0x2b1: {  	_ =	swait.ge [sflag:s25], $0xC80  }
0x2b2: {  	[sflag:s25] =	ssyncset.done $0x0  }
0x2b3: {  	[sflag:s25] =	ssyncadd.s32 $0xFFFFF380  }
0x2b4: {  	_ =	swait.ge [sflag:s25], $0xC80  }
0x2b5: {  	[sflag:s25] =	ssyncset.done $0x0  }
0x2b6: {  	[sflag:s25] =	ssyncadd.s32 $0xFFFFF380  }
0x2b7: {  	_ =	swait.ge [sflag:s25], $0xC80  }
0x2b8: {  	[sflag:s25] =	ssyncset.done $0x0  }
0x2b9: {  	s5 =	sadd.s32 $0x2BC0, s5;
	[sflag:s25] =	ssyncadd.s32 $0xFFFFF380  }
0x2ba: {  	[hbm4b:s5+s2] =	stream.linear.scatter [tilespmem:s21], [sflag:$0xC], $0x3200, $0x38;
	[tilespmem:$0x6B00] =	vst v63  }
0x2bb: {  	_ =	swait.ge [sflag:s28], $0x3200  }
0x2bc: {  	[sflag:s28] =	ssyncset.done $0x0  }
0x2bd: {  	[sflag:s28] =	ssyncadd.s32 $0xFFFFCE00  }
0x2be: {  	_ =	swait.ge [sflag:s30], $0x3200  }
0x2bf: {  	s13 =	rddreg [dreg:$0x1e]  }
0x2c0: {  	s20 =	rddreg [dreg:$0x1c];
	s6 =	sadd.s32 $0x1, s13  }
0x2c1: {  	p0 =	sne.s32 s6, s20  }
.Ltmp1:
0x2c2: {  	_ = 	snop;
	(pc) =	sbr.rel @p0 .LBB2_1-.Ltmp1, $3  }
0x2c3: {  	_ =	sdelay $0x1  }
0x2c4: {  	[sflag:s30] =	ssyncset.done $0x0  }
0x2c5: {  	[sflag:s30] =	ssyncadd.s32 $0xFFFFCE00  }
0x2c6: {  	_ =	sfence.sel $0x180000  }
0x2c7: {  	[bflag:$0x0] =	sbarrier.arrive $0xFFFF  }
0x2c8: {  	_ =	strace $0x90000047  }
0x2c9: {  	s0 =	stileid.u32;
	[bflag:$0x2] =	sbarrier.arrive $0xFFFF  }
0x2ca: {  	p0 =	sne.s32 s0, $0x0;
	s0 =	rddreg [dreg:$0x2]  }
0x2cb: {  	s0 =	sadd.s32 @!p0 $0x100000, s0  }
0x2cc: {  	[sflag:s0] =	ssyncadd.tile.s32 @!p0 $0x1;
	_ =	shalt  }
.Lfunc_end2:
_tile_overlayer_lowered:
.L_overlay_start_2:
0x2cd: {  	(tag) =	ssettag $0x2  }
0x2ce: {  	s0 =	rddreg [dreg:$0x0];
	s2 =	stileid.u32  }
0x2cf: {  	s1 =	rddreg [dreg:$0x1];
	p0 =	sne.s32 s2, $0x0  }
0x2d0: {  	s3 =	rddreg [dreg:$0x2];
	[bflag:$0x3] =	sbarrier.arrive $0xFFFF;
	s2 =	simm.s32 @!p0 $0x1C0D  }
0x2d1: {  	[timem:s3], [sflag:s2] =	dma.local @!p0 [hbm:s0], s1  }
0x2d2: {  	s0 =	simm.s32 @!p0 $0xD  }
0x2d3: {  	_ =	swait.ge @!p0 [sflag:s0], s1  }
0x2d4: {  	s1 =	ssub.s32 @!p0 $0x0, s1;
	[sflag:s0] =	ssyncset.done @!p0 $0x0  }
0x2d5: {  	[sflag:s0] =	ssyncadd.s32 @!p0 s1  }
0x2d6: {  	[bflag:$0x3] =	sbarrier.arrive $0xFFFF  }
0x2d7: {  	_ =	shalt  }

// kernel: sparse-core-data-format-call.cloned.1.call-start
scs
called_computation_lowered:
.L_overlay_start_0:
0x0: {  	s2 =	sld [smem:$0x3FD9]  }
0x1: {  	s3 =	sld [smem:$0x3FFE];
	_ =	sdelay $0x1  }
0x2: {  	s1 =	srdreg.scid  }
0x3: {  	s0 =	sand.u32 $0x1, s1  }
0x4: {  	s18 =	sshll.u32 s0, $0xA;
	s2 =	sadd.s32 s3, s2  }
0x5: {  	s2 =	sadd.s32 s2, s18  }
0x6: {  	[smem:$0x3FC6] =	sst s2  }
0x7: {  	_ = 	snop  }
0x8: {  	s2 =	sld [smem:$0x3FD0];
	(tm) =	ssettm $0x1  }
0x9: {  	s19 =	sld [smem:$0x3FFB];
	_ =	sdelay $0x3  }
0xa: {  	_ =	strace s19  }
0xb: {  	s3 =	sld [smem:$0x3FFC];
	_ =	sdelay $0x3  }
0xc: {  	_ =	strace s3  }
0xd: {  	s3 =	sld [smem:$0x3FFD];
	_ =	sdelay $0x3  }
0xe: {  	_ =	strace s3  }
0xf: {  	_ =	strace $0x8FFFFFFF  }
0x10: {  	s20 =	sld [smem:$0x3FDB];
	_ =	sdelay $0x1  }
0x11: {  	s4 =	simm.s32 $_scs_section_size  }
0x12: {  	s5 =	simm.s32 $_size__tile_overlayer_lowered;
	s6 =	simm.s32 $_tile_overlayer_lowered  }
0x13: {  	s23 =	simm.s32 $0x1BFF;
	s22 =	sshll.u32 s6, $0x1;
	s3 =	sadd.s32 s4, s20  }
0x14: {  	s7 =	simm.s32 $0x0;
	s21 =	sshll.u32 s5, $0x1;
	s5 =	sadd.s32 s22, s3  }
0x15: {  	[timem:s7], [sflag:s23] =	dma.local [hbm:s5], s21  }
0x16: {  	_ =	swait.ge [sflag:s23], s21  }
0x17: {  	s4 =	ssub.s32 $0x0, s21;
	[sflag:s23] =	ssyncset.done $0x0  }
0x18: {  	[sflag:s23] =	ssyncadd.s32 s4;
	_ =	sdelay $0x1  }
0x19: {  	s24 =	simm.s32 $0x1B8B  }
0x1a: {  	_ =	swait.ge [sflag:s24], $0x1  }
0x1b: {  	[sflag:s24] =	ssyncset.done $0x0  }
0x1c: {  	s26 =	simm.s32 $0x1B8E;
	s25 =	sld [smem:$0x3FFE];
	[sflag:s24] =	ssyncadd.s32 $0xFFFFFFFF  }
0x1d: {  	s27 =	simm.s32 $execute0_lowered;
	[smem:$0x3FD2] =	sst s26  }
0x1e: {  	s5 =	sshll.u32 s27, $0x1;
	_ =	strace $0x80000049;
	[dreg:$0x1] =	wrdreg $0xFFFFFFFF  }
0x1f: {  	s28 =	simm.s32 $_size_execute0_lowered;
	s3 =	sadd.s32 s3, s5;
	[dreg:$0x0] =	wrdreg $0x0  }
0x20: {  	s5 =	sshll.u32 s28, $0x1;
	[dreg:$0x2] =	wrdreg s3  }
0x21: {  	[dreg:$0x3] =	wrdreg s5  }
0x22: {  	[dreg:$0x4] =	wrdreg $0xC0  }
0x23: {  	_ =	task [dreg:s7], $0x5FFFF  }
0x24: {  	[dreg:$0x1] =	wrdreg $0xFFFFFFFF  }
0x25: {  	[dreg:$0x0] =	wrdreg $0x60  }
0x26: {  	[dreg:$0x2] =	wrdreg s25  }
0x27: {  	[dreg:$0x3] =	wrdreg s2  }
0x28: {  	[dreg:$0x4] =	wrdreg $0x9  }
0x29: {  	_ =	task.clear_ibuf [dreg:s7], $0x5FFFF;
	_ =	strace $0x90000049  }
0x2a: {  	s29 =	simm.s32 $0x9;
	_ =	strace $0x8000004B  }
0x2b: {  	_ =	swait.ge [sflag:s29], $0x1  }
0x2c: {  	[sflag:s29] =	ssyncadd.s32 $0xFFFFFFFF  }
0x2d: {  	_ =	strace $0x9000004B  }
0x2e: {  	_ =	sfence  }
0x2f: {  	s30 =	sld [smem:$0x0];
	_ =	sdelay $0x2  }
0x30: {  	s31 =	sshll.u32 s1, $0xD;
	s1 =	sshrl.u32 s1, $0x2  }
0x31: {  	s3 =	sand.u32 $0x4000, s31;
	s1 =	sadd.s32 s1, s30  }
0x32: {  	s0 =	sor.u32 s3, s0;
	s1 =	sshll.u32 s1, $0x11  }
0x33: {  	s0 =	sor.u32 s1, s0  }
0x34: {  	s0 =	sadd.s32 $0x8F2B, s0  }
0x35: {  	[sflag:s0] =	ssyncadd.remote.s32 $0x1  }
0x36: {  	_ =	sfence.sel $0xFFFF  }
0x37: {  	[dreg:$0x0] =	wrdreg $0xFFFFFFFF;
	(pc) =	sbr.abs _section_cstart, $3  }
0x38: {  	[dreg:$0x1] =	wrdreg $0xFFFFFFFF  }
0x39: {  	_ =	task.clear_ibuf [dreg:s7], $0x2FFFF;
	_ =	strace $0x9FFFFFFF  }
0x3a: {  	(tm) =	ssettm $0x7FFFFFFF  }
0x3b: {  	_ =	shalt  }
tec
execute0_lowered:
.L_overlay_start_1:
0x0: {  	(tag) =	ssettag $0x1  }
0x1: {  	s0 =	srdreg.scid  }
0x2: {  	s1 =	sshll.u32 s0, $0x4  }
0x3: {  	s0 =	stileid.u32;
	s1 =	sand.u32 $0x10, s1  }
0x4: {  	s1 =	sor.u32 s0, s1  }
0x5: {  	s6 =	rddreg [dreg:$0x0];
	s4 =	simm.s32 $0x1;
	s2 =	sshll.u32 s1, $0x7  }
0x6: {  	s7 =	simm.s32 $0x2;
	s12 =	simm.s32 $0x0;
	s1 =	ssub.s32 $0x4000, s2  }
0x7: {  	s8 =	simm.s32 $0x20000;
	s13 =	simm.s32 $0x0;
	s3 =	sand.u32 $0xF80, s1  }
0x8: {  	s9 =	simm.s32 $0x0;
	s5 =	sshrl.u32 s1, $0xC;
	p0 =	sne.s32 s3, $0x0  }
.Ltmp0:
0x9: {  	s1 =	rddreg [dreg:$0x2];
	s4 =	simm.s32 @!p0 $0x0;
	(pc) =	sbr.rel .LBB1_1-.Ltmp0, $4  }
0xa: {  	s11 =	simm.s32 $0x0;
	s3 =	rddreg [dreg:$0x1];
	s5 =	sadd.s32 s4, s5  }
0xb: {  	_ =	strace $0x8000004A;
	s4 =	simm.s32 $0x1;
	s5 =	smul.u32 $0x32, s5  }
0xc: {  	s6 =	sadd.s32 $0xA00, s6;
	s10 =	smov.u32 s2;
	[sflag:s4] =	ssyncpa.u1 $0x0  }
0xd: {  	p0 =	por $0x0, $0x0;
	[sflag:s7] =	ssyncpa.u1 $0x0;
	s7 =	sor.u32 $0x1, s5  }
.LBB1_4:
0xe: {  	s16 =	sshll.u32 s13, $0x3;
	s17 =	sand.u32 $0x78, s13  }
0xf: {  	s30 =	sand.u32 $0x1F800, s13;
	s12 =	sshll.u32 s12, $0x11;
	s16 =	sand.u32 $0x3C00, s16  }
0x10: {  	[tilespmem:s15+$0x810 ss:$0x81] =	vst.msk $0xffff, v2;
	s31 =	sand.u32 $0x7, s13;
	s16 =	sor.u32 s17, s16;
	s17 =	sadd.s32 s3, s30  }
0x11: {  	[tilespmem:s15+$0x1020 ss:$0x81] =	vst.msk $0xffff, v0;
	s13 =	sshll.u32 s31, $0x12;
	s12 =	sadd.s32 s12, s17;
	s16 =	sshrl.u32 s16, $0x3  }
0x12: {  	[tilespmem:s15+$0x0 ss:$0x81] =	vst.msk $0xffff, v1;
	s13 =	sor.u32 $0x400, s13;
	s12 =	sadd.s32 s16, s12  }
0x13: {  	[hbm4b:s12+s13] =	stream.strided.scatter [tilespmem:s14], [sflag:$0x2], $0x2000, s8, s13, $0x20;
	[tilespmem:$0x8080] =	vst v63  }
.LBB1_5:
0x14: {  	s14 =	sadd.s32 $0x1, s9  }
0x15: {  	s12 =	sadd.s32 $0x1000, s10;
	s16 =	smov.u32 s10;
	p2 =	sgt.s32 s14, $0x31  }
0x16: {  	s16 =	smov.u32 @p2 s12  }
0x17: {  	s14 =	simm.s32 @p2 $0x0;
	p2 =	sgt.s32 s16, $0x3FFF  }
0x18: {  	s16 =	smov.u32 @p2 s2;
	p2 =	sne.s32 s11, s7  }
.Ltmp1:
0x19: {  	p1 =	slt.u32 s11, $0x2;
	(pc) =	sbr.rel @!p2 .LBB1_6-.Ltmp1, $4  }
0x1a: {  	s15 =	simm.s32 @!p1 $0x2  }
0x1b: {  	s13 =	smov.u32 s10;
	p0 =	por !p0, !p0;
	_ =	swait.ge @!p1 [sflag:s15], $0x2000  }
0x1c: {  	s12 =	smov.u32 s9;
	[sflag:s15] =	ssyncset.done @!p1 $0x0;
	s9 =	smov.u32 s14  }
0x1d: {  	s11 =	sadd.s32 $0x1, s11;
	[sflag:s15] =	ssyncadd.s32 @!p1 $0xFFFFE000;
	s10 =	smov.u32 s16  }
.LBB1_1:
0x1e: {  	p1 =	sge.u32 s11, s5  }
0x1f: {  	s14 =	sand.u32 @!p1 $0x1FFFFFF, s9  }
0x20: {  	s15 =	smulhi.u32 @!p1 $0x4924925, s14;
	_ =	sdelay $0x1  }
0x21: {  	s15 =	smul.u32 @!p1 $0x38, s15  }
0x22: {  	s16 =	sxor.u32 @!p1 $0xFFFFFFFF, s11;
	s17 =	smul.u32 @!p1 $0x380, s10  }
0x23: {  	s31 =	sadd.s32 $0xFFFFFFFF, s11;
	s16 =	sshll.u32 @!p1 s16, $0xD;
	s14 =	ssub.s32 @!p1 s14, s15  }
0x24: {  	s15 =	sand.u32 @!p1 $0x2000, s16;
	s16 =	sadd.s32 @!p1 s6, s17;
	s14 =	sshll.u32 @!p1 s14, $0x4  }
0x25: {  	s17 =	simm.s32 @!p1 $0x1C00;
	s14 =	sadd.s32 @!p1 s14, s16;
	s16 =	simm.s32 @!p1 $0x40  }
0x26: {  	[tilespmem:s15], [sflag:$0x1] =	stream.strided.gather @!p1 [hbm4b:s14+s16], $0x2000, s17, s16, $0x38;
	[tilespmem:$0x8080] =	vst v63  }
0x27: {  	p1 =	sge.u32 s31, s5  }
.Ltmp2:
0x28: {  	_ = 	snop;
	(pc) =	sbr.rel @p1 .LBB1_5-.Ltmp2, $1  }
0x29: {  	_ =	sdelay $0x3  }
0x2a: {  	s14 =	simm.s32 $0x1  }
0x2b: {  	_ =	swait.ge [sflag:s4], $0x2000;
	s14 =	simm.s32 @!p0 $0x0  }
0x2c: {  	[sflag:s4] =	ssyncset.done $0x0;
	s15 =	sshll.u32 s14, $0xD  }
0x2d: {  	[sflag:s4] =	ssyncadd.s32 $0xFFFFE000;
	s18 =	sor.u32 $0x20, s15  }
0x2e: {  	s14 =	smul.u32 $0x8100, s14;
	v3 =	vld [tilespmem:s18+$0x10]  }
0x2f: {  	s30 =	sand.u32 $0x1, s11;
	v2 =	vld [tilespmem:s18+$0xFFFFFFF0]  }
0x30: {  	s15 =	smul.u32 $0x8100, s30;
	s14 =	sshrl.u32 s14, $0x2;
	v0 =	vld [tilespmem:s18+$0x0]  }
0x31: {  	v1 =	vld [tilespmem:s18+$0xFFFFFFE0];
	s16 =	sor.u32 $0x4000, s14  }
0x32: {  	s31 =	sshrl.u32 s15, $0x2;
	s15 =	sadd.s32 $0x0, s16  }
0x33: {  	s17 =	simm.s32 $0x4;
	s18 =	sadd.s32 $0x40, s18;
	s14 =	sor.u32 $0x4000, s31;
	[tilespmem:s15+$0x1830 ss:$0x81] =	vst.msk $0xffff, v3  }
.LBB1_3:
0x34: {  	v3 =	vld [tilespmem:s18+$0x10];
	p1 =	sne.s32 s17, $0x1FC;
	[tilespmem:s15+$0x810 ss:$0x81] =	vst.msk $0xffff, v2;
	s19 =	smov.u32 s17;
	s17 =	sadd.s32 $0x4, s17  }
.Ltmp3:
0x35: {  	v2 =	vld [tilespmem:s18+$0xFFFFFFF0];
	[tilespmem:s15+$0x1020 ss:$0x81] =	vst.msk $0xffff, v0;
	(pc) =	sbr.rel @p1 .LBB1_3-.Ltmp3, $4  }
0x36: {  	v0 =	vld [tilespmem:s18+$0x0];
	[tilespmem:s15+$0x0 ss:$0x81] =	vst.msk $0xffff, v1  }
0x37: {  	s15 =	sshra.s32 s19, $0x2;
	v1 =	vld [tilespmem:s18+$0xFFFFFFE0]  }
0x38: {  	s15 =	sadd.s32 s15, s16  }
0x39: {  	s18 =	sadd.s32 $0x40, s18;
	[tilespmem:s15+$0x1830 ss:$0x81] =	vst.msk $0xffff, v3  }
.Ltmp4:
0x3a: {  	_ = 	snop;
	(pc) =	sbr.rel .LBB1_4-.Ltmp4, $1  }
0x3b: {  	_ =	sdelay $0x3  }
.LBB1_6:
0x3c: {  	_ =	sfence.sel $0x180000  }
0x3d: {  	s2 =	simm.s32 $0x1;
	[bflag:$0x0] =	sbarrier.arrive $0xFFFF  }
0x3e: {  	s31 =	simm.s32 $0x2;
	[sflag:s2] =	ssyncpa.u1 $0x1  }
0x3f: {  	[sflag:s31] =	ssyncpa.u1 $0x1  }
0x40: {  	p0 =	sne.s32 s0, $0x0;
	_ =	strace $0x9000004A  }
0x41: {  	s0 =	sadd.s32 @!p0 $0x100000, s1;
	[bflag:$0x2] =	sbarrier.arrive $0xFFFF  }
0x42: {  	[sflag:s0] =	ssyncadd.tile.s32 @!p0 $0x1;
	_ =	shalt  }
.Lfunc_end1:
_tile_overlayer_lowered:
.L_overlay_start_2:
0x43: {  	(tag) =	ssettag $0x2  }
0x44: {  	s0 =	rddreg [dreg:$0x0];
	s2 =	stileid.u32  }
0x45: {  	s1 =	rddreg [dreg:$0x1];
	p0 =	sne.s32 s2, $0x0  }
0x46: {  	s3 =	rddreg [dreg:$0x2];
	[bflag:$0x3] =	sbarrier.arrive $0xFFFF;
	s2 =	simm.s32 @!p0 $0x1C01  }
0x47: {  	[timem:s3], [sflag:s2] =	dma.local @!p0 [hbm:s0], s1  }
0x48: {  	s0 =	simm.s32 @!p0 $0x1  }
0x49: {  	_ =	swait.ge @!p0 [sflag:s0], s1  }
0x4a: {  	s1 =	ssub.s32 @!p0 $0x0, s1;
	[sflag:s0] =	ssyncset.done @!p0 $0x0  }
0x4b: {  	[sflag:s0] =	ssyncadd.s32 @!p0 s1  }
0x4c: {  	[bflag:$0x3] =	sbarrier.arrive $0xFFFF  }
0x4d: {  	_ =	shalt  }

</sc_bundles>
